<compile_context>
chip_gen: v7x
topology: tpu7x:2x2x1
jax: 0.10.2.dev20260603
libtpu: 0.0.44.dev20260713+nightly
codegen_flags: <defaults>
</compile_context>

<pallas_src>
import functools

import jax
import jax.numpy as jnp
from jax import lax
from jax.experimental import pallas as pl
from jax.experimental.pallas import tpu as pltpu
from jax.experimental.pallas import tpu_sc as plsc

N_NODES = 10000
N_EDGES = 320000
D_FEAT = 128
D_EDGE = 16

NC, NS = 2, 16
NW = NC * NS
CHUNK = 128
N_CHUNKS = N_EDGES // CHUNK
SCAT_CPS = 80
SCAT_PAD_CHUNKS = NW * SCAT_CPS

G_CPW = -(-N_CHUNKS // NW)
G_CPW_PAD = G_CPW + (G_CPW % 2)
IDX_SPAN = G_CPW_PAD * CHUNK
IDX_PAD = (NW - 1) * G_CPW * CHUNK + IDX_SPAN
IDX_RING = 16
ROW_CHUNK = 40
N_ROW_CHUNKS = N_NODES // ROW_CHUNK
ROW_CPS = -(-N_ROW_CHUNKS // NS)

_VMESH = plsc.VectorSubcoreMesh(
    core_axis_name="c", subcore_axis_name="s", num_cores=NC, num_subcores=NS)


def _premix_body(x_ref, w_ref, s_ref, d_ref):
    p = jnp.dot(x_ref[...].astype(jnp.bfloat16), w_ref[0],
                preferred_element_type=jnp.float32)
    s_ref[...] = p[:, :D_FEAT]
    d_ref[...] = p[:, D_FEAT:]


def _premix(x_cat, w_stack):
    n_tile = 1000
    grid = (2 * N_NODES // n_tile,)
    node_spec = pl.BlockSpec((n_tile, D_FEAT), lambda t: (t, 0))
    w_spec = pl.BlockSpec((1, D_FEAT, 2 * D_FEAT), lambda t: (t // 10, 0, 0))
    out = jax.ShapeDtypeStruct((2 * N_NODES, D_FEAT), jnp.float32)
    return pl.pallas_call(
        _premix_body,
        grid=grid,
        in_specs=[node_spec, w_spec],
        out_specs=[node_spec] * 2,
        out_shape=[out] * 2,
    )(x_cat, w_stack)


@functools.partial(
    pl.kernel,
    out_type=jax.ShapeDtypeStruct((N_EDGES, D_FEAT), jnp.float32),
    mesh=_VMESH,
    scratch_types=[
        pltpu.VMEM((IDX_SPAN,), jnp.int32),
        pltpu.VMEM((IDX_SPAN,), jnp.int32),
        [pltpu.VMEM((CHUNK, D_FEAT), jnp.float32)] * 2,
        [pltpu.VMEM((CHUNK, D_FEAT), jnp.float32)] * 2,
        [pltpu.SemaphoreType.DMA] * 2,
        [pltpu.SemaphoreType.DMA] * 2,
    ],
)
def _sc_gather(s_tab, d_tab, isrc_hbm, idst_hbm, out_hbm,
               ibuf_s, ibuf_d, sbufs, dbufs, sems_g, sems_w):
    wid = lax.axis_index("s") * NC + lax.axis_index("c")
    span0 = pl.multiple_of(wid * (G_CPW * CHUNK), 8)

    pltpu.sync_copy(isrc_hbm.at[pl.ds(span0, IDX_SPAN)], ibuf_s)
    pltpu.sync_copy(idst_hbm.at[pl.ds(span0, IDX_SPAN)], ibuf_d)

    def rvalid(j):
        return jnp.logical_and(j < G_CPW, wid * G_CPW + j < N_CHUNKS)

    def issue_gather(j, b):
        isl = pl.ds(pl.multiple_of(j * CHUNK, 8), CHUNK)
        pltpu.async_copy(s_tab.at[ibuf_s.at[isl]], sbufs[b], sems_g[b])
        pltpu.async_copy(d_tab.at[ibuf_d.at[isl]], dbufs[b], sems_g[b])

    def drain_gather(j, b):
        isl = pl.ds(pl.multiple_of(j * CHUNK, 8), CHUNK)
        pltpu.make_async_copy(s_tab.at[ibuf_s.at[isl]], sbufs[b],
                              sems_g[b]).wait()
        pltpu.make_async_copy(d_tab.at[ibuf_d.at[isl]], dbufs[b],
                              sems_g[b]).wait()

    def out_slice(j):
        base = pl.multiple_of((wid * G_CPW + j) * CHUNK, 8)
        return out_hbm.at[pl.ds(base, CHUNK)]

    issue_gather(0, 0)

    def step(j, b):
        @pl.when(rvalid(j))
        def _():
            drain_gather(j, b)

            @pl.when(jnp.logical_and(j >= 1, rvalid(j - 1)))
            def _():
                pltpu.make_async_copy(dbufs[1 - b], out_slice(j - 1),
                                      sems_w[1 - b]).wait()

            @pl.when(rvalid(j + 1))
            def _():
                issue_gather(j + 1, 1 - b)

            @pl.loop(0, CHUNK)
            def _(r):
                for cc in range(0, D_FEAT, 16):
                    sl = pl.ds(cc, 16)
                    dbufs[b][r, sl] = sbufs[b][r, sl] + dbufs[b][r, sl]

            pltpu.async_copy(dbufs[b], out_slice(j), sems_w[b])

    @pl.loop(0, G_CPW_PAD, step=2)
    def _(j):
        step(j, 0)
        step(j + 1, 1)

    pltpu.make_async_copy(dbufs[0], out_slice(0), sems_w[0]).wait()


def _edge_body(g_ref, at_ref, c_ref, b1_ref, w2_ref, b2_ref, e_ref):
    ac = lax.dot_general(at_ref[...].astype(jnp.bfloat16), c_ref[...],
                         (((0,), (0,)), ((), ())),
                         preferred_element_type=jnp.float32)
    h = g_ref[...].astype(jnp.float32) + ac + b1_ref[...]
    h = jnp.maximum(h, 0.0).astype(jnp.bfloat16)
    e_ref[...] = (jnp.dot(h, w2_ref[...],
                          preferred_element_type=jnp.float32) + b2_ref[...])


def _edge_mlp(g, attr_t, c, b1, w2, b2):
    e_tile = 3200
    grid = (N_EDGES // e_tile,)
    g_spec = pl.BlockSpec((e_tile, D_FEAT), lambda t: (t, 0))
    a_spec = pl.BlockSpec((D_EDGE, e_tile), lambda t: (0, t))
    c_spec = pl.BlockSpec((D_EDGE, D_FEAT), lambda t: (0, 0))
    w_spec = pl.BlockSpec((D_FEAT, D_FEAT), lambda t: (0, 0))
    b_spec = pl.BlockSpec((1, D_FEAT), lambda t: (0, 0))
    out = jax.ShapeDtypeStruct((N_EDGES, D_FEAT), jnp.float32)
    return pl.pallas_call(
        _edge_body,
        grid=grid,
        in_specs=[g_spec, a_spec, c_spec, b_spec, w_spec, b_spec],
        out_specs=g_spec,
        out_shape=out,
    )(g, attr_t, c, b1, w2, b2)


@functools.partial(
    pl.kernel,
    out_type=jax.ShapeDtypeStruct((NC, N_NODES, D_FEAT), jnp.float32),
    mesh=_VMESH,
    scratch_types=[
        pltpu.VMEM_SHARED((N_NODES, D_FEAT), jnp.float32),
        pltpu.VMEM((ROW_CHUNK, D_FEAT), jnp.float32),
        pltpu.VMEM((IDX_RING, CHUNK), jnp.int32),
        [pltpu.VMEM((CHUNK, D_FEAT), jnp.float32)] * 2,
        [pltpu.SemaphoreType.DMA] * 2,
    ],
)
def _sc_segsum(e_hbm, dst2d_hbm, out_hbm, agg_sh, zbuf, ibuf, ebufs, sems):
    cid = lax.axis_index("c")
    sid = lax.axis_index("s")
    wid = sid * NC + cid
    crow0 = pl.multiple_of(wid * SCAT_CPS, 8)

    def valid(j):
        return jnp.logical_and(j < SCAT_CPS, wid * SCAT_CPS + j < N_CHUNKS)

    def issue_load(j, b):
        base = pl.multiple_of((wid * SCAT_CPS + j) * CHUNK, 8)
        pltpu.async_copy(e_hbm.at[pl.ds(base, CHUNK)], ebufs[b], sems[b])

    def drain_load(j, b):
        base = pl.multiple_of((wid * SCAT_CPS + j) * CHUNK, 8)
        pltpu.make_async_copy(e_hbm.at[pl.ds(base, CHUNK)], ebufs[b],
                              sems[b]).wait()

    issue_load(0, 0)

    @pl.loop(0, ROW_CHUNK)
    def _(r):
        @pl.loop(0, D_FEAT, step=16)
        def _(cc):
            zbuf[r, pl.ds(cc, 16)] = jnp.zeros((16,), jnp.float32)

    @pl.loop(0, ROW_CPS)
    def _(k):
        rchunk = sid + NS * k

        @pl.when(rchunk < N_ROW_CHUNKS)
        def _():
            rbase = pl.multiple_of(rchunk * ROW_CHUNK, 8)
            pltpu.sync_copy(zbuf, agg_sh.at[pl.ds(rbase, ROW_CHUNK)])

    plsc.subcore_barrier()

    def step(j, b):
        @pl.when(valid(j))
        def _():
            @pl.when(lax.rem(j, IDX_RING) == 0)
            def _():
                pltpu.sync_copy(
                    dst2d_hbm.at[pl.ds(pl.multiple_of(crow0 + j, 8),
                                       IDX_RING)], ibuf)

            drain_load(j, b)

            @pl.when(valid(j + 1))
            def _():
                issue_load(j + 1, 1 - b)

            pltpu.sync_copy(ebufs[b],
                            agg_sh.at[ibuf.at[lax.rem(j, IDX_RING)]],
                            add=True)

    @pl.loop(0, SCAT_CPS, step=2)
    def _(j):
        step(j, 0)
        step(j + 1, 1)

    plsc.subcore_barrier()

    @pl.loop(0, ROW_CPS)
    def _(k):
        rchunk = sid + NS * k

        @pl.when(rchunk < N_ROW_CHUNKS)
        def _():
            rbase = pl.multiple_of(rchunk * ROW_CHUNK, 8)
            sl = pl.ds(rbase, ROW_CHUNK)
            pltpu.sync_copy(agg_sh.at[sl], out_hbm.at[cid].at[sl])


def _node_body(x_ref, awp_ref, amp_ref, wn1_ref, bn1_ref, wn2_ref, bn2_ref,
               out_ref):
    aggw = awp_ref[0] + awp_ref[1]
    aggm = amp_ref[0] + amp_ref[1]
    hn = jnp.concatenate([x_ref[...], aggw, aggm],
                         axis=1).astype(jnp.bfloat16)
    h = jnp.dot(hn, wn1_ref[...], preferred_element_type=jnp.float32)
    h = jnp.maximum(h + bn1_ref[...], 0.0).astype(jnp.bfloat16)
    out_ref[...] = (jnp.dot(h, wn2_ref[...],
                            preferred_element_type=jnp.float32) + bn2_ref[...])


def _node_mlp(x_m, awp, amp, wn1, bn1, wn2, bn2):
    n_tile = 1000
    grid = (N_NODES // n_tile,)
    node_spec = pl.BlockSpec((n_tile, D_FEAT), lambda t: (t, 0))
    p_spec = pl.BlockSpec((NC, n_tile, D_FEAT), lambda t: (0, t, 0))
    wn1_spec = pl.BlockSpec((3 * D_FEAT, D_FEAT), lambda t: (0, 0))
    w_spec = pl.BlockSpec((D_FEAT, D_FEAT), lambda t: (0, 0))
    b_spec = pl.BlockSpec((1, D_FEAT), lambda t: (0, 0))
    out = jax.ShapeDtypeStruct((N_NODES, D_FEAT), jnp.float32)
    return pl.pallas_call(
        _node_body,
        grid=grid,
        in_specs=[node_spec, p_spec, p_spec,
                  wn1_spec, b_spec, w_spec, b_spec],
        out_specs=node_spec,
        out_shape=out,
    )(x_m, awp, amp, wn1, bn1, wn2, bn2)


def kernel(x_m, x_w, edge_w, edge_m, edge_attrw, edge_attrm,
           W1w, b1w, W2w, b2w, W1m, b1m, W2m, b2m,
           Wn1, bn1, Wn2, bn2):
    srcw = edge_w[0].astype(jnp.int32)
    dstw = edge_w[1].astype(jnp.int32)
    srcm = edge_m[0].astype(jnp.int32)
    dstm = edge_m[1].astype(jnp.int32)

    wcat_w = jnp.concatenate([W1w[:D_FEAT], W1w[D_FEAT:2 * D_FEAT]], axis=1)
    wcat_m = jnp.concatenate([W1m[:D_FEAT], W1m[D_FEAT:2 * D_FEAT]], axis=1)
    cw = W1w[2 * D_FEAT:]
    cm = W1m[2 * D_FEAT:]

    x_cat = jnp.concatenate([x_w, x_m], axis=0)
    w_stack = jnp.stack([wcat_w, wcat_m], axis=0).astype(jnp.bfloat16)
    s_cat, d_cat = _premix(x_cat, w_stack)

    pad = IDX_PAD - N_EDGES
    isrc_w = jnp.pad(srcw, (0, pad))
    idst_w = jnp.pad(dstw, (0, pad))
    isrc_m = jnp.pad(srcm + N_NODES, (0, pad))
    idst_m = jnp.pad(dstm + N_NODES, (0, pad))

    spad = SCAT_PAD_CHUNKS * CHUNK - N_EDGES
    dstw2d = jnp.pad(dstw, (0, spad)).reshape(SCAT_PAD_CHUNKS, CHUNK)
    dstm2d = jnp.pad(dstm, (0, spad)).reshape(SCAT_PAD_CHUNKS, CHUNK)

    bf = jnp.bfloat16
    g_w = _sc_gather(s_cat, d_cat, isrc_w, idst_w)
    ew = _edge_mlp(g_w, edge_attrw.T, cw.astype(bf), b1w.reshape(1, -1),
                   W2w.astype(bf), b2w.reshape(1, -1))
    g_m = _sc_gather(s_cat, d_cat, isrc_m, idst_m)
    em = _edge_mlp(g_m, edge_attrm.T, cm.astype(bf), b1m.reshape(1, -1),
                   W2m.astype(bf), b2m.reshape(1, -1))

    awp = _sc_segsum(ew, dstw2d)
    amp = _sc_segsum(em, dstm2d)

    x = _node_mlp(x_m, awp, amp, Wn1.astype(bf),
                  bn1.reshape(1, -1), Wn2.astype(bf), bn2.reshape(1, -1))
    return (x, ew, em)

# --- scband reference (transcript-rebuilt; emitter-appended) ---
"""Pipeline reference for scband-meta-layer-84542136254780 (READ-ONLY COPY).

The authoritative reference and input builder live on the scoring server;
editing this copy changes nothing except your own understanding.
"""

import jax, jax.numpy as jnp
import numpy as np

N_NODES = 10000
N_EDGES = 320000
D_FEAT = 128
D_EDGE = 16
D_HID = 128
D_OUT = 128


def setup_inputs(seed: int = 0) -> dict:
    key = jax.random.key(seed)
    ks = jax.random.split(key, 20)
    x_m = jax.random.normal(ks[0], (N_NODES, D_FEAT), dtype=jnp.float32)
    x_w = jax.random.normal(ks[1], (N_NODES, D_FEAT), dtype=jnp.float32)
    edge_w = jax.random.randint(ks[2], (2, N_EDGES), 0, N_NODES, dtype=jnp.int64)
    edge_m = jax.random.randint(ks[3], (2, N_EDGES), 0, N_NODES, dtype=jnp.int64)
    edge_attrw = jax.random.normal(ks[4], (N_EDGES, D_EDGE), dtype=jnp.float32)
    edge_attrm = jax.random.normal(ks[5], (N_EDGES, D_EDGE), dtype=jnp.float32)
    din_e = 2 * D_FEAT + D_EDGE
    din_n = D_FEAT + 2 * D_OUT
    s1 = 1.0 / np.sqrt(din_e)
    s2 = 1.0 / np.sqrt(D_HID)
    s3 = 1.0 / np.sqrt(din_n)
    W1w = jax.random.normal(ks[6], (din_e, D_HID), dtype=jnp.float32) * s1
    b1w = jnp.zeros((D_HID,), dtype=jnp.float32)
    W2w = jax.random.normal(ks[7], (D_HID, D_OUT), dtype=jnp.float32) * s2
    b2w = jnp.zeros((D_OUT,), dtype=jnp.float32)
    W1m = jax.random.normal(ks[8], (din_e, D_HID), dtype=jnp.float32) * s1
    b1m = jnp.zeros((D_HID,), dtype=jnp.float32)
    W2m = jax.random.normal(ks[9], (D_HID, D_OUT), dtype=jnp.float32) * s2
    b2m = jnp.zeros((D_OUT,), dtype=jnp.float32)
    Wn1 = jax.random.normal(ks[10], (din_n, D_HID), dtype=jnp.float32) * s3
    bn1 = jnp.zeros((D_HID,), dtype=jnp.float32)
    Wn2 = jax.random.normal(ks[11], (D_HID, D_FEAT), dtype=jnp.float32) * s2
    bn2 = jnp.zeros((D_FEAT,), dtype=jnp.float32)
    return {
        "x_m": x_m, "x_w": x_w,
        "edge_w": edge_w, "edge_m": edge_m,
        "edge_attrw": edge_attrw, "edge_attrm": edge_attrm,
        "W1w": W1w, "b1w": b1w, "W2w": W2w, "b2w": b2w,
        "W1m": W1m, "b1m": b1m, "W2m": W2m, "b2m": b2m,
        "Wn1": Wn1, "bn1": bn1, "Wn2": Wn2, "bn2": bn2,
    }


def reference(x_m, x_w, edge_w, edge_m, edge_attrw, edge_attrm,
              W1w, b1w, W2w, b2w, W1m, b1m, W2m, b2m,
              Wn1, bn1, Wn2, bn2):
    srcw, destw = edge_w[0], edge_w[1]
    srcm, destm = edge_m[0], edge_m[1]
    # edge_modelw: MLP over [src_feat, dst_feat, edge_attr] (gather -> matmul)
    hw = jnp.concatenate([x_w[srcw], x_w[destw], edge_attrw], axis=-1)
    ew = jax.nn.relu(hw @ W1w + b1w) @ W2w + b2w
    # edge_modelm
    hm = jnp.concatenate([x_m[srcm], x_m[destm], edge_attrm], axis=-1)
    em = jax.nn.relu(hm @ W1m + b1m) @ W2m + b2m
    # node_model: scatter-add edge messages to destination nodes, then MLP
    aggw = jax.ops.segment_sum(ew, destw, num_segments=x_m.shape[0])
    aggm = jax.ops.segment_sum(em, destm, num_segments=x_m.shape[0])
    hn = jnp.concatenate([x_m, aggw, aggm], axis=-1)
    x = jax.nn.relu(hn @ Wn1 + bn1) @ Wn2 + bn2
    return (x, ew, em)

if __name__ == "__main__":
    import jax
    _d = setup_inputs()
    print(jax.jit(kernel)(*tuple(_d.values())))

</pallas_src>

<mosaic_0001>
#map = affine_map<(d0, d1) -> (0, 0)>
#map1 = affine_map<(d0, d1) -> (0)>
module attributes {stable_mosaic.version = 14 : i64} {
  func.func @_sc_gather(%arg0: i32, %arg1: i32, %arg2: memref<20000x128xf32, #tpu.memory_space<hbm>>, %arg3: memref<20000x128xf32, #tpu.memory_space<hbm>>, %arg4: memref<323712xi32, #tpu.memory_space<hbm>>, %arg5: memref<323712xi32, #tpu.memory_space<hbm>>, %arg6: memref<320000x128xf32, #tpu.memory_space<hbm>>, %arg7: memref<10240xi32, #tpu.memory_space<vmem>>, %arg8: memref<10240xi32, #tpu.memory_space<vmem>>, %arg9: memref<128x128xf32, #tpu.memory_space<vmem>>, %arg10: memref<128x128xf32, #tpu.memory_space<vmem>>, %arg11: memref<128x128xf32, #tpu.memory_space<vmem>>, %arg12: memref<128x128xf32, #tpu.memory_space<vmem>>, %arg13: memref<!tpu.dma_semaphore, #tpu.memory_space<semaphore_mem>>, %arg14: memref<!tpu.dma_semaphore, #tpu.memory_space<semaphore_mem>>, %arg15: memref<!tpu.dma_semaphore, #tpu.memory_space<semaphore_mem>>, %arg16: memref<!tpu.dma_semaphore, #tpu.memory_space<semaphore_mem>>) attributes {dimension_semantics = [#tpu.dimension_semantics<core_parallel>, #tpu.dimension_semantics<subcore_parallel>], iteration_bounds = array<i64: 2, 16>, scalar_prefetch = 0 : i64, scratch_operands = 10 : i64, tpu.core_type = #tpu.core_type<sc_vector_subcore>, window_params = [{transform_indices = #map}, {transform_indices = #map}, {transform_indices = #map1}, {transform_indices = #map1}, {transform_indices = #map}]} {
    %mul3A = arith.constant 2 : i32
    %mul3A_0 = arith.muli %arg1, %mul3A : i32
    %add3A = arith.addi %mul3A_0, %arg0 : i32
    %mul3A_1 = arith.constant 10112 : i32
    %mul3A_2 = arith.muli %add3A, %mul3A_1 : i32
    %multiple_of3A = tpu.assume_multiple %mul3A_2, 8 : i32
    "tpu.region"() ({
      %run_scoped3A = tpu.sem_alloc : memref<!tpu.dma_semaphore, #tpu.memory_space<semaphore_mem>>
      %dma_start3A_26 = tpu.memref_slice %arg4[%multiple_of3A] : memref<323712xi32, #tpu.memory_space<hbm>> -> memref<10240xi32, #tpu.memory_space<hbm>>
      %dma_start3A_27 = tpu.memref_slice %arg4[%multiple_of3A] : memref<323712xi32, #tpu.memory_space<hbm>> -> memref<10240xi32, #tpu.memory_space<hbm>>
      tpu.enqueue_dma source(%dma_start3A_27 : memref<10240xi32, #tpu.memory_space<hbm>>) target(%arg7 : memref<10240xi32, #tpu.memory_space<vmem>>) target_semaphore(%run_scoped3A : memref<!tpu.dma_semaphore, #tpu.memory_space<semaphore_mem>>)
      %dma_wait3A_28 = tpu.memref_slice %arg4[%multiple_of3A] : memref<323712xi32, #tpu.memory_space<hbm>> -> memref<10240xi32, #tpu.memory_space<hbm>>
      %dma_wait3A_29 = tpu.memref_slice %arg4[%multiple_of3A] : memref<323712xi32, #tpu.memory_space<hbm>> -> memref<10240xi32, #tpu.memory_space<hbm>>
      tpu.wait_dma2 semaphore(%run_scoped3A : memref<!tpu.dma_semaphore, #tpu.memory_space<semaphore_mem>>) src(%dma_wait3A_29 : memref<10240xi32, #tpu.memory_space<hbm>>) dst(%arg7 : memref<10240xi32, #tpu.memory_space<vmem>>)
      tpu.yield
    }) : () -> ()
    "tpu.region"() ({
      %run_scoped3A = tpu.sem_alloc : memref<!tpu.dma_semaphore, #tpu.memory_space<semaphore_mem>>
      %dma_start3A_26 = tpu.memref_slice %arg5[%multiple_of3A] : memref<323712xi32, #tpu.memory_space<hbm>> -> memref<10240xi32, #tpu.memory_space<hbm>>
      %dma_start3A_27 = tpu.memref_slice %arg5[%multiple_of3A] : memref<323712xi32, #tpu.memory_space<hbm>> -> memref<10240xi32, #tpu.memory_space<hbm>>
      tpu.enqueue_dma source(%dma_start3A_27 : memref<10240xi32, #tpu.memory_space<hbm>>) target(%arg8 : memref<10240xi32, #tpu.memory_space<vmem>>) target_semaphore(%run_scoped3A : memref<!tpu.dma_semaphore, #tpu.memory_space<semaphore_mem>>)
      %dma_wait3A_28 = tpu.memref_slice %arg5[%multiple_of3A] : memref<323712xi32, #tpu.memory_space<hbm>> -> memref<10240xi32, #tpu.memory_space<hbm>>
      %dma_wait3A_29 = tpu.memref_slice %arg5[%multiple_of3A] : memref<323712xi32, #tpu.memory_space<hbm>> -> memref<10240xi32, #tpu.memory_space<hbm>>
      tpu.wait_dma2 semaphore(%run_scoped3A : memref<!tpu.dma_semaphore, #tpu.memory_space<semaphore_mem>>) src(%dma_wait3A_29 : memref<10240xi32, #tpu.memory_space<hbm>>) dst(%arg8 : memref<10240xi32, #tpu.memory_space<vmem>>)
      tpu.yield
    }) : () -> ()
    %multiple_of3A_3 = arith.constant 0 : i32
    %multiple_of3A_4 = tpu.assume_multiple %multiple_of3A_3, 8 : i32
    %dma_start3A = tpu.memref_slice %arg7[%multiple_of3A_4] : memref<10240xi32, #tpu.memory_space<vmem>> -> memref<128xi32, #tpu.memory_space<vmem>>
    %dma_start3A_5 = arith.constant 0 : i32
    %dma_start3A_6 = arith.constant 0 : i32
    %dma_start3A_7 = tpu.memref_slice %arg2[%dma_start3A_5, %dma_start3A_6] : memref<20000x128xf32, #tpu.memory_space<hbm>> -> memref<20000x128xf32, #tpu.memory_space<hbm>>
    tpu.enqueue_indirect_dma source(%dma_start3A_7 : memref<20000x128xf32, #tpu.memory_space<hbm>>) target(%arg9 : memref<128x128xf32, #tpu.memory_space<vmem>>) offsets(%dma_start3A : memref<128xi32, #tpu.memory_space<vmem>>) semaphore(%arg13 : memref<!tpu.dma_semaphore, #tpu.memory_space<semaphore_mem>>)
    %dma_start3A_8 = tpu.memref_slice %arg8[%multiple_of3A_4] : memref<10240xi32, #tpu.memory_space<vmem>> -> memref<128xi32, #tpu.memory_space<vmem>>
    %dma_start3A_9 = arith.constant 0 : i32
    %dma_start3A_10 = arith.constant 0 : i32
    %dma_start3A_11 = tpu.memref_slice %arg3[%dma_start3A_9, %dma_start3A_10] : memref<20000x128xf32, #tpu.memory_space<hbm>> -> memref<20000x128xf32, #tpu.memory_space<hbm>>
    tpu.enqueue_indirect_dma source(%dma_start3A_11 : memref<20000x128xf32, #tpu.memory_space<hbm>>) target(%arg11 : memref<128x128xf32, #tpu.memory_space<vmem>>) offsets(%dma_start3A_8 : memref<128xi32, #tpu.memory_space<vmem>>) semaphore(%arg13 : memref<!tpu.dma_semaphore, #tpu.memory_space<semaphore_mem>>)
    %scan3A = arith.constant 0 : i32
    %scan3A_12 = arith.constant 40 : i32
    %scan3A_13 = arith.addi %scan3A, %scan3A_12 : i32
    %scan3A_14 = arith.constant 1 : i32
    scf.for %scan3A_26 = %scan3A to %scan3A_13 step %scan3A_14  : i32 {
      %mul3A_27 = arith.constant 2 : i32
      %mul3A_28 = arith.muli %scan3A_26, %mul3A_27 : i32
      %add3A_29 = arith.constant 0 : i32
      %add3A_30 = arith.addi %add3A_29, %mul3A_28 : i32
      %lt3A = arith.constant 79 : i32
      %lt3A_31 = arith.cmpi slt, %add3A_30, %lt3A : i32
      %mul3A_32 = arith.constant 79 : i32
      %mul3A_33 = arith.muli %add3A, %mul3A_32 : i32
      %add3A_34 = arith.addi %mul3A_33, %add3A_30 : i32
      %lt3A_35 = arith.constant 2500 : i32
      %lt3A_36 = arith.cmpi slt, %add3A_34, %lt3A_35 : i32
      %and3A = arith.andi %lt3A_31, %lt3A_36 : i1
      %convert_element_type3A = arith.extui %and3A : i1 to i32
      %cond3A = arith.constant 0 : i32
      %cond3A_37 = arith.cmpi ne, %convert_element_type3A, %cond3A : i32
      scf.if %cond3A_37 {
        %mul3A_51 = arith.constant 128 : i32
        %mul3A_52 = arith.muli %add3A_30, %mul3A_51 : i32
        %multiple_of3A_53 = tpu.assume_multiple %mul3A_52, 8 : i32
        %dma_wait3A_54 = tpu.memref_slice %arg7[%multiple_of3A_53] : memref<10240xi32, #tpu.memory_space<vmem>> -> memref<128xi32, #tpu.memory_space<vmem>>
        %dma_wait3A_55 = arith.constant 0 : i32
        %dma_wait3A_56 = arith.constant 0 : i32
        %dma_wait3A_57 = tpu.memref_slice %arg2[%dma_wait3A_55, %dma_wait3A_56] : memref<20000x128xf32, #tpu.memory_space<hbm>> -> memref<20000x128xf32, #tpu.memory_space<hbm>>
        tpu.wait_indirect_dma semaphore(%arg13 : memref<!tpu.dma_semaphore, #tpu.memory_space<semaphore_mem>>) src(%dma_wait3A_57 : memref<20000x128xf32, #tpu.memory_space<hbm>>) dst(%arg9 : memref<128x128xf32, #tpu.memory_space<vmem>>)
        %dma_wait3A_58 = tpu.memref_slice %arg8[%multiple_of3A_53] : memref<10240xi32, #tpu.memory_space<vmem>> -> memref<128xi32, #tpu.memory_space<vmem>>
        %dma_wait3A_59 = arith.constant 0 : i32
        %dma_wait3A_60 = arith.constant 0 : i32
        %dma_wait3A_61 = tpu.memref_slice %arg3[%dma_wait3A_59, %dma_wait3A_60] : memref<20000x128xf32, #tpu.memory_space<hbm>> -> memref<20000x128xf32, #tpu.memory_space<hbm>>
        tpu.wait_indirect_dma semaphore(%arg13 : memref<!tpu.dma_semaphore, #tpu.memory_space<semaphore_mem>>) src(%dma_wait3A_61 : memref<20000x128xf32, #tpu.memory_space<hbm>>) dst(%arg11 : memref<128x128xf32, #tpu.memory_space<vmem>>)
        %ge3A = arith.constant 1 : i32
        %ge3A_62 = arith.cmpi sge, %add3A_30, %ge3A : i32
        %sub3A = arith.constant 1 : i32
        %sub3A_63 = arith.subi %add3A_30, %sub3A : i32
        %lt3A_64 = arith.constant 79 : i32
        %lt3A_65 = arith.cmpi slt, %sub3A_63, %lt3A_64 : i32
        %mul3A_66 = arith.constant 79 : i32
        %mul3A_67 = arith.muli %add3A, %mul3A_66 : i32
        %add3A_68 = arith.addi %mul3A_67, %sub3A_63 : i32
        %lt3A_69 = arith.constant 2500 : i32
        %lt3A_70 = arith.cmpi slt, %add3A_68, %lt3A_69 : i32
        %and3A_71 = arith.andi %lt3A_65, %lt3A_70 : i1
        %and3A_72 = arith.andi %ge3A_62, %and3A_71 : i1
        %convert_element_type3A_73 = arith.extui %and3A_72 : i1 to i32
        %cond3A_74 = arith.constant 0 : i32
        %cond3A_75 = arith.cmpi ne, %convert_element_type3A_73, %cond3A_74 : i32
        scf.if %cond3A_75 {
          %sub3A_104 = arith.constant 1 : i32
          %sub3A_105 = arith.subi %add3A_30, %sub3A_104 : i32
          %mul3A_106 = arith.constant 79 : i32
          %mul3A_107 = arith.muli %add3A, %mul3A_106 : i32
          %add3A_108 = arith.addi %mul3A_107, %sub3A_105 : i32
          %mul3A_109 = arith.constant 128 : i32
          %mul3A_110 = arith.muli %add3A_108, %mul3A_109 : i32
          %multiple_of3A_111 = tpu.assume_multiple %mul3A_110, 8 : i32
          %dma_wait3A_112 = arith.constant 0 : i32
          %dma_wait3A_113 = tpu.memref_slice %arg6[%multiple_of3A_111, %dma_wait3A_112] : memref<320000x128xf32, #tpu.memory_space<hbm>> -> memref<128x128xf32, #tpu.memory_space<hbm>>
          %dma_wait3A_114 = arith.constant 0 : i32
          %dma_wait3A_115 = tpu.memref_slice %arg6[%multiple_of3A_111, %dma_wait3A_114] : memref<320000x128xf32, #tpu.memory_space<hbm>> -> memref<128x128xf32, #tpu.memory_space<hbm>>
          tpu.wait_dma2 semaphore(%arg16 : memref<!tpu.dma_semaphore, #tpu.memory_space<semaphore_mem>>) src(%arg12 : memref<128x128xf32, #tpu.memory_space<vmem>>) dst(%dma_wait3A_115 : memref<128x128xf32, #tpu.memory_space<hbm>>)
        } else {
        }
        %add3A_76 = arith.constant 1 : i32
        %add3A_77 = arith.addi %add3A_30, %add3A_76 : i32
        %lt3A_78 = arith.constant 79 : i32
        %lt3A_79 = arith.cmpi slt, %add3A_77, %lt3A_78 : i32
        %mul3A_80 = arith.constant 79 : i32
        %mul3A_81 = arith.muli %add3A, %mul3A_80 : i32
        %add3A_82 = arith.addi %mul3A_81, %add3A_77 : i32
        %lt3A_83 = arith.constant 2500 : i32
        %lt3A_84 = arith.cmpi slt, %add3A_82, %lt3A_83 : i32
        %and3A_85 = arith.andi %lt3A_79, %lt3A_84 : i1
        %convert_element_type3A_86 = arith.extui %and3A_85 : i1 to i32
        %cond3A_87 = arith.constant 0 : i32
        %cond3A_88 = arith.cmpi ne, %convert_element_type3A_86, %cond3A_87 : i32
        scf.if %cond3A_88 {
          %add3A_104 = arith.constant 1 : i32
          %add3A_105 = arith.addi %add3A_30, %add3A_104 : i32
          %mul3A_106 = arith.constant 128 : i32
          %mul3A_107 = arith.muli %add3A_105, %mul3A_106 : i32
          %multiple_of3A_108 = tpu.assume_multiple %mul3A_107, 8 : i32
          %dma_start3A_109 = tpu.memref_slice %arg7[%multiple_of3A_108] : memref<10240xi32, #tpu.memory_space<vmem>> -> memref<128xi32, #tpu.memory_space<vmem>>
          %dma_start3A_110 = arith.constant 0 : i32
          %dma_start3A_111 = arith.constant 0 : i32
          %dma_start3A_112 = tpu.memref_slice %arg2[%dma_start3A_110, %dma_start3A_111] : memref<20000x128xf32, #tpu.memory_space<hbm>> -> memref<20000x128xf32, #tpu.memory_space<hbm>>
          tpu.enqueue_indirect_dma source(%dma_start3A_112 : memref<20000x128xf32, #tpu.memory_space<hbm>>) target(%arg10 : memref<128x128xf32, #tpu.memory_space<vmem>>) offsets(%dma_start3A_109 : memref<128xi32, #tpu.memory_space<vmem>>) semaphore(%arg14 : memref<!tpu.dma_semaphore, #tpu.memory_space<semaphore_mem>>)
          %dma_start3A_113 = tpu.memref_slice %arg8[%multiple_of3A_108] : memref<10240xi32, #tpu.memory_space<vmem>> -> memref<128xi32, #tpu.memory_space<vmem>>
          %dma_start3A_114 = arith.constant 0 : i32
          %dma_start3A_115 = arith.constant 0 : i32
          %dma_start3A_116 = tpu.memref_slice %arg3[%dma_start3A_114, %dma_start3A_115] : memref<20000x128xf32, #tpu.memory_space<hbm>> -> memref<20000x128xf32, #tpu.memory_space<hbm>>
          tpu.enqueue_indirect_dma source(%dma_start3A_116 : memref<20000x128xf32, #tpu.memory_space<hbm>>) target(%arg12 : memref<128x128xf32, #tpu.memory_space<vmem>>) offsets(%dma_start3A_113 : memref<128xi32, #tpu.memory_space<vmem>>) semaphore(%arg14 : memref<!tpu.dma_semaphore, #tpu.memory_space<semaphore_mem>>)
        } else {
        }
        %scan3A_89 = arith.constant 0 : i32
        %scan3A_90 = arith.constant 128 : i32
        %scan3A_91 = arith.addi %scan3A_89, %scan3A_90 : i32
        %scan3A_92 = arith.constant 1 : i32
        scf.for %scan3A_104 = %scan3A_89 to %scan3A_91 step %scan3A_92  : i32 {
          %mul3A_105 = arith.constant 1 : i32
          %mul3A_106 = arith.muli %scan3A_104, %mul3A_105 : i32
          %add3A_107 = arith.constant 0 : i32
          %add3A_108 = arith.addi %add3A_107, %mul3A_106 : i32
          %get3A = arith.index_cast %add3A_108 : i32 to index
          %get3A_109 = arith.constant 0 : index
          %get3A_110 = tpu.vector_load %arg9[%get3A, %get3A_109] {strides = array<i32>} : memref<128x128xf32, #tpu.memory_space<vmem>>, vector<1x16xf32>,
          %get3A_111 = vector.shape_cast %get3A_110 : vector<1x16xf32> to vector<16xf32>
          %get3A_112 = arith.index_cast %add3A_108 : i32 to index
          %get3A_113 = arith.constant 0 : index
          %get3A_114 = tpu.vector_load %arg11[%get3A_112, %get3A_113] {strides = array<i32>} : memref<128x128xf32, #tpu.memory_space<vmem>>, vector<1x16xf32>,
          %get3A_115 = vector.shape_cast %get3A_114 : vector<1x16xf32> to vector<16xf32>
          %add3A_116 = arith.addf %get3A_111, %get3A_115 : vector<16xf32>
          %swap3A = arith.index_cast %add3A_108 : i32 to index
          %swap3A_117 = arith.constant 0 : index
          %swap3A_118 = tpu.vector_load %arg11[%swap3A, %swap3A_117] {strides = array<i32>} : memref<128x128xf32, #tpu.memory_space<vmem>>, vector<1x16xf32>,
          %swap3A_119 = vector.shape_cast %swap3A_118 : vector<1x16xf32> to vector<16xf32>
          %swap3A_120 = vector.shape_cast %add3A_116 : vector<16xf32> to vector<1x16xf32>
          tpu.vector_store %arg11[%swap3A, %swap3A_117], %swap3A_120 {strides = array<i32>} : memref<128x128xf32, #tpu.memory_space<vmem>>, vector<1x16xf32>,
          %get3A_121 = arith.index_cast %add3A_108 : i32 to index
          %get3A_122 = arith.constant 16 : index
          %get3A_123 = tpu.vector_load %arg9[%get3A_121, %get3A_122] {strides = array<i32>} : memref<128x128xf32, #tpu.memory_space<vmem>>, vector<1x16xf32>,
          %get3A_124 = vector.shape_cast %get3A_123 : vector<1x16xf32> to vector<16xf32>
          %get3A_125 = arith.index_cast %add3A_108 : i32 to index
          %get3A_126 = arith.constant 16 : index
          %get3A_127 = tpu.vector_load %arg11[%get3A_125, %get3A_126] {strides = array<i32>} : memref<128x128xf32, #tpu.memory_space<vmem>>, vector<1x16xf32>,
          %get3A_128 = vector.shape_cast %get3A_127 : vector<1x16xf32> to vector<16xf32>
          %add3A_129 = arith.addf %get3A_124, %get3A_128 : vector<16xf32>
          %swap3A_130 = arith.index_cast %add3A_108 : i32 to index
          %swap3A_131 = arith.constant 16 : index
          %swap3A_132 = tpu.vector_load %arg11[%swap3A_130, %swap3A_131] {strides = array<i32>} : memref<128x128xf32, #tpu.memory_space<vmem>>, vector<1x16xf32>,
          %swap3A_133 = vector.shape_cast %swap3A_132 : vector<1x16xf32> to vector<16xf32>
          %swap3A_134 = vector.shape_cast %add3A_129 : vector<16xf32> to vector<1x16xf32>
          tpu.vector_store %arg11[%swap3A_130, %swap3A_131], %swap3A_134 {strides = array<i32>} : memref<128x128xf32, #tpu.memory_space<vmem>>, vector<1x16xf32>,
          %get3A_135 = arith.index_cast %add3A_108 : i32 to index
          %get3A_136 = arith.constant 32 : index
          %get3A_137 = tpu.vector_load %arg9[%get3A_135, %get3A_136] {strides = array<i32>} : memref<128x128xf32, #tpu.memory_space<vmem>>, vector<1x16xf32>,
          %get3A_138 = vector.shape_cast %get3A_137 : vector<1x16xf32> to vector<16xf32>
          %get3A_139 = arith.index_cast %add3A_108 : i32 to index
          %get3A_140 = arith.constant 32 : index
          %get3A_141 = tpu.vector_load %arg11[%get3A_139, %get3A_140] {strides = array<i32>} : memref<128x128xf32, #tpu.memory_space<vmem>>, vector<1x16xf32>,
          %get3A_142 = vector.shape_cast %get3A_141 : vector<1x16xf32> to vector<16xf32>
          %add3A_143 = arith.addf %get3A_138, %get3A_142 : vector<16xf32>
          %swap3A_144 = arith.index_cast %add3A_108 : i32 to index
          %swap3A_145 = arith.constant 32 : index
          %swap3A_146 = tpu.vector_load %arg11[%swap3A_144, %swap3A_145] {strides = array<i32>} : memref<128x128xf32, #tpu.memory_space<vmem>>, vector<1x16xf32>,
          %swap3A_147 = vector.shape_cast %swap3A_146 : vector<1x16xf32> to vector<16xf32>
          %swap3A_148 = vector.shape_cast %add3A_143 : vector<16xf32> to vector<1x16xf32>
          tpu.vector_store %arg11[%swap3A_144, %swap3A_145], %swap3A_148 {strides = array<i32>} : memref<128x128xf32, #tpu.memory_space<vmem>>, vector<1x16xf32>,
          %get3A_149 = arith.index_cast %add3A_108 : i32 to index
          %get3A_150 = arith.constant 48 : index
          %get3A_151 = tpu.vector_load %arg9[%get3A_149, %get3A_150] {strides = array<i32>} : memref<128x128xf32, #tpu.memory_space<vmem>>, vector<1x16xf32>,
          %get3A_152 = vector.shape_cast %get3A_151 : vector<1x16xf32> to vector<16xf32>
          %get3A_153 = arith.index_cast %add3A_108 : i32 to index
          %get3A_154 = arith.constant 48 : index
          %get3A_155 = tpu.vector_load %arg11[%get3A_153, %get3A_154] {strides = array<i32>} : memref<128x128xf32, #tpu.memory_space<vmem>>, vector<1x16xf32>,
          %get3A_156 = vector.shape_cast %get3A_155 : vector<1x16xf32> to vector<16xf32>
          %add3A_157 = arith.addf %get3A_152, %get3A_156 : vector<16xf32>
          %swap3A_158 = arith.index_cast %add3A_108 : i32 to index
          %swap3A_159 = arith.constant 48 : index
          %swap3A_160 = tpu.vector_load %arg11[%swap3A_158, %swap3A_159] {strides = array<i32>} : memref<128x128xf32, #tpu.memory_space<vmem>>, vector<1x16xf32>,
          %swap3A_161 = vector.shape_cast %swap3A_160 : vector<1x16xf32> to vector<16xf32>
          %swap3A_162 = vector.shape_cast %add3A_157 : vector<16xf32> to vector<1x16xf32>
          tpu.vector_store %arg11[%swap3A_158, %swap3A_159], %swap3A_162 {strides = array<i32>} : memref<128x128xf32, #tpu.memory_space<vmem>>, vector<1x16xf32>,
          %get3A_163 = arith.index_cast %add3A_108 : i32 to index
          %get3A_164 = arith.constant 64 : index
          %get3A_165 = tpu.vector_load %arg9[%get3A_163, %get3A_164] {strides = array<i32>} : memref<128x128xf32, #tpu.memory_space<vmem>>, vector<1x16xf32>,
          %get3A_166 = vector.shape_cast %get3A_165 : vector<1x16xf32> to vector<16xf32>
          %get3A_167 = arith.index_cast %add3A_108 : i32 to index
          %get3A_168 = arith.constant 64 : index
          %get3A_169 = tpu.vector_load %arg11[%get3A_167, %get3A_168] {strides = array<i32>} : memref<128x128xf32, #tpu.memory_space<vmem>>, vector<1x16xf32>,
          %get3A_170 = vector.shape_cast %get3A_169 : vector<1x16xf32> to vector<16xf32>
          %add3A_171 = arith.addf %get3A_166, %get3A_170 : vector<16xf32>
          %swap3A_172 = arith.index_cast %add3A_108 : i32 to index
          %swap3A_173 = arith.constant 64 : index
          %swap3A_174 = tpu.vector_load %arg11[%swap3A_172, %swap3A_173] {strides = array<i32>} : memref<128x128xf32, #tpu.memory_space<vmem>>, vector<1x16xf32>,
          %swap3A_175 = vector.shape_cast %swap3A_174 : vector<1x16xf32> to vector<16xf32>
          %swap3A_176 = vector.shape_cast %add3A_171 : vector<16xf32> to vector<1x16xf32>
          tpu.vector_store %arg11[%swap3A_172, %swap3A_173], %swap3A_176 {strides = array<i32>} : memref<128x128xf32, #tpu.memory_space<vmem>>, vector<1x16xf32>,
          %get3A_177 = arith.index_cast %add3A_108 : i32 to index
          %get3A_178 = arith.constant 80 : index
          %get3A_179 = tpu.vector_load %arg9[%get3A_177, %get3A_178] {strides = array<i32>} : memref<128x128xf32, #tpu.memory_space<vmem>>, vector<1x16xf32>,
          %get3A_180 = vector.shape_cast %get3A_179 : vector<1x16xf32> to vector<16xf32>
          %get3A_181 = arith.index_cast %add3A_108 : i32 to index
          %get3A_182 = arith.constant 80 : index
          %get3A_183 = tpu.vector_load %arg11[%get3A_181, %get3A_182] {strides = array<i32>} : memref<128x128xf32, #tpu.memory_space<vmem>>, vector<1x16xf32>,
          %get3A_184 = vector.shape_cast %get3A_183 : vector<1x16xf32> to vector<16xf32>
          %add3A_185 = arith.addf %get3A_180, %get3A_184 : vector<16xf32>
          %swap3A_186 = arith.index_cast %add3A_108 : i32 to index
          %swap3A_187 = arith.constant 80 : index
          %swap3A_188 = tpu.vector_load %arg11[%swap3A_186, %swap3A_187] {strides = array<i32>} : memref<128x128xf32, #tpu.memory_space<vmem>>, vector<1x16xf32>,
          %swap3A_189 = vector.shape_cast %swap3A_188 : vector<1x16xf32> to vector<16xf32>
          %swap3A_190 = vector.shape_cast %add3A_185 : vector<16xf32> to vector<1x16xf32>
          tpu.vector_store %arg11[%swap3A_186, %swap3A_187], %swap3A_190 {strides = array<i32>} : memref<128x128xf32, #tpu.memory_space<vmem>>, vector<1x16xf32>,
          %get3A_191 = arith.index_cast %add3A_108 : i32 to index
          %get3A_192 = arith.constant 96 : index
          %get3A_193 = tpu.vector_load %arg9[%get3A_191, %get3A_192] {strides = array<i32>} : memref<128x128xf32, #tpu.memory_space<vmem>>, vector<1x16xf32>,
          %get3A_194 = vector.shape_cast %get3A_193 : vector<1x16xf32> to vector<16xf32>
          %get3A_195 = arith.index_cast %add3A_108 : i32 to index
          %get3A_196 = arith.constant 96 : index
          %get3A_197 = tpu.vector_load %arg11[%get3A_195, %get3A_196] {strides = array<i32>} : memref<128x128xf32, #tpu.memory_space<vmem>>, vector<1x16xf32>,
          %get3A_198 = vector.shape_cast %get3A_197 : vector<1x16xf32> to vector<16xf32>
          %add3A_199 = arith.addf %get3A_194, %get3A_198 : vector<16xf32>
          %swap3A_200 = arith.index_cast %add3A_108 : i32 to index
          %swap3A_201 = arith.constant 96 : index
          %swap3A_202 = tpu.vector_load %arg11[%swap3A_200, %swap3A_201] {strides = array<i32>} : memref<128x128xf32, #tpu.memory_space<vmem>>, vector<1x16xf32>,
          %swap3A_203 = vector.shape_cast %swap3A_202 : vector<1x16xf32> to vector<16xf32>
          %swap3A_204 = vector.shape_cast %add3A_199 : vector<16xf32> to vector<1x16xf32>
          tpu.vector_store %arg11[%swap3A_200, %swap3A_201], %swap3A_204 {strides = array<i32>} : memref<128x128xf32, #tpu.memory_space<vmem>>, vector<1x16xf32>,
          %get3A_205 = arith.index_cast %add3A_108 : i32 to index
          %get3A_206 = arith.constant 112 : index
          %get3A_207 = tpu.vector_load %arg9[%get3A_205, %get3A_206] {strides = array<i32>} : memref<128x128xf32, #tpu.memory_space<vmem>>, vector<1x16xf32>,
          %get3A_208 = vector.shape_cast %get3A_207 : vector<1x16xf32> to vector<16xf32>
          %get3A_209 = arith.index_cast %add3A_108 : i32 to index
          %get3A_210 = arith.constant 112 : index
          %get3A_211 = tpu.vector_load %arg11[%get3A_209, %get3A_210] {strides = array<i32>} : memref<128x128xf32, #tpu.memory_space<vmem>>, vector<1x16xf32>,
          %get3A_212 = vector.shape_cast %get3A_211 : vector<1x16xf32> to vector<16xf32>
          %add3A_213 = arith.addf %get3A_208, %get3A_212 : vector<16xf32>
          %swap3A_214 = arith.index_cast %add3A_108 : i32 to index
          %swap3A_215 = arith.constant 112 : index
          %swap3A_216 = tpu.vector_load %arg11[%swap3A_214, %swap3A_215] {strides = array<i32>} : memref<128x128xf32, #tpu.memory_space<vmem>>, vector<1x16xf32>,
          %swap3A_217 = vector.shape_cast %swap3A_216 : vector<1x16xf32> to vector<16xf32>
          %swap3A_218 = vector.shape_cast %add3A_213 : vector<16xf32> to vector<1x16xf32>
          tpu.vector_store %arg11[%swap3A_214, %swap3A_215], %swap3A_218 {strides = array<i32>} : memref<128x128xf32, #tpu.memory_space<vmem>>, vector<1x16xf32>,
        }
        %scan3A_93 = arith.constant 128 : i32
        %mul3A_94 = arith.constant 79 : i32
        %mul3A_95 = arith.muli %add3A, %mul3A_94 : i32
        %add3A_96 = arith.addi %mul3A_95, %add3A_30 : i32
        %mul3A_97 = arith.constant 128 : i32
        %mul3A_98 = arith.muli %add3A_96, %mul3A_97 : i32
        %multiple_of3A_99 = tpu.assume_multiple %mul3A_98, 8 : i32
        %dma_start3A_100 = arith.constant 0 : i32
        %dma_start3A_101 = tpu.memref_slice %arg6[%multiple_of3A_99, %dma_start3A_100] : memref<320000x128xf32, #tpu.memory_space<hbm>> -> memref<128x128xf32, #tpu.memory_space<hbm>>
        %dma_start3A_102 = arith.constant 0 : i32
        %dma_start3A_103 = tpu.memref_slice %arg6[%multiple_of3A_99, %dma_start3A_102] : memref<320000x128xf32, #tpu.memory_space<hbm>> -> memref<128x128xf32, #tpu.memory_space<hbm>>
        tpu.enqueue_dma source(%arg11 : memref<128x128xf32, #tpu.memory_space<vmem>>) target(%dma_start3A_103 : memref<128x128xf32, #tpu.memory_space<hbm>>) target_semaphore(%arg15 : memref<!tpu.dma_semaphore, #tpu.memory_space<semaphore_mem>>)
      } else {
      }
      %add3A_38 = arith.constant 1 : i32
      %add3A_39 = arith.addi %add3A_30, %add3A_38 : i32
      %lt3A_40 = arith.constant 79 : i32
      %lt3A_41 = arith.cmpi slt, %add3A_39, %lt3A_40 : i32
      %mul3A_42 = arith.constant 79 : i32
      %mul3A_43 = arith.muli %add3A, %mul3A_42 : i32
      %add3A_44 = arith.addi %mul3A_43, %add3A_39 : i32
      %lt3A_45 = arith.constant 2500 : i32
      %lt3A_46 = arith.cmpi slt, %add3A_44, %lt3A_45 : i32
      %and3A_47 = arith.andi %lt3A_41, %lt3A_46 : i1
      %convert_element_type3A_48 = arith.extui %and3A_47 : i1 to i32
      %cond3A_49 = arith.constant 0 : i32
      %cond3A_50 = arith.cmpi ne, %convert_element_type3A_48, %cond3A_49 : i32
      scf.if %cond3A_50 {
        %mul3A_51 = arith.constant 128 : i32
        %mul3A_52 = arith.muli %add3A_39, %mul3A_51 : i32
        %multiple_of3A_53 = tpu.assume_multiple %mul3A_52, 8 : i32
        %dma_wait3A_54 = tpu.memref_slice %arg7[%multiple_of3A_53] : memref<10240xi32, #tpu.memory_space<vmem>> -> memref<128xi32, #tpu.memory_space<vmem>>
        %dma_wait3A_55 = arith.constant 0 : i32
        %dma_wait3A_56 = arith.constant 0 : i32
        %dma_wait3A_57 = tpu.memref_slice %arg2[%dma_wait3A_55, %dma_wait3A_56] : memref<20000x128xf32, #tpu.memory_space<hbm>> -> memref<20000x128xf32, #tpu.memory_space<hbm>>
        tpu.wait_indirect_dma semaphore(%arg14 : memref<!tpu.dma_semaphore, #tpu.memory_space<semaphore_mem>>) src(%dma_wait3A_57 : memref<20000x128xf32, #tpu.memory_space<hbm>>) dst(%arg10 : memref<128x128xf32, #tpu.memory_space<vmem>>)
        %dma_wait3A_58 = tpu.memref_slice %arg8[%multiple_of3A_53] : memref<10240xi32, #tpu.memory_space<vmem>> -> memref<128xi32, #tpu.memory_space<vmem>>
        %dma_wait3A_59 = arith.constant 0 : i32
        %dma_wait3A_60 = arith.constant 0 : i32
        %dma_wait3A_61 = tpu.memref_slice %arg3[%dma_wait3A_59, %dma_wait3A_60] : memref<20000x128xf32, #tpu.memory_space<hbm>> -> memref<20000x128xf32, #tpu.memory_space<hbm>>
        tpu.wait_indirect_dma semaphore(%arg14 : memref<!tpu.dma_semaphore, #tpu.memory_space<semaphore_mem>>) src(%dma_wait3A_61 : memref<20000x128xf32, #tpu.memory_space<hbm>>) dst(%arg12 : memref<128x128xf32, #tpu.memory_space<vmem>>)
        %ge3A = arith.constant 1 : i32
        %ge3A_62 = arith.cmpi sge, %add3A_39, %ge3A : i32
        %sub3A = arith.constant 1 : i32
        %sub3A_63 = arith.subi %add3A_39, %sub3A : i32
        %lt3A_64 = arith.constant 79 : i32
        %lt3A_65 = arith.cmpi slt, %sub3A_63, %lt3A_64 : i32
        %mul3A_66 = arith.constant 79 : i32
        %mul3A_67 = arith.muli %add3A, %mul3A_66 : i32
        %add3A_68 = arith.addi %mul3A_67, %sub3A_63 : i32
        %lt3A_69 = arith.constant 2500 : i32
        %lt3A_70 = arith.cmpi slt, %add3A_68, %lt3A_69 : i32
        %and3A_71 = arith.andi %lt3A_65, %lt3A_70 : i1
        %and3A_72 = arith.andi %ge3A_62, %and3A_71 : i1
        %convert_element_type3A_73 = arith.extui %and3A_72 : i1 to i32
        %cond3A_74 = arith.constant 0 : i32
        %cond3A_75 = arith.cmpi ne, %convert_element_type3A_73, %cond3A_74 : i32
        scf.if %cond3A_75 {
          %sub3A_104 = arith.constant 1 : i32
          %sub3A_105 = arith.subi %add3A_39, %sub3A_104 : i32
          %mul3A_106 = arith.constant 79 : i32
          %mul3A_107 = arith.muli %add3A, %mul3A_106 : i32
          %add3A_108 = arith.addi %mul3A_107, %sub3A_105 : i32
          %mul3A_109 = arith.constant 128 : i32
          %mul3A_110 = arith.muli %add3A_108, %mul3A_109 : i32
          %multiple_of3A_111 = tpu.assume_multiple %mul3A_110, 8 : i32
          %dma_wait3A_112 = arith.constant 0 : i32
          %dma_wait3A_113 = tpu.memref_slice %arg6[%multiple_of3A_111, %dma_wait3A_112] : memref<320000x128xf32, #tpu.memory_space<hbm>> -> memref<128x128xf32, #tpu.memory_space<hbm>>
          %dma_wait3A_114 = arith.constant 0 : i32
          %dma_wait3A_115 = tpu.memref_slice %arg6[%multiple_of3A_111, %dma_wait3A_114] : memref<320000x128xf32, #tpu.memory_space<hbm>> -> memref<128x128xf32, #tpu.memory_space<hbm>>
          tpu.wait_dma2 semaphore(%arg15 : memref<!tpu.dma_semaphore, #tpu.memory_space<semaphore_mem>>) src(%arg11 : memref<128x128xf32, #tpu.memory_space<vmem>>) dst(%dma_wait3A_115 : memref<128x128xf32, #tpu.memory_space<hbm>>)
        } else {
        }
        %add3A_76 = arith.constant 1 : i32
        %add3A_77 = arith.addi %add3A_39, %add3A_76 : i32
        %lt3A_78 = arith.constant 79 : i32
        %lt3A_79 = arith.cmpi slt, %add3A_77, %lt3A_78 : i32
        %mul3A_80 = arith.constant 79 : i32
        %mul3A_81 = arith.muli %add3A, %mul3A_80 : i32
        %add3A_82 = arith.addi %mul3A_81, %add3A_77 : i32
        %lt3A_83 = arith.constant 2500 : i32
        %lt3A_84 = arith.cmpi slt, %add3A_82, %lt3A_83 : i32
        %and3A_85 = arith.andi %lt3A_79, %lt3A_84 : i1
        %convert_element_type3A_86 = arith.extui %and3A_85 : i1 to i32
        %cond3A_87 = arith.constant 0 : i32
        %cond3A_88 = arith.cmpi ne, %convert_element_type3A_86, %cond3A_87 : i32
        scf.if %cond3A_88 {
          %add3A_104 = arith.constant 1 : i32
          %add3A_105 = arith.addi %add3A_39, %add3A_104 : i32
          %mul3A_106 = arith.constant 128 : i32
          %mul3A_107 = arith.muli %add3A_105, %mul3A_106 : i32
          %multiple_of3A_108 = tpu.assume_multiple %mul3A_107, 8 : i32
          %dma_start3A_109 = tpu.memref_slice %arg7[%multiple_of3A_108] : memref<10240xi32, #tpu.memory_space<vmem>> -> memref<128xi32, #tpu.memory_space<vmem>>
          %dma_start3A_110 = arith.constant 0 : i32
          %dma_start3A_111 = arith.constant 0 : i32
          %dma_start3A_112 = tpu.memref_slice %arg2[%dma_start3A_110, %dma_start3A_111] : memref<20000x128xf32, #tpu.memory_space<hbm>> -> memref<20000x128xf32, #tpu.memory_space<hbm>>
          tpu.enqueue_indirect_dma source(%dma_start3A_112 : memref<20000x128xf32, #tpu.memory_space<hbm>>) target(%arg9 : memref<128x128xf32, #tpu.memory_space<vmem>>) offsets(%dma_start3A_109 : memref<128xi32, #tpu.memory_space<vmem>>) semaphore(%arg13 : memref<!tpu.dma_semaphore, #tpu.memory_space<semaphore_mem>>)
          %dma_start3A_113 = tpu.memref_slice %arg8[%multiple_of3A_108] : memref<10240xi32, #tpu.memory_space<vmem>> -> memref<128xi32, #tpu.memory_space<vmem>>
          %dma_start3A_114 = arith.constant 0 : i32
          %dma_start3A_115 = arith.constant 0 : i32
          %dma_start3A_116 = tpu.memref_slice %arg3[%dma_start3A_114, %dma_start3A_115] : memref<20000x128xf32, #tpu.memory_space<hbm>> -> memref<20000x128xf32, #tpu.memory_space<hbm>>
          tpu.enqueue_indirect_dma source(%dma_start3A_116 : memref<20000x128xf32, #tpu.memory_space<hbm>>) target(%arg11 : memref<128x128xf32, #tpu.memory_space<vmem>>) offsets(%dma_start3A_113 : memref<128xi32, #tpu.memory_space<vmem>>) semaphore(%arg13 : memref<!tpu.dma_semaphore, #tpu.memory_space<semaphore_mem>>)
        } else {
        }
        %scan3A_89 = arith.constant 0 : i32
        %scan3A_90 = arith.constant 128 : i32
        %scan3A_91 = arith.addi %scan3A_89, %scan3A_90 : i32
        %scan3A_92 = arith.constant 1 : i32
        scf.for %scan3A_104 = %scan3A_89 to %scan3A_91 step %scan3A_92  : i32 {
          %mul3A_105 = arith.constant 1 : i32
          %mul3A_106 = arith.muli %scan3A_104, %mul3A_105 : i32
          %add3A_107 = arith.constant 0 : i32
          %add3A_108 = arith.addi %add3A_107, %mul3A_106 : i32
          %get3A = arith.index_cast %add3A_108 : i32 to index
          %get3A_109 = arith.constant 0 : index
          %get3A_110 = tpu.vector_load %arg10[%get3A, %get3A_109] {strides = array<i32>} : memref<128x128xf32, #tpu.memory_space<vmem>>, vector<1x16xf32>,
          %get3A_111 = vector.shape_cast %get3A_110 : vector<1x16xf32> to vector<16xf32>
          %get3A_112 = arith.index_cast %add3A_108 : i32 to index
          %get3A_113 = arith.constant 0 : index
          %get3A_114 = tpu.vector_load %arg12[%get3A_112, %get3A_113] {strides = array<i32>} : memref<128x128xf32, #tpu.memory_space<vmem>>, vector<1x16xf32>,
          %get3A_115 = vector.shape_cast %get3A_114 : vector<1x16xf32> to vector<16xf32>
          %add3A_116 = arith.addf %get3A_111, %get3A_115 : vector<16xf32>
          %swap3A = arith.index_cast %add3A_108 : i32 to index
          %swap3A_117 = arith.constant 0 : index
          %swap3A_118 = tpu.vector_load %arg12[%swap3A, %swap3A_117] {strides = array<i32>} : memref<128x128xf32, #tpu.memory_space<vmem>>, vector<1x16xf32>,
          %swap3A_119 = vector.shape_cast %swap3A_118 : vector<1x16xf32> to vector<16xf32>
          %swap3A_120 = vector.shape_cast %add3A_116 : vector<16xf32> to vector<1x16xf32>
          tpu.vector_store %arg12[%swap3A, %swap3A_117], %swap3A_120 {strides = array<i32>} : memref<128x128xf32, #tpu.memory_space<vmem>>, vector<1x16xf32>,
          %get3A_121 = arith.index_cast %add3A_108 : i32 to index
          %get3A_122 = arith.constant 16 : index
          %get3A_123 = tpu.vector_load %arg10[%get3A_121, %get3A_122] {strides = array<i32>} : memref<128x128xf32, #tpu.memory_space<vmem>>, vector<1x16xf32>,
          %get3A_124 = vector.shape_cast %get3A_123 : vector<1x16xf32> to vector<16xf32>
          %get3A_125 = arith.index_cast %add3A_108 : i32 to index
          %get3A_126 = arith.constant 16 : index
          %get3A_127 = tpu.vector_load %arg12[%get3A_125, %get3A_126] {strides = array<i32>} : memref<128x128xf32, #tpu.memory_space<vmem>>, vector<1x16xf32>,
          %get3A_128 = vector.shape_cast %get3A_127 : vector<1x16xf32> to vector<16xf32>
          %add3A_129 = arith.addf %get3A_124, %get3A_128 : vector<16xf32>
          %swap3A_130 = arith.index_cast %add3A_108 : i32 to index
          %swap3A_131 = arith.constant 16 : index
          %swap3A_132 = tpu.vector_load %arg12[%swap3A_130, %swap3A_131] {strides = array<i32>} : memref<128x128xf32, #tpu.memory_space<vmem>>, vector<1x16xf32>,
          %swap3A_133 = vector.shape_cast %swap3A_132 : vector<1x16xf32> to vector<16xf32>
          %swap3A_134 = vector.shape_cast %add3A_129 : vector<16xf32> to vector<1x16xf32>
          tpu.vector_store %arg12[%swap3A_130, %swap3A_131], %swap3A_134 {strides = array<i32>} : memref<128x128xf32, #tpu.memory_space<vmem>>, vector<1x16xf32>,
          %get3A_135 = arith.index_cast %add3A_108 : i32 to index
          %get3A_136 = arith.constant 32 : index
          %get3A_137 = tpu.vector_load %arg10[%get3A_135, %get3A_136] {strides = array<i32>} : memref<128x128xf32, #tpu.memory_space<vmem>>, vector<1x16xf32>,
          %get3A_138 = vector.shape_cast %get3A_137 : vector<1x16xf32> to vector<16xf32>
          %get3A_139 = arith.index_cast %add3A_108 : i32 to index
          %get3A_140 = arith.constant 32 : index
          %get3A_141 = tpu.vector_load %arg12[%get3A_139, %get3A_140] {strides = array<i32>} : memref<128x128xf32, #tpu.memory_space<vmem>>, vector<1x16xf32>,
          %get3A_142 = vector.shape_cast %get3A_141 : vector<1x16xf32> to vector<16xf32>
          %add3A_143 = arith.addf %get3A_138, %get3A_142 : vector<16xf32>
          %swap3A_144 = arith.index_cast %add3A_108 : i32 to index
          %swap3A_145 = arith.constant 32 : index
          %swap3A_146 = tpu.vector_load %arg12[%swap3A_144, %swap3A_145] {strides = array<i32>} : memref<128x128xf32, #tpu.memory_space<vmem>>, vector<1x16xf32>,
          %swap3A_147 = vector.shape_cast %swap3A_146 : vector<1x16xf32> to vector<16xf32>
          %swap3A_148 = vector.shape_cast %add3A_143 : vector<16xf32> to vector<1x16xf32>
          tpu.vector_store %arg12[%swap3A_144, %swap3A_145], %swap3A_148 {strides = array<i32>} : memref<128x128xf32, #tpu.memory_space<vmem>>, vector<1x16xf32>,
          %get3A_149 = arith.index_cast %add3A_108 : i32 to index
          %get3A_150 = arith.constant 48 : index
          %get3A_151 = tpu.vector_load %arg10[%get3A_149, %get3A_150] {strides = array<i32>} : memref<128x128xf32, #tpu.memory_space<vmem>>, vector<1x16xf32>,
          %get3A_152 = vector.shape_cast %get3A_151 : vector<1x16xf32> to vector<16xf32>
          %get3A_153 = arith.index_cast %add3A_108 : i32 to index
          %get3A_154 = arith.constant 48 : index
          %get3A_155 = tpu.vector_load %arg12[%get3A_153, %get3A_154] {strides = array<i32>} : memref<128x128xf32, #tpu.memory_space<vmem>>, vector<1x16xf32>,
          %get3A_156 = vector.shape_cast %get3A_155 : vector<1x16xf32> to vector<16xf32>
          %add3A_157 = arith.addf %get3A_152, %get3A_156 : vector<16xf32>
          %swap3A_158 = arith.index_cast %add3A_108 : i32 to index
          %swap3A_159 = arith.constant 48 : index
          %swap3A_160 = tpu.vector_load %arg12[%swap3A_158, %swap3A_159] {strides = array<i32>} : memref<128x128xf32, #tpu.memory_space<vmem>>, vector<1x16xf32>,
          %swap3A_161 = vector.shape_cast %swap3A_160 : vector<1x16xf32> to vector<16xf32>
          %swap3A_162 = vector.shape_cast %add3A_157 : vector<16xf32> to vector<1x16xf32>
          tpu.vector_store %arg12[%swap3A_158, %swap3A_159], %swap3A_162 {strides = array<i32>} : memref<128x128xf32, #tpu.memory_space<vmem>>, vector<1x16xf32>,
          %get3A_163 = arith.index_cast %add3A_108 : i32 to index
          %get3A_164 = arith.constant 64 : index
          %get3A_165 = tpu.vector_load %arg10[%get3A_163, %get3A_164] {strides = array<i32>} : memref<128x128xf32, #tpu.memory_space<vmem>>, vector<1x16xf32>,
          %get3A_166 = vector.shape_cast %get3A_165 : vector<1x16xf32> to vector<16xf32>
          %get3A_167 = arith.index_cast %add3A_108 : i32 to index
          %get3A_168 = arith.constant 64 : index
          %get3A_169 = tpu.vector_load %arg12[%get3A_167, %get3A_168] {strides = array<i32>} : memref<128x128xf32, #tpu.memory_space<vmem>>, vector<1x16xf32>,
          %get3A_170 = vector.shape_cast %get3A_169 : vector<1x16xf32> to vector<16xf32>
          %add3A_171 = arith.addf %get3A_166, %get3A_170 : vector<16xf32>
          %swap3A_172 = arith.index_cast %add3A_108 : i32 to index
          %swap3A_173 = arith.constant 64 : index
          %swap3A_174 = tpu.vector_load %arg12[%swap3A_172, %swap3A_173] {strides = array<i32>} : memref<128x128xf32, #tpu.memory_space<vmem>>, vector<1x16xf32>,
          %swap3A_175 = vector.shape_cast %swap3A_174 : vector<1x16xf32> to vector<16xf32>
          %swap3A_176 = vector.shape_cast %add3A_171 : vector<16xf32> to vector<1x16xf32>
          tpu.vector_store %arg12[%swap3A_172, %swap3A_173], %swap3A_176 {strides = array<i32>} : memref<128x128xf32, #tpu.memory_space<vmem>>, vector<1x16xf32>,
          %get3A_177 = arith.index_cast %add3A_108 : i32 to index
          %get3A_178 = arith.constant 80 : index
          %get3A_179 = tpu.vector_load %arg10[%get3A_177, %get3A_178] {strides = array<i32>} : memref<128x128xf32, #tpu.memory_space<vmem>>, vector<1x16xf32>,
          %get3A_180 = vector.shape_cast %get3A_179 : vector<1x16xf32> to vector<16xf32>
          %get3A_181 = arith.index_cast %add3A_108 : i32 to index
          %get3A_182 = arith.constant 80 : index
          %get3A_183 = tpu.vector_load %arg12[%get3A_181, %get3A_182] {strides = array<i32>} : memref<128x128xf32, #tpu.memory_space<vmem>>, vector<1x16xf32>,
          %get3A_184 = vector.shape_cast %get3A_183 : vector<1x16xf32> to vector<16xf32>
          %add3A_185 = arith.addf %get3A_180, %get3A_184 : vector<16xf32>
          %swap3A_186 = arith.index_cast %add3A_108 : i32 to index
          %swap3A_187 = arith.constant 80 : index
          %swap3A_188 = tpu.vector_load %arg12[%swap3A_186, %swap3A_187] {strides = array<i32>} : memref<128x128xf32, #tpu.memory_space<vmem>>, vector<1x16xf32>,
          %swap3A_189 = vector.shape_cast %swap3A_188 : vector<1x16xf32> to vector<16xf32>
          %swap3A_190 = vector.shape_cast %add3A_185 : vector<16xf32> to vector<1x16xf32>
          tpu.vector_store %arg12[%swap3A_186, %swap3A_187], %swap3A_190 {strides = array<i32>} : memref<128x128xf32, #tpu.memory_space<vmem>>, vector<1x16xf32>,
          %get3A_191 = arith.index_cast %add3A_108 : i32 to index
          %get3A_192 = arith.constant 96 : index
          %get3A_193 = tpu.vector_load %arg10[%get3A_191, %get3A_192] {strides = array<i32>} : memref<128x128xf32, #tpu.memory_space<vmem>>, vector<1x16xf32>,
          %get3A_194 = vector.shape_cast %get3A_193 : vector<1x16xf32> to vector<16xf32>
          %get3A_195 = arith.index_cast %add3A_108 : i32 to index
          %get3A_196 = arith.constant 96 : index
          %get3A_197 = tpu.vector_load %arg12[%get3A_195, %get3A_196] {strides = array<i32>} : memref<128x128xf32, #tpu.memory_space<vmem>>, vector<1x16xf32>,
          %get3A_198 = vector.shape_cast %get3A_197 : vector<1x16xf32> to vector<16xf32>
          %add3A_199 = arith.addf %get3A_194, %get3A_198 : vector<16xf32>
          %swap3A_200 = arith.index_cast %add3A_108 : i32 to index
          %swap3A_201 = arith.constant 96 : index
          %swap3A_202 = tpu.vector_load %arg12[%swap3A_200, %swap3A_201] {strides = array<i32>} : memref<128x128xf32, #tpu.memory_space<vmem>>, vector<1x16xf32>,
          %swap3A_203 = vector.shape_cast %swap3A_202 : vector<1x16xf32> to vector<16xf32>
          %swap3A_204 = vector.shape_cast %add3A_199 : vector<16xf32> to vector<1x16xf32>
          tpu.vector_store %arg12[%swap3A_200, %swap3A_201], %swap3A_204 {strides = array<i32>} : memref<128x128xf32, #tpu.memory_space<vmem>>, vector<1x16xf32>,
          %get3A_205 = arith.index_cast %add3A_108 : i32 to index
          %get3A_206 = arith.constant 112 : index
          %get3A_207 = tpu.vector_load %arg10[%get3A_205, %get3A_206] {strides = array<i32>} : memref<128x128xf32, #tpu.memory_space<vmem>>, vector<1x16xf32>,
          %get3A_208 = vector.shape_cast %get3A_207 : vector<1x16xf32> to vector<16xf32>
          %get3A_209 = arith.index_cast %add3A_108 : i32 to index
          %get3A_210 = arith.constant 112 : index
          %get3A_211 = tpu.vector_load %arg12[%get3A_209, %get3A_210] {strides = array<i32>} : memref<128x128xf32, #tpu.memory_space<vmem>>, vector<1x16xf32>,
          %get3A_212 = vector.shape_cast %get3A_211 : vector<1x16xf32> to vector<16xf32>
          %add3A_213 = arith.addf %get3A_208, %get3A_212 : vector<16xf32>
          %swap3A_214 = arith.index_cast %add3A_108 : i32 to index
          %swap3A_215 = arith.constant 112 : index
          %swap3A_216 = tpu.vector_load %arg12[%swap3A_214, %swap3A_215] {strides = array<i32>} : memref<128x128xf32, #tpu.memory_space<vmem>>, vector<1x16xf32>,
          %swap3A_217 = vector.shape_cast %swap3A_216 : vector<1x16xf32> to vector<16xf32>
          %swap3A_218 = vector.shape_cast %add3A_213 : vector<16xf32> to vector<1x16xf32>
          tpu.vector_store %arg12[%swap3A_214, %swap3A_215], %swap3A_218 {strides = array<i32>} : memref<128x128xf32, #tpu.memory_space<vmem>>, vector<1x16xf32>,
        }
        %scan3A_93 = arith.constant 128 : i32
        %mul3A_94 = arith.constant 79 : i32
        %mul3A_95 = arith.muli %add3A, %mul3A_94 : i32
        %add3A_96 = arith.addi %mul3A_95, %add3A_39 : i32
        %mul3A_97 = arith.constant 128 : i32
        %mul3A_98 = arith.muli %add3A_96, %mul3A_97 : i32
        %multiple_of3A_99 = tpu.assume_multiple %mul3A_98, 8 : i32
        %dma_start3A_100 = arith.constant 0 : i32
        %dma_start3A_101 = tpu.memref_slice %arg6[%multiple_of3A_99, %dma_start3A_100] : memref<320000x128xf32, #tpu.memory_space<hbm>> -> memref<128x128xf32, #tpu.memory_space<hbm>>
        %dma_start3A_102 = arith.constant 0 : i32
        %dma_start3A_103 = tpu.memref_slice %arg6[%multiple_of3A_99, %dma_start3A_102] : memref<320000x128xf32, #tpu.memory_space<hbm>> -> memref<128x128xf32, #tpu.memory_space<hbm>>
        tpu.enqueue_dma source(%arg12 : memref<128x128xf32, #tpu.memory_space<vmem>>) target(%dma_start3A_103 : memref<128x128xf32, #tpu.memory_space<hbm>>) target_semaphore(%arg16 : memref<!tpu.dma_semaphore, #tpu.memory_space<semaphore_mem>>)
      } else {
      }
    }
    %scan3A_15 = arith.constant 40 : i32
    %mul3A_16 = arith.constant 79 : i32
    %mul3A_17 = arith.muli %add3A, %mul3A_16 : i32
    %add3A_18 = arith.constant 0 : i32
    %add3A_19 = arith.addi %mul3A_17, %add3A_18 : i32
    %mul3A_20 = arith.constant 128 : i32
    %mul3A_21 = arith.muli %add3A_19, %mul3A_20 : i32
    %multiple_of3A_22 = tpu.assume_multiple %mul3A_21, 8 : i32
    %dma_wait3A = arith.constant 0 : i32
    %dma_wait3A_23 = tpu.memref_slice %arg6[%multiple_of3A_22, %dma_wait3A] : memref<320000x128xf32, #tpu.memory_space<hbm>> -> memref<128x128xf32, #tpu.memory_space<hbm>>
    %dma_wait3A_24 = arith.constant 0 : i32
    %dma_wait3A_25 = tpu.memref_slice %arg6[%multiple_of3A_22, %dma_wait3A_24] : memref<320000x128xf32, #tpu.memory_space<hbm>> -> memref<128x128xf32, #tpu.memory_space<hbm>>
    tpu.wait_dma2 semaphore(%arg15 : memref<!tpu.dma_semaphore, #tpu.memory_space<semaphore_mem>>) src(%arg11 : memref<128x128xf32, #tpu.memory_space<vmem>>) dst(%dma_wait3A_25 : memref<128x128xf32, #tpu.memory_space<hbm>>)
    return
  }
}

#map = affine_map<(d0, d1) -> (0, 0)>
#map1 = affine_map<(d0, d1) -> (0, 0, 0)>
module attributes {stable_mosaic.version = 14 : i64} {
  func.func @_sc_segsum(%arg0: i32, %arg1: i32, %arg2: memref<320000x128xf32, #tpu.memory_space<hbm>>, %arg3: memref<2560x128xi32, #tpu.memory_space<hbm>>, %arg4: memref<2x10000x128xf32, #tpu.memory_space<hbm>>, %arg5: memref<10000x128xf32, #tpu.memory_space<vmem_shared>>, %arg6: memref<40x128xf32, #tpu.memory_space<vmem>>, %arg7: memref<16x128xi32, #tpu.memory_space<vmem>>, %arg8: memref<128x128xf32, #tpu.memory_space<vmem>>, %arg9: memref<128x128xf32, #tpu.memory_space<vmem>>, %arg10: memref<!tpu.dma_semaphore, #tpu.memory_space<semaphore_mem>>, %arg11: memref<!tpu.dma_semaphore, #tpu.memory_space<semaphore_mem>>) attributes {dimension_semantics = [#tpu.dimension_semantics<core_parallel>, #tpu.dimension_semantics<subcore_parallel>], iteration_bounds = array<i64: 2, 16>, scalar_prefetch = 0 : i64, scratch_operands = 7 : i64, tpu.core_type = #tpu.core_type<sc_vector_subcore>, window_params = [{transform_indices = #map}, {transform_indices = #map}, {transform_indices = #map1}]} {
    %mul3A = arith.constant 2 : i32
    %mul3A_0 = arith.muli %arg1, %mul3A : i32
    %add3A = arith.addi %mul3A_0, %arg0 : i32
    %mul3A_1 = arith.constant 80 : i32
    %mul3A_2 = arith.muli %add3A, %mul3A_1 : i32
    %multiple_of3A = tpu.assume_multiple %mul3A_2, 8 : i32
    %mul3A_3 = arith.constant 80 : i32
    %mul3A_4 = arith.muli %add3A, %mul3A_3 : i32
    %add3A_5 = arith.constant 0 : i32
    %add3A_6 = arith.addi %mul3A_4, %add3A_5 : i32
    %mul3A_7 = arith.constant 128 : i32
    %mul3A_8 = arith.muli %add3A_6, %mul3A_7 : i32
    %multiple_of3A_9 = tpu.assume_multiple %mul3A_8, 8 : i32
    %dma_start3A = arith.constant 0 : i32
    %dma_start3A_10 = tpu.memref_slice %arg2[%multiple_of3A_9, %dma_start3A] : memref<320000x128xf32, #tpu.memory_space<hbm>> -> memref<128x128xf32, #tpu.memory_space<hbm>>
    %dma_start3A_11 = arith.constant 0 : i32
    %dma_start3A_12 = tpu.memref_slice %arg2[%multiple_of3A_9, %dma_start3A_11] : memref<320000x128xf32, #tpu.memory_space<hbm>> -> memref<128x128xf32, #tpu.memory_space<hbm>>
    tpu.enqueue_dma source(%dma_start3A_12 : memref<128x128xf32, #tpu.memory_space<hbm>>) target(%arg8 : memref<128x128xf32, #tpu.memory_space<vmem>>) target_semaphore(%arg10 : memref<!tpu.dma_semaphore, #tpu.memory_space<semaphore_mem>>)
    %scan3A = arith.constant 0 : i32
    %scan3A_13 = arith.constant 40 : i32
    %scan3A_14 = arith.addi %scan3A, %scan3A_13 : i32
    %scan3A_15 = arith.constant 1 : i32
    scf.for %scan3A_33 = %scan3A to %scan3A_14 step %scan3A_15  : i32 {
      %mul3A_34 = arith.constant 1 : i32
      %mul3A_35 = arith.muli %scan3A_33, %mul3A_34 : i32
      %add3A_36 = arith.constant 0 : i32
      %add3A_37 = arith.addi %add3A_36, %mul3A_35 : i32
      %scan3A_38 = arith.constant 0 : i32
      %scan3A_39 = arith.constant 8 : i32
      %scan3A_40 = arith.addi %scan3A_38, %scan3A_39 : i32
      %scan3A_41 = arith.constant 1 : i32
      scf.for %scan3A_43 = %scan3A_38 to %scan3A_40 step %scan3A_41  : i32 {
        %mul3A_44 = arith.constant 16 : i32
        %mul3A_45 = arith.muli %scan3A_43, %mul3A_44 : i32
        %add3A_46 = arith.constant 0 : i32
        %add3A_47 = arith.addi %add3A_46, %mul3A_45 : i32
        %broadcast_in_dim3A = arith.constant 0.000000e+00 : f32
        %broadcast_in_dim3A_48 = vector.broadcast %broadcast_in_dim3A : f32 to vector<16xf32>
        %swap3A = arith.index_cast %add3A_37 : i32 to index
        %swap3A_49 = arith.index_cast %add3A_47 : i32 to index
        %swap3A_50 = tpu.vector_load %arg6[%swap3A, %swap3A_49] {strides = array<i32>} : memref<40x128xf32, #tpu.memory_space<vmem>>, vector<1x16xf32>,
        %swap3A_51 = vector.shape_cast %swap3A_50 : vector<1x16xf32> to vector<16xf32>
        %swap3A_52 = vector.shape_cast %broadcast_in_dim3A_48 : vector<16xf32> to vector<1x16xf32>
        tpu.vector_store %arg6[%swap3A, %swap3A_49], %swap3A_52 {strides = array<i32>} : memref<40x128xf32, #tpu.memory_space<vmem>>, vector<1x16xf32>,
      }
      %scan3A_42 = arith.constant 8 : i32
    }
    %scan3A_16 = arith.constant 40 : i32
    %scan3A_17 = arith.constant 0 : i32
    %scan3A_18 = arith.constant 16 : i32
    %scan3A_19 = arith.addi %scan3A_17, %scan3A_18 : i32
    %scan3A_20 = arith.constant 1 : i32
    scf.for %scan3A_33 = %scan3A_17 to %scan3A_19 step %scan3A_20  : i32 {
      %mul3A_34 = arith.constant 1 : i32
      %mul3A_35 = arith.muli %scan3A_33, %mul3A_34 : i32
      %add3A_36 = arith.constant 0 : i32
      %add3A_37 = arith.addi %add3A_36, %mul3A_35 : i32
      %mul3A_38 = arith.constant 16 : i32
      %mul3A_39 = arith.muli %mul3A_38, %add3A_37 : i32
      %add3A_40 = arith.addi %arg1, %mul3A_39 : i32
      %lt3A = arith.constant 250 : i32
      %lt3A_41 = arith.cmpi slt, %add3A_40, %lt3A : i32
      %convert_element_type3A = arith.extui %lt3A_41 : i1 to i32
      %cond3A = arith.constant 0 : i32
      %cond3A_42 = arith.cmpi ne, %convert_element_type3A, %cond3A : i32
      scf.if %cond3A_42 {
        %mul3A_43 = arith.constant 40 : i32
        %mul3A_44 = arith.muli %add3A_40, %mul3A_43 : i32
        %multiple_of3A_45 = tpu.assume_multiple %mul3A_44, 8 : i32
        "tpu.region"() ({
          %run_scoped3A = tpu.sem_alloc : memref<!tpu.dma_semaphore, #tpu.memory_space<semaphore_mem>>
          %dma_start3A_46 = arith.constant 0 : i32
          %dma_start3A_47 = tpu.memref_slice %arg5[%multiple_of3A_45, %dma_start3A_46] : memref<10000x128xf32, #tpu.memory_space<vmem_shared>> -> memref<40x128xf32, #tpu.memory_space<vmem_shared>>
          %dma_start3A_48 = arith.constant 0 : i32
          %dma_start3A_49 = tpu.memref_slice %arg5[%multiple_of3A_45, %dma_start3A_48] : memref<10000x128xf32, #tpu.memory_space<vmem_shared>> -> memref<40x128xf32, #tpu.memory_space<vmem_shared>>
          tpu.enqueue_dma source(%arg6 : memref<40x128xf32, #tpu.memory_space<vmem>>) target(%dma_start3A_49 : memref<40x128xf32, #tpu.memory_space<vmem_shared>>) target_semaphore(%run_scoped3A : memref<!tpu.dma_semaphore, #tpu.memory_space<semaphore_mem>>)
          %dma_wait3A = arith.constant 0 : i32
          %dma_wait3A_50 = tpu.memref_slice %arg5[%multiple_of3A_45, %dma_wait3A] : memref<10000x128xf32, #tpu.memory_space<vmem_shared>> -> memref<40x128xf32, #tpu.memory_space<vmem_shared>>
          %dma_wait3A_51 = arith.constant 0 : i32
          %dma_wait3A_52 = tpu.memref_slice %arg5[%multiple_of3A_45, %dma_wait3A_51] : memref<10000x128xf32, #tpu.memory_space<vmem_shared>> -> memref<40x128xf32, #tpu.memory_space<vmem_shared>>
          tpu.wait_dma2 semaphore(%run_scoped3A : memref<!tpu.dma_semaphore, #tpu.memory_space<semaphore_mem>>) src(%arg6 : memref<40x128xf32, #tpu.memory_space<vmem>>) dst(%dma_wait3A_52 : memref<40x128xf32, #tpu.memory_space<vmem_shared>>)
          tpu.yield
        }) : () -> ()
      } else {
      }
    }
    %scan3A_21 = arith.constant 16 : i32
    %barrier3A = arith.constant 0 : index
    tpu.barrier barrier_id(%barrier3A)
    %scan3A_22 = arith.constant 0 : i32
    %scan3A_23 = arith.constant 40 : i32
    %scan3A_24 = arith.addi %scan3A_22, %scan3A_23 : i32
    %scan3A_25 = arith.constant 1 : i32
    scf.for %scan3A_33 = %scan3A_22 to %scan3A_24 step %scan3A_25  : i32 {
      %mul3A_34 = arith.constant 2 : i32
      %mul3A_35 = arith.muli %scan3A_33, %mul3A_34 : i32
      %add3A_36 = arith.constant 0 : i32
      %add3A_37 = arith.addi %add3A_36, %mul3A_35 : i32
      %lt3A = arith.constant 80 : i32
      %lt3A_38 = arith.cmpi slt, %add3A_37, %lt3A : i32
      %mul3A_39 = arith.constant 80 : i32
      %mul3A_40 = arith.muli %add3A, %mul3A_39 : i32
      %add3A_41 = arith.addi %mul3A_40, %add3A_37 : i32
      %lt3A_42 = arith.constant 2500 : i32
      %lt3A_43 = arith.cmpi slt, %add3A_41, %lt3A_42 : i32
      %and3A = arith.andi %lt3A_38, %lt3A_43 : i1
      %convert_element_type3A = arith.extui %and3A : i1 to i32
      %cond3A = arith.constant 0 : i32
      %cond3A_44 = arith.cmpi ne, %convert_element_type3A, %cond3A : i32
      scf.if %cond3A_44 {
        %rem3A = arith.constant 16 : i32
        %rem3A_58 = arith.remsi %add3A_37, %rem3A : i32
        %eq3A = arith.constant 0 : i32
        %eq3A_59 = arith.cmpi eq, %rem3A_58, %eq3A : i32
        %convert_element_type3A_60 = arith.extui %eq3A_59 : i1 to i32
        %cond3A_61 = arith.constant 0 : i32
        %cond3A_62 = arith.cmpi ne, %convert_element_type3A_60, %cond3A_61 : i32
        scf.if %cond3A_62 {
          %add3A_87 = arith.addi %multiple_of3A, %add3A_37 : i32
          %multiple_of3A_88 = tpu.assume_multiple %add3A_87, 8 : i32
          "tpu.region"() ({
            %run_scoped3A = tpu.sem_alloc : memref<!tpu.dma_semaphore, #tpu.memory_space<semaphore_mem>>
            %dma_start3A_89 = arith.constant 0 : i32
            %dma_start3A_90 = tpu.memref_slice %arg3[%multiple_of3A_88, %dma_start3A_89] : memref<2560x128xi32, #tpu.memory_space<hbm>> -> memref<16x128xi32, #tpu.memory_space<hbm>>
            %dma_start3A_91 = arith.constant 0 : i32
            %dma_start3A_92 = tpu.memref_slice %arg3[%multiple_of3A_88, %dma_start3A_91] : memref<2560x128xi32, #tpu.memory_space<hbm>> -> memref<16x128xi32, #tpu.memory_space<hbm>>
            tpu.enqueue_dma source(%dma_start3A_92 : memref<16x128xi32, #tpu.memory_space<hbm>>) target(%arg7 : memref<16x128xi32, #tpu.memory_space<vmem>>) target_semaphore(%run_scoped3A : memref<!tpu.dma_semaphore, #tpu.memory_space<semaphore_mem>>)
            %dma_wait3A_93 = arith.constant 0 : i32
            %dma_wait3A_94 = tpu.memref_slice %arg3[%multiple_of3A_88, %dma_wait3A_93] : memref<2560x128xi32, #tpu.memory_space<hbm>> -> memref<16x128xi32, #tpu.memory_space<hbm>>
            %dma_wait3A_95 = arith.constant 0 : i32
            %dma_wait3A_96 = tpu.memref_slice %arg3[%multiple_of3A_88, %dma_wait3A_95] : memref<2560x128xi32, #tpu.memory_space<hbm>> -> memref<16x128xi32, #tpu.memory_space<hbm>>
            tpu.wait_dma2 semaphore(%run_scoped3A : memref<!tpu.dma_semaphore, #tpu.memory_space<semaphore_mem>>) src(%dma_wait3A_96 : memref<16x128xi32, #tpu.memory_space<hbm>>) dst(%arg7 : memref<16x128xi32, #tpu.memory_space<vmem>>)
            tpu.yield
          }) : () -> ()
        } else {
        }
        %mul3A_63 = arith.constant 80 : i32
        %mul3A_64 = arith.muli %add3A, %mul3A_63 : i32
        %add3A_65 = arith.addi %mul3A_64, %add3A_37 : i32
        %mul3A_66 = arith.constant 128 : i32
        %mul3A_67 = arith.muli %add3A_65, %mul3A_66 : i32
        %multiple_of3A_68 = tpu.assume_multiple %mul3A_67, 8 : i32
        %dma_wait3A = arith.constant 0 : i32
        %dma_wait3A_69 = tpu.memref_slice %arg2[%multiple_of3A_68, %dma_wait3A] : memref<320000x128xf32, #tpu.memory_space<hbm>> -> memref<128x128xf32, #tpu.memory_space<hbm>>
        %dma_wait3A_70 = arith.constant 0 : i32
        %dma_wait3A_71 = tpu.memref_slice %arg2[%multiple_of3A_68, %dma_wait3A_70] : memref<320000x128xf32, #tpu.memory_space<hbm>> -> memref<128x128xf32, #tpu.memory_space<hbm>>
        tpu.wait_dma2 semaphore(%arg10 : memref<!tpu.dma_semaphore, #tpu.memory_space<semaphore_mem>>) src(%dma_wait3A_71 : memref<128x128xf32, #tpu.memory_space<hbm>>) dst(%arg8 : memref<128x128xf32, #tpu.memory_space<vmem>>)
        %add3A_72 = arith.constant 1 : i32
        %add3A_73 = arith.addi %add3A_37, %add3A_72 : i32
        %lt3A_74 = arith.constant 80 : i32
        %lt3A_75 = arith.cmpi slt, %add3A_73, %lt3A_74 : i32
        %mul3A_76 = arith.constant 80 : i32
        %mul3A_77 = arith.muli %add3A, %mul3A_76 : i32
        %add3A_78 = arith.addi %mul3A_77, %add3A_73 : i32
        %lt3A_79 = arith.constant 2500 : i32
        %lt3A_80 = arith.cmpi slt, %add3A_78, %lt3A_79 : i32
        %and3A_81 = arith.andi %lt3A_75, %lt3A_80 : i1
        %convert_element_type3A_82 = arith.extui %and3A_81 : i1 to i32
        %cond3A_83 = arith.constant 0 : i32
        %cond3A_84 = arith.cmpi ne, %convert_element_type3A_82, %cond3A_83 : i32
        scf.if %cond3A_84 {
          %add3A_87 = arith.constant 1 : i32
          %add3A_88 = arith.addi %add3A_37, %add3A_87 : i32
          %mul3A_89 = arith.constant 80 : i32
          %mul3A_90 = arith.muli %add3A, %mul3A_89 : i32
          %add3A_91 = arith.addi %mul3A_90, %add3A_88 : i32
          %mul3A_92 = arith.constant 128 : i32
          %mul3A_93 = arith.muli %add3A_91, %mul3A_92 : i32
          %multiple_of3A_94 = tpu.assume_multiple %mul3A_93, 8 : i32
          %dma_start3A_95 = arith.constant 0 : i32
          %dma_start3A_96 = tpu.memref_slice %arg2[%multiple_of3A_94, %dma_start3A_95] : memref<320000x128xf32, #tpu.memory_space<hbm>> -> memref<128x128xf32, #tpu.memory_space<hbm>>
          %dma_start3A_97 = arith.constant 0 : i32
          %dma_start3A_98 = tpu.memref_slice %arg2[%multiple_of3A_94, %dma_start3A_97] : memref<320000x128xf32, #tpu.memory_space<hbm>> -> memref<128x128xf32, #tpu.memory_space<hbm>>
          tpu.enqueue_dma source(%dma_start3A_98 : memref<128x128xf32, #tpu.memory_space<hbm>>) target(%arg9 : memref<128x128xf32, #tpu.memory_space<vmem>>) target_semaphore(%arg11 : memref<!tpu.dma_semaphore, #tpu.memory_space<semaphore_mem>>)
        } else {
        }
        %rem3A_85 = arith.constant 16 : i32
        %rem3A_86 = arith.remsi %add3A_37, %rem3A_85 : i32
        "tpu.region"() ({
          %run_scoped3A = tpu.sem_alloc : memref<!tpu.dma_semaphore, #tpu.memory_space<semaphore_mem>>
          %dma_start3A_87 = arith.constant 0 : i32
          %dma_start3A_88 = tpu.memref_slice %arg7[%rem3A_86, %dma_start3A_87] : memref<16x128xi32, #tpu.memory_space<vmem>> -> memref<1x128xi32, #tpu.memory_space<vmem>>
          %dma_start3A_89 = tpu.memref_squeeze %dma_start3A_88 : memref<1x128xi32, #tpu.memory_space<vmem>> -> memref<128xi32, #tpu.memory_space<vmem>>
          %dma_start3A_90 = arith.constant 0 : i32
          %dma_start3A_91 = arith.constant 0 : i32
          %dma_start3A_92 = tpu.memref_slice %arg5[%dma_start3A_90, %dma_start3A_91] : memref<10000x128xf32, #tpu.memory_space<vmem_shared>> -> memref<10000x128xf32, #tpu.memory_space<vmem_shared>>
          tpu.enqueue_indirect_dma source(%arg8 : memref<128x128xf32, #tpu.memory_space<vmem>>) target(%dma_start3A_92 : memref<10000x128xf32, #tpu.memory_space<vmem_shared>>) offsets(%dma_start3A_89 : memref<128xi32, #tpu.memory_space<vmem>>) semaphore(%run_scoped3A : memref<!tpu.dma_semaphore, #tpu.memory_space<semaphore_mem>>) {add = true}
          %dma_wait3A_93 = arith.constant 0 : i32
          %dma_wait3A_94 = tpu.memref_slice %arg7[%rem3A_86, %dma_wait3A_93] : memref<16x128xi32, #tpu.memory_space<vmem>> -> memref<1x128xi32, #tpu.memory_space<vmem>>
          %dma_wait3A_95 = tpu.memref_squeeze %dma_wait3A_94 : memref<1x128xi32, #tpu.memory_space<vmem>> -> memref<128xi32, #tpu.memory_space<vmem>>
          %dma_wait3A_96 = arith.constant 0 : i32
          %dma_wait3A_97 = arith.constant 0 : i32
          %dma_wait3A_98 = tpu.memref_slice %arg5[%dma_wait3A_96, %dma_wait3A_97] : memref<10000x128xf32, #tpu.memory_space<vmem_shared>> -> memref<10000x128xf32, #tpu.memory_space<vmem_shared>>
          tpu.wait_indirect_dma semaphore(%run_scoped3A : memref<!tpu.dma_semaphore, #tpu.memory_space<semaphore_mem>>) src(%arg8 : memref<128x128xf32, #tpu.memory_space<vmem>>) dst(%dma_wait3A_98 : memref<10000x128xf32, #tpu.memory_space<vmem_shared>>)
          tpu.yield
        }) : () -> ()
      } else {
      }
      %add3A_45 = arith.constant 1 : i32
      %add3A_46 = arith.addi %add3A_37, %add3A_45 : i32
      %lt3A_47 = arith.constant 80 : i32
      %lt3A_48 = arith.cmpi slt, %add3A_46, %lt3A_47 : i32
      %mul3A_49 = arith.constant 80 : i32
      %mul3A_50 = arith.muli %add3A, %mul3A_49 : i32
      %add3A_51 = arith.addi %mul3A_50, %add3A_46 : i32
      %lt3A_52 = arith.constant 2500 : i32
      %lt3A_53 = arith.cmpi slt, %add3A_51, %lt3A_52 : i32
      %and3A_54 = arith.andi %lt3A_48, %lt3A_53 : i1
      %convert_element_type3A_55 = arith.extui %and3A_54 : i1 to i32
      %cond3A_56 = arith.constant 0 : i32
      %cond3A_57 = arith.cmpi ne, %convert_element_type3A_55, %cond3A_56 : i32
      scf.if %cond3A_57 {
        %rem3A = arith.constant 16 : i32
        %rem3A_58 = arith.remsi %add3A_46, %rem3A : i32
        %eq3A = arith.constant 0 : i32
        %eq3A_59 = arith.cmpi eq, %rem3A_58, %eq3A : i32
        %convert_element_type3A_60 = arith.extui %eq3A_59 : i1 to i32
        %cond3A_61 = arith.constant 0 : i32
        %cond3A_62 = arith.cmpi ne, %convert_element_type3A_60, %cond3A_61 : i32
        scf.if %cond3A_62 {
          %add3A_87 = arith.addi %multiple_of3A, %add3A_46 : i32
          %multiple_of3A_88 = tpu.assume_multiple %add3A_87, 8 : i32
          "tpu.region"() ({
            %run_scoped3A = tpu.sem_alloc : memref<!tpu.dma_semaphore, #tpu.memory_space<semaphore_mem>>
            %dma_start3A_89 = arith.constant 0 : i32
            %dma_start3A_90 = tpu.memref_slice %arg3[%multiple_of3A_88, %dma_start3A_89] : memref<2560x128xi32, #tpu.memory_space<hbm>> -> memref<16x128xi32, #tpu.memory_space<hbm>>
            %dma_start3A_91 = arith.constant 0 : i32
            %dma_start3A_92 = tpu.memref_slice %arg3[%multiple_of3A_88, %dma_start3A_91] : memref<2560x128xi32, #tpu.memory_space<hbm>> -> memref<16x128xi32, #tpu.memory_space<hbm>>
            tpu.enqueue_dma source(%dma_start3A_92 : memref<16x128xi32, #tpu.memory_space<hbm>>) target(%arg7 : memref<16x128xi32, #tpu.memory_space<vmem>>) target_semaphore(%run_scoped3A : memref<!tpu.dma_semaphore, #tpu.memory_space<semaphore_mem>>)
            %dma_wait3A_93 = arith.constant 0 : i32
            %dma_wait3A_94 = tpu.memref_slice %arg3[%multiple_of3A_88, %dma_wait3A_93] : memref<2560x128xi32, #tpu.memory_space<hbm>> -> memref<16x128xi32, #tpu.memory_space<hbm>>
            %dma_wait3A_95 = arith.constant 0 : i32
            %dma_wait3A_96 = tpu.memref_slice %arg3[%multiple_of3A_88, %dma_wait3A_95] : memref<2560x128xi32, #tpu.memory_space<hbm>> -> memref<16x128xi32, #tpu.memory_space<hbm>>
            tpu.wait_dma2 semaphore(%run_scoped3A : memref<!tpu.dma_semaphore, #tpu.memory_space<semaphore_mem>>) src(%dma_wait3A_96 : memref<16x128xi32, #tpu.memory_space<hbm>>) dst(%arg7 : memref<16x128xi32, #tpu.memory_space<vmem>>)
            tpu.yield
          }) : () -> ()
        } else {
        }
        %mul3A_63 = arith.constant 80 : i32
        %mul3A_64 = arith.muli %add3A, %mul3A_63 : i32
        %add3A_65 = arith.addi %mul3A_64, %add3A_46 : i32
        %mul3A_66 = arith.constant 128 : i32
        %mul3A_67 = arith.muli %add3A_65, %mul3A_66 : i32
        %multiple_of3A_68 = tpu.assume_multiple %mul3A_67, 8 : i32
        %dma_wait3A = arith.constant 0 : i32
        %dma_wait3A_69 = tpu.memref_slice %arg2[%multiple_of3A_68, %dma_wait3A] : memref<320000x128xf32, #tpu.memory_space<hbm>> -> memref<128x128xf32, #tpu.memory_space<hbm>>
        %dma_wait3A_70 = arith.constant 0 : i32
        %dma_wait3A_71 = tpu.memref_slice %arg2[%multiple_of3A_68, %dma_wait3A_70] : memref<320000x128xf32, #tpu.memory_space<hbm>> -> memref<128x128xf32, #tpu.memory_space<hbm>>
        tpu.wait_dma2 semaphore(%arg11 : memref<!tpu.dma_semaphore, #tpu.memory_space<semaphore_mem>>) src(%dma_wait3A_71 : memref<128x128xf32, #tpu.memory_space<hbm>>) dst(%arg9 : memref<128x128xf32, #tpu.memory_space<vmem>>)
        %add3A_72 = arith.constant 1 : i32
        %add3A_73 = arith.addi %add3A_46, %add3A_72 : i32
        %lt3A_74 = arith.constant 80 : i32
        %lt3A_75 = arith.cmpi slt, %add3A_73, %lt3A_74 : i32
        %mul3A_76 = arith.constant 80 : i32
        %mul3A_77 = arith.muli %add3A, %mul3A_76 : i32
        %add3A_78 = arith.addi %mul3A_77, %add3A_73 : i32
        %lt3A_79 = arith.constant 2500 : i32
        %lt3A_80 = arith.cmpi slt, %add3A_78, %lt3A_79 : i32
        %and3A_81 = arith.andi %lt3A_75, %lt3A_80 : i1
        %convert_element_type3A_82 = arith.extui %and3A_81 : i1 to i32
        %cond3A_83 = arith.constant 0 : i32
        %cond3A_84 = arith.cmpi ne, %convert_element_type3A_82, %cond3A_83 : i32
        scf.if %cond3A_84 {
          %add3A_87 = arith.constant 1 : i32
          %add3A_88 = arith.addi %add3A_46, %add3A_87 : i32
          %mul3A_89 = arith.constant 80 : i32
          %mul3A_90 = arith.muli %add3A, %mul3A_89 : i32
          %add3A_91 = arith.addi %mul3A_90, %add3A_88 : i32
          %mul3A_92 = arith.constant 128 : i32
          %mul3A_93 = arith.muli %add3A_91, %mul3A_92 : i32
          %multiple_of3A_94 = tpu.assume_multiple %mul3A_93, 8 : i32
          %dma_start3A_95 = arith.constant 0 : i32
          %dma_start3A_96 = tpu.memref_slice %arg2[%multiple_of3A_94, %dma_start3A_95] : memref<320000x128xf32, #tpu.memory_space<hbm>> -> memref<128x128xf32, #tpu.memory_space<hbm>>
          %dma_start3A_97 = arith.constant 0 : i32
          %dma_start3A_98 = tpu.memref_slice %arg2[%multiple_of3A_94, %dma_start3A_97] : memref<320000x128xf32, #tpu.memory_space<hbm>> -> memref<128x128xf32, #tpu.memory_space<hbm>>
          tpu.enqueue_dma source(%dma_start3A_98 : memref<128x128xf32, #tpu.memory_space<hbm>>) target(%arg8 : memref<128x128xf32, #tpu.memory_space<vmem>>) target_semaphore(%arg10 : memref<!tpu.dma_semaphore, #tpu.memory_space<semaphore_mem>>)
        } else {
        }
        %rem3A_85 = arith.constant 16 : i32
        %rem3A_86 = arith.remsi %add3A_46, %rem3A_85 : i32
        "tpu.region"() ({
          %run_scoped3A = tpu.sem_alloc : memref<!tpu.dma_semaphore, #tpu.memory_space<semaphore_mem>>
          %dma_start3A_87 = arith.constant 0 : i32
          %dma_start3A_88 = tpu.memref_slice %arg7[%rem3A_86, %dma_start3A_87] : memref<16x128xi32, #tpu.memory_space<vmem>> -> memref<1x128xi32, #tpu.memory_space<vmem>>
          %dma_start3A_89 = tpu.memref_squeeze %dma_start3A_88 : memref<1x128xi32, #tpu.memory_space<vmem>> -> memref<128xi32, #tpu.memory_space<vmem>>
          %dma_start3A_90 = arith.constant 0 : i32
          %dma_start3A_91 = arith.constant 0 : i32
          %dma_start3A_92 = tpu.memref_slice %arg5[%dma_start3A_90, %dma_start3A_91] : memref<10000x128xf32, #tpu.memory_space<vmem_shared>> -> memref<10000x128xf32, #tpu.memory_space<vmem_shared>>
          tpu.enqueue_indirect_dma source(%arg9 : memref<128x128xf32, #tpu.memory_space<vmem>>) target(%dma_start3A_92 : memref<10000x128xf32, #tpu.memory_space<vmem_shared>>) offsets(%dma_start3A_89 : memref<128xi32, #tpu.memory_space<vmem>>) semaphore(%run_scoped3A : memref<!tpu.dma_semaphore, #tpu.memory_space<semaphore_mem>>) {add = true}
          %dma_wait3A_93 = arith.constant 0 : i32
          %dma_wait3A_94 = tpu.memref_slice %arg7[%rem3A_86, %dma_wait3A_93] : memref<16x128xi32, #tpu.memory_space<vmem>> -> memref<1x128xi32, #tpu.memory_space<vmem>>
          %dma_wait3A_95 = tpu.memref_squeeze %dma_wait3A_94 : memref<1x128xi32, #tpu.memory_space<vmem>> -> memref<128xi32, #tpu.memory_space<vmem>>
          %dma_wait3A_96 = arith.constant 0 : i32
          %dma_wait3A_97 = arith.constant 0 : i32
          %dma_wait3A_98 = tpu.memref_slice %arg5[%dma_wait3A_96, %dma_wait3A_97] : memref<10000x128xf32, #tpu.memory_space<vmem_shared>> -> memref<10000x128xf32, #tpu.memory_space<vmem_shared>>
          tpu.wait_indirect_dma semaphore(%run_scoped3A : memref<!tpu.dma_semaphore, #tpu.memory_space<semaphore_mem>>) src(%arg9 : memref<128x128xf32, #tpu.memory_space<vmem>>) dst(%dma_wait3A_98 : memref<10000x128xf32, #tpu.memory_space<vmem_shared>>)
          tpu.yield
        }) : () -> ()
      } else {
      }
    }
    %scan3A_26 = arith.constant 40 : i32
    %barrier3A_27 = arith.constant 0 : index
    tpu.barrier barrier_id(%barrier3A_27)
    %scan3A_28 = arith.constant 0 : i32
    %scan3A_29 = arith.constant 16 : i32
    %scan3A_30 = arith.addi %scan3A_28, %scan3A_29 : i32
    %scan3A_31 = arith.constant 1 : i32
    scf.for %scan3A_33 = %scan3A_28 to %scan3A_30 step %scan3A_31  : i32 {
      %mul3A_34 = arith.constant 1 : i32
      %mul3A_35 = arith.muli %scan3A_33, %mul3A_34 : i32
      %add3A_36 = arith.constant 0 : i32
      %add3A_37 = arith.addi %add3A_36, %mul3A_35 : i32
      %mul3A_38 = arith.constant 16 : i32
      %mul3A_39 = arith.muli %mul3A_38, %add3A_37 : i32
      %add3A_40 = arith.addi %arg1, %mul3A_39 : i32
      %lt3A = arith.constant 250 : i32
      %lt3A_41 = arith.cmpi slt, %add3A_40, %lt3A : i32
      %convert_element_type3A = arith.extui %lt3A_41 : i1 to i32
      %cond3A = arith.constant 0 : i32
      %cond3A_42 = arith.cmpi ne, %convert_element_type3A, %cond3A : i32
      scf.if %cond3A_42 {
        %mul3A_43 = arith.constant 40 : i32
        %mul3A_44 = arith.muli %add3A_40, %mul3A_43 : i32
        %multiple_of3A_45 = tpu.assume_multiple %mul3A_44, 8 : i32
        "tpu.region"() ({
          %run_scoped3A = tpu.sem_alloc : memref<!tpu.dma_semaphore, #tpu.memory_space<semaphore_mem>>
          %dma_start3A_46 = arith.constant 0 : i32
          %dma_start3A_47 = arith.constant 0 : i32
          %dma_start3A_48 = tpu.memref_slice %arg4[%arg0, %dma_start3A_46, %dma_start3A_47] : memref<2x10000x128xf32, #tpu.memory_space<hbm>> -> memref<1x10000x128xf32, #tpu.memory_space<hbm>>
          %dma_start3A_49 = tpu.memref_squeeze %dma_start3A_48 : memref<1x10000x128xf32, #tpu.memory_space<hbm>> -> memref<10000x128xf32, #tpu.memory_space<hbm>>
          %dma_start3A_50 = arith.constant 0 : i32
          %dma_start3A_51 = tpu.memref_slice %dma_start3A_49[%multiple_of3A_45, %dma_start3A_50] : memref<10000x128xf32, #tpu.memory_space<hbm>> -> memref<40x128xf32, #tpu.memory_space<hbm>>
          %dma_start3A_52 = arith.constant 0 : i32
          %dma_start3A_53 = tpu.memref_slice %arg5[%multiple_of3A_45, %dma_start3A_52] : memref<10000x128xf32, #tpu.memory_space<vmem_shared>> -> memref<40x128xf32, #tpu.memory_space<vmem_shared>>
          tpu.enqueue_dma source(%dma_start3A_53 : memref<40x128xf32, #tpu.memory_space<vmem_shared>>) target(%dma_start3A_51 : memref<40x128xf32, #tpu.memory_space<hbm>>) target_semaphore(%run_scoped3A : memref<!tpu.dma_semaphore, #tpu.memory_space<semaphore_mem>>)
          %dma_wait3A = arith.constant 0 : i32
          %dma_wait3A_54 = arith.constant 0 : i32
          %dma_wait3A_55 = tpu.memref_slice %arg4[%arg0, %dma_wait3A, %dma_wait3A_54] : memref<2x10000x128xf32, #tpu.memory_space<hbm>> -> memref<1x10000x128xf32, #tpu.memory_space<hbm>>
          %dma_wait3A_56 = tpu.memref_squeeze %dma_wait3A_55 : memref<1x10000x128xf32, #tpu.memory_space<hbm>> -> memref<10000x128xf32, #tpu.memory_space<hbm>>
          %dma_wait3A_57 = arith.constant 0 : i32
          %dma_wait3A_58 = tpu.memref_slice %dma_wait3A_56[%multiple_of3A_45, %dma_wait3A_57] : memref<10000x128xf32, #tpu.memory_space<hbm>> -> memref<40x128xf32, #tpu.memory_space<hbm>>
          %dma_wait3A_59 = arith.constant 0 : i32
          %dma_wait3A_60 = tpu.memref_slice %arg5[%multiple_of3A_45, %dma_wait3A_59] : memref<10000x128xf32, #tpu.memory_space<vmem_shared>> -> memref<40x128xf32, #tpu.memory_space<vmem_shared>>
          tpu.wait_dma2 semaphore(%run_scoped3A : memref<!tpu.dma_semaphore, #tpu.memory_space<semaphore_mem>>) src(%dma_wait3A_60 : memref<40x128xf32, #tpu.memory_space<vmem_shared>>) dst(%dma_wait3A_58 : memref<40x128xf32, #tpu.memory_space<hbm>>)
          tpu.yield
        }) : () -> ()
      } else {
      }
    }
    %scan3A_32 = arith.constant 16 : i32
    return
  }
}

#map = affine_map<(d0, d1) -> (0, 0)>
#map1 = affine_map<(d0, d1) -> (0, 0, 0)>
module attributes {stable_mosaic.version = 14 : i64} {
  func.func @_sc_segsum(%arg0: i32, %arg1: i32, %arg2: memref<320000x128xf32, #tpu.memory_space<hbm>>, %arg3: memref<2560x128xi32, #tpu.memory_space<hbm>>, %arg4: memref<2x10000x128xf32, #tpu.memory_space<hbm>>, %arg5: memref<10000x128xf32, #tpu.memory_space<vmem_shared>>, %arg6: memref<40x128xf32, #tpu.memory_space<vmem>>, %arg7: memref<16x128xi32, #tpu.memory_space<vmem>>, %arg8: memref<128x128xf32, #tpu.memory_space<vmem>>, %arg9: memref<128x128xf32, #tpu.memory_space<vmem>>, %arg10: memref<!tpu.dma_semaphore, #tpu.memory_space<semaphore_mem>>, %arg11: memref<!tpu.dma_semaphore, #tpu.memory_space<semaphore_mem>>) attributes {dimension_semantics = [#tpu.dimension_semantics<core_parallel>, #tpu.dimension_semantics<subcore_parallel>], iteration_bounds = array<i64: 2, 16>, scalar_prefetch = 0 : i64, scratch_operands = 7 : i64, tpu.core_type = #tpu.core_type<sc_vector_subcore>, window_params = [{transform_indices = #map}, {transform_indices = #map}, {transform_indices = #map1}]} {
    %mul3A = arith.constant 2 : i32
    %mul3A_0 = arith.muli %arg1, %mul3A : i32
    %add3A = arith.addi %mul3A_0, %arg0 : i32
    %mul3A_1 = arith.constant 80 : i32
    %mul3A_2 = arith.muli %add3A, %mul3A_1 : i32
    %multiple_of3A = tpu.assume_multiple %mul3A_2, 8 : i32
    %mul3A_3 = arith.constant 80 : i32
    %mul3A_4 = arith.muli %add3A, %mul3A_3 : i32
    %add3A_5 = arith.constant 0 : i32
    %add3A_6 = arith.addi %mul3A_4, %add3A_5 : i32
    %mul3A_7 = arith.constant 128 : i32
    %mul3A_8 = arith.muli %add3A_6, %mul3A_7 : i32
    %multiple_of3A_9 = tpu.assume_multiple %mul3A_8, 8 : i32
    %dma_start3A = arith.constant 0 : i32
    %dma_start3A_10 = tpu.memref_slice %arg2[%multiple_of3A_9, %dma_start3A] : memref<320000x128xf32, #tpu.memory_space<hbm>> -> memref<128x128xf32, #tpu.memory_space<hbm>>
    %dma_start3A_11 = arith.constant 0 : i32
    %dma_start3A_12 = tpu.memref_slice %arg2[%multiple_of3A_9, %dma_start3A_11] : memref<320000x128xf32, #tpu.memory_space<hbm>> -> memref<128x128xf32, #tpu.memory_space<hbm>>
    tpu.enqueue_dma source(%dma_start3A_12 : memref<128x128xf32, #tpu.memory_space<hbm>>) target(%arg8 : memref<128x128xf32, #tpu.memory_space<vmem>>) target_semaphore(%arg10 : memref<!tpu.dma_semaphore, #tpu.memory_space<semaphore_mem>>)
    %scan3A = arith.constant 0 : i32
    %scan3A_13 = arith.constant 40 : i32
    %scan3A_14 = arith.addi %scan3A, %scan3A_13 : i32
    %scan3A_15 = arith.constant 1 : i32
    scf.for %scan3A_33 = %scan3A to %scan3A_14 step %scan3A_15  : i32 {
      %mul3A_34 = arith.constant 1 : i32
      %mul3A_35 = arith.muli %scan3A_33, %mul3A_34 : i32
      %add3A_36 = arith.constant 0 : i32
      %add3A_37 = arith.addi %add3A_36, %mul3A_35 : i32
      %scan3A_38 = arith.constant 0 : i32
      %scan3A_39 = arith.constant 8 : i32
      %scan3A_40 = arith.addi %scan3A_38, %scan3A_39 : i32
      %scan3A_41 = arith.constant 1 : i32
      scf.for %scan3A_43 = %scan3A_38 to %scan3A_40 step %scan3A_41  : i32 {
        %mul3A_44 = arith.constant 16 : i32
        %mul3A_45 = arith.muli %scan3A_43, %mul3A_44 : i32
        %add3A_46 = arith.constant 0 : i32
        %add3A_47 = arith.addi %add3A_46, %mul3A_45 : i32
        %broadcast_in_dim3A = arith.constant 0.000000e+00 : f32
        %broadcast_in_dim3A_48 = vector.broadcast %broadcast_in_dim3A : f32 to vector<16xf32>
        %swap3A = arith.index_cast %add3A_37 : i32 to index
        %swap3A_49 = arith.index_cast %add3A_47 : i32 to index
        %swap3A_50 = tpu.vector_load %arg6[%swap3A, %swap3A_49] {strides = array<i32>} : memref<40x128xf32, #tpu.memory_space<vmem>>, vector<1x16xf32>,
        %swap3A_51 = vector.shape_cast %swap3A_50 : vector<1x16xf32> to vector<16xf32>
        %swap3A_52 = vector.shape_cast %broadcast_in_dim3A_48 : vector<16xf32> to vector<1x16xf32>
        tpu.vector_store %arg6[%swap3A, %swap3A_49], %swap3A_52 {strides = array<i32>} : memref<40x128xf32, #tpu.memory_space<vmem>>, vector<1x16xf32>,
      }
      %scan3A_42 = arith.constant 8 : i32
    }
    %scan3A_16 = arith.constant 40 : i32
    %scan3A_17 = arith.constant 0 : i32
    %scan3A_18 = arith.constant 16 : i32
    %scan3A_19 = arith.addi %scan3A_17, %scan3A_18 : i32
    %scan3A_20 = arith.constant 1 : i32
    scf.for %scan3A_33 = %scan3A_17 to %scan3A_19 step %scan3A_20  : i32 {
      %mul3A_34 = arith.constant 1 : i32
      %mul3A_35 = arith.muli %scan3A_33, %mul3A_34 : i32
      %add3A_36 = arith.constant 0 : i32
      %add3A_37 = arith.addi %add3A_36, %mul3A_35 : i32
      %mul3A_38 = arith.constant 16 : i32
      %mul3A_39 = arith.muli %mul3A_38, %add3A_37 : i32
      %add3A_40 = arith.addi %arg1, %mul3A_39 : i32
      %lt3A = arith.constant 250 : i32
      %lt3A_41 = arith.cmpi slt, %add3A_40, %lt3A : i32
      %convert_element_type3A = arith.extui %lt3A_41 : i1 to i32
      %cond3A = arith.constant 0 : i32
      %cond3A_42 = arith.cmpi ne, %convert_element_type3A, %cond3A : i32
      scf.if %cond3A_42 {
        %mul3A_43 = arith.constant 40 : i32
        %mul3A_44 = arith.muli %add3A_40, %mul3A_43 : i32
        %multiple_of3A_45 = tpu.assume_multiple %mul3A_44, 8 : i32
        "tpu.region"() ({
          %run_scoped3A = tpu.sem_alloc : memref<!tpu.dma_semaphore, #tpu.memory_space<semaphore_mem>>
          %dma_start3A_46 = arith.constant 0 : i32
          %dma_start3A_47 = tpu.memref_slice %arg5[%multiple_of3A_45, %dma_start3A_46] : memref<10000x128xf32, #tpu.memory_space<vmem_shared>> -> memref<40x128xf32, #tpu.memory_space<vmem_shared>>
          %dma_start3A_48 = arith.constant 0 : i32
          %dma_start3A_49 = tpu.memref_slice %arg5[%multiple_of3A_45, %dma_start3A_48] : memref<10000x128xf32, #tpu.memory_space<vmem_shared>> -> memref<40x128xf32, #tpu.memory_space<vmem_shared>>
          tpu.enqueue_dma source(%arg6 : memref<40x128xf32, #tpu.memory_space<vmem>>) target(%dma_start3A_49 : memref<40x128xf32, #tpu.memory_space<vmem_shared>>) target_semaphore(%run_scoped3A : memref<!tpu.dma_semaphore, #tpu.memory_space<semaphore_mem>>)
          %dma_wait3A = arith.constant 0 : i32
          %dma_wait3A_50 = tpu.memref_slice %arg5[%multiple_of3A_45, %dma_wait3A] : memref<10000x128xf32, #tpu.memory_space<vmem_shared>> -> memref<40x128xf32, #tpu.memory_space<vmem_shared>>
          %dma_wait3A_51 = arith.constant 0 : i32
          %dma_wait3A_52 = tpu.memref_slice %arg5[%multiple_of3A_45, %dma_wait3A_51] : memref<10000x128xf32, #tpu.memory_space<vmem_shared>> -> memref<40x128xf32, #tpu.memory_space<vmem_shared>>
          tpu.wait_dma2 semaphore(%run_scoped3A : memref<!tpu.dma_semaphore, #tpu.memory_space<semaphore_mem>>) src(%arg6 : memref<40x128xf32, #tpu.memory_space<vmem>>) dst(%dma_wait3A_52 : memref<40x128xf32, #tpu.memory_space<vmem_shared>>)
          tpu.yield
        }) : () -> ()
      } else {
      }
    }
    %scan3A_21 = arith.constant 16 : i32
    %barrier3A = arith.constant 0 : index
    tpu.barrier barrier_id(%barrier3A)
    %scan3A_22 = arith.constant 0 : i32
    %scan3A_23 = arith.constant 40 : i32
    %scan3A_24 = arith.addi %scan3A_22, %scan3A_23 : i32
    %scan3A_25 = arith.constant 1 : i32
    scf.for %scan3A_33 = %scan3A_22 to %scan3A_24 step %scan3A_25  : i32 {
      %mul3A_34 = arith.constant 2 : i32
      %mul3A_35 = arith.muli %scan3A_33, %mul3A_34 : i32
      %add3A_36 = arith.constant 0 : i32
      %add3A_37 = arith.addi %add3A_36, %mul3A_35 : i32
      %lt3A = arith.constant 80 : i32
      %lt3A_38 = arith.cmpi slt, %add3A_37, %lt3A : i32
      %mul3A_39 = arith.constant 80 : i32
      %mul3A_40 = arith.muli %add3A, %mul3A_39 : i32
      %add3A_41 = arith.addi %mul3A_40, %add3A_37 : i32
      %lt3A_42 = arith.constant 2500 : i32
      %lt3A_43 = arith.cmpi slt, %add3A_41, %lt3A_42 : i32
      %and3A = arith.andi %lt3A_38, %lt3A_43 : i1
      %convert_element_type3A = arith.extui %and3A : i1 to i32
      %cond3A = arith.constant 0 : i32
      %cond3A_44 = arith.cmpi ne, %convert_element_type3A, %cond3A : i32
      scf.if %cond3A_44 {
        %rem3A = arith.constant 16 : i32
        %rem3A_58 = arith.remsi %add3A_37, %rem3A : i32
        %eq3A = arith.constant 0 : i32
        %eq3A_59 = arith.cmpi eq, %rem3A_58, %eq3A : i32
        %convert_element_type3A_60 = arith.extui %eq3A_59 : i1 to i32
        %cond3A_61 = arith.constant 0 : i32
        %cond3A_62 = arith.cmpi ne, %convert_element_type3A_60, %cond3A_61 : i32
        scf.if %cond3A_62 {
          %add3A_87 = arith.addi %multiple_of3A, %add3A_37 : i32
          %multiple_of3A_88 = tpu.assume_multiple %add3A_87, 8 : i32
          "tpu.region"() ({
            %run_scoped3A = tpu.sem_alloc : memref<!tpu.dma_semaphore, #tpu.memory_space<semaphore_mem>>
            %dma_start3A_89 = arith.constant 0 : i32
            %dma_start3A_90 = tpu.memref_slice %arg3[%multiple_of3A_88, %dma_start3A_89] : memref<2560x128xi32, #tpu.memory_space<hbm>> -> memref<16x128xi32, #tpu.memory_space<hbm>>
            %dma_start3A_91 = arith.constant 0 : i32
            %dma_start3A_92 = tpu.memref_slice %arg3[%multiple_of3A_88, %dma_start3A_91] : memref<2560x128xi32, #tpu.memory_space<hbm>> -> memref<16x128xi32, #tpu.memory_space<hbm>>
            tpu.enqueue_dma source(%dma_start3A_92 : memref<16x128xi32, #tpu.memory_space<hbm>>) target(%arg7 : memref<16x128xi32, #tpu.memory_space<vmem>>) target_semaphore(%run_scoped3A : memref<!tpu.dma_semaphore, #tpu.memory_space<semaphore_mem>>)
            %dma_wait3A_93 = arith.constant 0 : i32
            %dma_wait3A_94 = tpu.memref_slice %arg3[%multiple_of3A_88, %dma_wait3A_93] : memref<2560x128xi32, #tpu.memory_space<hbm>> -> memref<16x128xi32, #tpu.memory_space<hbm>>
            %dma_wait3A_95 = arith.constant 0 : i32
            %dma_wait3A_96 = tpu.memref_slice %arg3[%multiple_of3A_88, %dma_wait3A_95] : memref<2560x128xi32, #tpu.memory_space<hbm>> -> memref<16x128xi32, #tpu.memory_space<hbm>>
            tpu.wait_dma2 semaphore(%run_scoped3A : memref<!tpu.dma_semaphore, #tpu.memory_space<semaphore_mem>>) src(%dma_wait3A_96 : memref<16x128xi32, #tpu.memory_space<hbm>>) dst(%arg7 : memref<16x128xi32, #tpu.memory_space<vmem>>)
            tpu.yield
          }) : () -> ()
        } else {
        }
        %mul3A_63 = arith.constant 80 : i32
        %mul3A_64 = arith.muli %add3A, %mul3A_63 : i32
        %add3A_65 = arith.addi %mul3A_64, %add3A_37 : i32
        %mul3A_66 = arith.constant 128 : i32
        %mul3A_67 = arith.muli %add3A_65, %mul3A_66 : i32
        %multiple_of3A_68 = tpu.assume_multiple %mul3A_67, 8 : i32
        %dma_wait3A = arith.constant 0 : i32
        %dma_wait3A_69 = tpu.memref_slice %arg2[%multiple_of3A_68, %dma_wait3A] : memref<320000x128xf32, #tpu.memory_space<hbm>> -> memref<128x128xf32, #tpu.memory_space<hbm>>
        %dma_wait3A_70 = arith.constant 0 : i32
        %dma_wait3A_71 = tpu.memref_slice %arg2[%multiple_of3A_68, %dma_wait3A_70] : memref<320000x128xf32, #tpu.memory_space<hbm>> -> memref<128x128xf32, #tpu.memory_space<hbm>>
        tpu.wait_dma2 semaphore(%arg10 : memref<!tpu.dma_semaphore, #tpu.memory_space<semaphore_mem>>) src(%dma_wait3A_71 : memref<128x128xf32, #tpu.memory_space<hbm>>) dst(%arg8 : memref<128x128xf32, #tpu.memory_space<vmem>>)
        %add3A_72 = arith.constant 1 : i32
        %add3A_73 = arith.addi %add3A_37, %add3A_72 : i32
        %lt3A_74 = arith.constant 80 : i32
        %lt3A_75 = arith.cmpi slt, %add3A_73, %lt3A_74 : i32
        %mul3A_76 = arith.constant 80 : i32
        %mul3A_77 = arith.muli %add3A, %mul3A_76 : i32
        %add3A_78 = arith.addi %mul3A_77, %add3A_73 : i32
        %lt3A_79 = arith.constant 2500 : i32
        %lt3A_80 = arith.cmpi slt, %add3A_78, %lt3A_79 : i32
        %and3A_81 = arith.andi %lt3A_75, %lt3A_80 : i1
        %convert_element_type3A_82 = arith.extui %and3A_81 : i1 to i32
        %cond3A_83 = arith.constant 0 : i32
        %cond3A_84 = arith.cmpi ne, %convert_element_type3A_82, %cond3A_83 : i32
        scf.if %cond3A_84 {
          %add3A_87 = arith.constant 1 : i32
          %add3A_88 = arith.addi %add3A_37, %add3A_87 : i32
          %mul3A_89 = arith.constant 80 : i32
          %mul3A_90 = arith.muli %add3A, %mul3A_89 : i32
          %add3A_91 = arith.addi %mul3A_90, %add3A_88 : i32
          %mul3A_92 = arith.constant 128 : i32
          %mul3A_93 = arith.muli %add3A_91, %mul3A_92 : i32
          %multiple_of3A_94 = tpu.assume_multiple %mul3A_93, 8 : i32
          %dma_start3A_95 = arith.constant 0 : i32
          %dma_start3A_96 = tpu.memref_slice %arg2[%multiple_of3A_94, %dma_start3A_95] : memref<320000x128xf32, #tpu.memory_space<hbm>> -> memref<128x128xf32, #tpu.memory_space<hbm>>
          %dma_start3A_97 = arith.constant 0 : i32
          %dma_start3A_98 = tpu.memref_slice %arg2[%multiple_of3A_94, %dma_start3A_97] : memref<320000x128xf32, #tpu.memory_space<hbm>> -> memref<128x128xf32, #tpu.memory_space<hbm>>
          tpu.enqueue_dma source(%dma_start3A_98 : memref<128x128xf32, #tpu.memory_space<hbm>>) target(%arg9 : memref<128x128xf32, #tpu.memory_space<vmem>>) target_semaphore(%arg11 : memref<!tpu.dma_semaphore, #tpu.memory_space<semaphore_mem>>)
        } else {
        }
        %rem3A_85 = arith.constant 16 : i32
        %rem3A_86 = arith.remsi %add3A_37, %rem3A_85 : i32
        "tpu.region"() ({
          %run_scoped3A = tpu.sem_alloc : memref<!tpu.dma_semaphore, #tpu.memory_space<semaphore_mem>>
          %dma_start3A_87 = arith.constant 0 : i32
          %dma_start3A_88 = tpu.memref_slice %arg7[%rem3A_86, %dma_start3A_87] : memref<16x128xi32, #tpu.memory_space<vmem>> -> memref<1x128xi32, #tpu.memory_space<vmem>>
          %dma_start3A_89 = tpu.memref_squeeze %dma_start3A_88 : memref<1x128xi32, #tpu.memory_space<vmem>> -> memref<128xi32, #tpu.memory_space<vmem>>
          %dma_start3A_90 = arith.constant 0 : i32
          %dma_start3A_91 = arith.constant 0 : i32
          %dma_start3A_92 = tpu.memref_slice %arg5[%dma_start3A_90, %dma_start3A_91] : memref<10000x128xf32, #tpu.memory_space<vmem_shared>> -> memref<10000x128xf32, #tpu.memory_space<vmem_shared>>
          tpu.enqueue_indirect_dma source(%arg8 : memref<128x128xf32, #tpu.memory_space<vmem>>) target(%dma_start3A_92 : memref<10000x128xf32, #tpu.memory_space<vmem_shared>>) offsets(%dma_start3A_89 : memref<128xi32, #tpu.memory_space<vmem>>) semaphore(%run_scoped3A : memref<!tpu.dma_semaphore, #tpu.memory_space<semaphore_mem>>) {add = true}
          %dma_wait3A_93 = arith.constant 0 : i32
          %dma_wait3A_94 = tpu.memref_slice %arg7[%rem3A_86, %dma_wait3A_93] : memref<16x128xi32, #tpu.memory_space<vmem>> -> memref<1x128xi32, #tpu.memory_space<vmem>>
          %dma_wait3A_95 = tpu.memref_squeeze %dma_wait3A_94 : memref<1x128xi32, #tpu.memory_space<vmem>> -> memref<128xi32, #tpu.memory_space<vmem>>
          %dma_wait3A_96 = arith.constant 0 : i32
          %dma_wait3A_97 = arith.constant 0 : i32
          %dma_wait3A_98 = tpu.memref_slice %arg5[%dma_wait3A_96, %dma_wait3A_97] : memref<10000x128xf32, #tpu.memory_space<vmem_shared>> -> memref<10000x128xf32, #tpu.memory_space<vmem_shared>>
          tpu.wait_indirect_dma semaphore(%run_scoped3A : memref<!tpu.dma_semaphore, #tpu.memory_space<semaphore_mem>>) src(%arg8 : memref<128x128xf32, #tpu.memory_space<vmem>>) dst(%dma_wait3A_98 : memref<10000x128xf32, #tpu.memory_space<vmem_shared>>)
          tpu.yield
        }) : () -> ()
      } else {
      }
      %add3A_45 = arith.constant 1 : i32
      %add3A_46 = arith.addi %add3A_37, %add3A_45 : i32
      %lt3A_47 = arith.constant 80 : i32
      %lt3A_48 = arith.cmpi slt, %add3A_46, %lt3A_47 : i32
      %mul3A_49 = arith.constant 80 : i32
      %mul3A_50 = arith.muli %add3A, %mul3A_49 : i32
      %add3A_51 = arith.addi %mul3A_50, %add3A_46 : i32
      %lt3A_52 = arith.constant 2500 : i32
      %lt3A_53 = arith.cmpi slt, %add3A_51, %lt3A_52 : i32
      %and3A_54 = arith.andi %lt3A_48, %lt3A_53 : i1
      %convert_element_type3A_55 = arith.extui %and3A_54 : i1 to i32
      %cond3A_56 = arith.constant 0 : i32
      %cond3A_57 = arith.cmpi ne, %convert_element_type3A_55, %cond3A_56 : i32
      scf.if %cond3A_57 {
        %rem3A = arith.constant 16 : i32
        %rem3A_58 = arith.remsi %add3A_46, %rem3A : i32
        %eq3A = arith.constant 0 : i32
        %eq3A_59 = arith.cmpi eq, %rem3A_58, %eq3A : i32
        %convert_element_type3A_60 = arith.extui %eq3A_59 : i1 to i32
        %cond3A_61 = arith.constant 0 : i32
        %cond3A_62 = arith.cmpi ne, %convert_element_type3A_60, %cond3A_61 : i32
        scf.if %cond3A_62 {
          %add3A_87 = arith.addi %multiple_of3A, %add3A_46 : i32
          %multiple_of3A_88 = tpu.assume_multiple %add3A_87, 8 : i32
          "tpu.region"() ({
            %run_scoped3A = tpu.sem_alloc : memref<!tpu.dma_semaphore, #tpu.memory_space<semaphore_mem>>
            %dma_start3A_89 = arith.constant 0 : i32
            %dma_start3A_90 = tpu.memref_slice %arg3[%multiple_of3A_88, %dma_start3A_89] : memref<2560x128xi32, #tpu.memory_space<hbm>> -> memref<16x128xi32, #tpu.memory_space<hbm>>
            %dma_start3A_91 = arith.constant 0 : i32
            %dma_start3A_92 = tpu.memref_slice %arg3[%multiple_of3A_88, %dma_start3A_91] : memref<2560x128xi32, #tpu.memory_space<hbm>> -> memref<16x128xi32, #tpu.memory_space<hbm>>
            tpu.enqueue_dma source(%dma_start3A_92 : memref<16x128xi32, #tpu.memory_space<hbm>>) target(%arg7 : memref<16x128xi32, #tpu.memory_space<vmem>>) target_semaphore(%run_scoped3A : memref<!tpu.dma_semaphore, #tpu.memory_space<semaphore_mem>>)
            %dma_wait3A_93 = arith.constant 0 : i32
            %dma_wait3A_94 = tpu.memref_slice %arg3[%multiple_of3A_88, %dma_wait3A_93] : memref<2560x128xi32, #tpu.memory_space<hbm>> -> memref<16x128xi32, #tpu.memory_space<hbm>>
            %dma_wait3A_95 = arith.constant 0 : i32
            %dma_wait3A_96 = tpu.memref_slice %arg3[%multiple_of3A_88, %dma_wait3A_95] : memref<2560x128xi32, #tpu.memory_space<hbm>> -> memref<16x128xi32, #tpu.memory_space<hbm>>
            tpu.wait_dma2 semaphore(%run_scoped3A : memref<!tpu.dma_semaphore, #tpu.memory_space<semaphore_mem>>) src(%dma_wait3A_96 : memref<16x128xi32, #tpu.memory_space<hbm>>) dst(%arg7 : memref<16x128xi32, #tpu.memory_space<vmem>>)
            tpu.yield
          }) : () -> ()
        } else {
        }
        %mul3A_63 = arith.constant 80 : i32
        %mul3A_64 = arith.muli %add3A, %mul3A_63 : i32
        %add3A_65 = arith.addi %mul3A_64, %add3A_46 : i32
        %mul3A_66 = arith.constant 128 : i32
        %mul3A_67 = arith.muli %add3A_65, %mul3A_66 : i32
        %multiple_of3A_68 = tpu.assume_multiple %mul3A_67, 8 : i32
        %dma_wait3A = arith.constant 0 : i32
        %dma_wait3A_69 = tpu.memref_slice %arg2[%multiple_of3A_68, %dma_wait3A] : memref<320000x128xf32, #tpu.memory_space<hbm>> -> memref<128x128xf32, #tpu.memory_space<hbm>>
        %dma_wait3A_70 = arith.constant 0 : i32
        %dma_wait3A_71 = tpu.memref_slice %arg2[%multiple_of3A_68, %dma_wait3A_70] : memref<320000x128xf32, #tpu.memory_space<hbm>> -> memref<128x128xf32, #tpu.memory_space<hbm>>
        tpu.wait_dma2 semaphore(%arg11 : memref<!tpu.dma_semaphore, #tpu.memory_space<semaphore_mem>>) src(%dma_wait3A_71 : memref<128x128xf32, #tpu.memory_space<hbm>>) dst(%arg9 : memref<128x128xf32, #tpu.memory_space<vmem>>)
        %add3A_72 = arith.constant 1 : i32
        %add3A_73 = arith.addi %add3A_46, %add3A_72 : i32
        %lt3A_74 = arith.constant 80 : i32
        %lt3A_75 = arith.cmpi slt, %add3A_73, %lt3A_74 : i32
        %mul3A_76 = arith.constant 80 : i32
        %mul3A_77 = arith.muli %add3A, %mul3A_76 : i32
        %add3A_78 = arith.addi %mul3A_77, %add3A_73 : i32
        %lt3A_79 = arith.constant 2500 : i32
        %lt3A_80 = arith.cmpi slt, %add3A_78, %lt3A_79 : i32
        %and3A_81 = arith.andi %lt3A_75, %lt3A_80 : i1
        %convert_element_type3A_82 = arith.extui %and3A_81 : i1 to i32
        %cond3A_83 = arith.constant 0 : i32
        %cond3A_84 = arith.cmpi ne, %convert_element_type3A_82, %cond3A_83 : i32
        scf.if %cond3A_84 {
          %add3A_87 = arith.constant 1 : i32
          %add3A_88 = arith.addi %add3A_46, %add3A_87 : i32
          %mul3A_89 = arith.constant 80 : i32
          %mul3A_90 = arith.muli %add3A, %mul3A_89 : i32
          %add3A_91 = arith.addi %mul3A_90, %add3A_88 : i32
          %mul3A_92 = arith.constant 128 : i32
          %mul3A_93 = arith.muli %add3A_91, %mul3A_92 : i32
          %multiple_of3A_94 = tpu.assume_multiple %mul3A_93, 8 : i32
          %dma_start3A_95 = arith.constant 0 : i32
          %dma_start3A_96 = tpu.memref_slice %arg2[%multiple_of3A_94, %dma_start3A_95] : memref<320000x128xf32, #tpu.memory_space<hbm>> -> memref<128x128xf32, #tpu.memory_space<hbm>>
          %dma_start3A_97 = arith.constant 0 : i32
          %dma_start3A_98 = tpu.memref_slice %arg2[%multiple_of3A_94, %dma_start3A_97] : memref<320000x128xf32, #tpu.memory_space<hbm>> -> memref<128x128xf32, #tpu.memory_space<hbm>>
          tpu.enqueue_dma source(%dma_start3A_98 : memref<128x128xf32, #tpu.memory_space<hbm>>) target(%arg8 : memref<128x128xf32, #tpu.memory_space<vmem>>) target_semaphore(%arg10 : memref<!tpu.dma_semaphore, #tpu.memory_space<semaphore_mem>>)
        } else {
        }
        %rem3A_85 = arith.constant 16 : i32
        %rem3A_86 = arith.remsi %add3A_46, %rem3A_85 : i32
        "tpu.region"() ({
          %run_scoped3A = tpu.sem_alloc : memref<!tpu.dma_semaphore, #tpu.memory_space<semaphore_mem>>
          %dma_start3A_87 = arith.constant 0 : i32
          %dma_start3A_88 = tpu.memref_slice %arg7[%rem3A_86, %dma_start3A_87] : memref<16x128xi32, #tpu.memory_space<vmem>> -> memref<1x128xi32, #tpu.memory_space<vmem>>
          %dma_start3A_89 = tpu.memref_squeeze %dma_start3A_88 : memref<1x128xi32, #tpu.memory_space<vmem>> -> memref<128xi32, #tpu.memory_space<vmem>>
          %dma_start3A_90 = arith.constant 0 : i32
          %dma_start3A_91 = arith.constant 0 : i32
          %dma_start3A_92 = tpu.memref_slice %arg5[%dma_start3A_90, %dma_start3A_91] : memref<10000x128xf32, #tpu.memory_space<vmem_shared>> -> memref<10000x128xf32, #tpu.memory_space<vmem_shared>>
          tpu.enqueue_indirect_dma source(%arg9 : memref<128x128xf32, #tpu.memory_space<vmem>>) target(%dma_start3A_92 : memref<10000x128xf32, #tpu.memory_space<vmem_shared>>) offsets(%dma_start3A_89 : memref<128xi32, #tpu.memory_space<vmem>>) semaphore(%run_scoped3A : memref<!tpu.dma_semaphore, #tpu.memory_space<semaphore_mem>>) {add = true}
          %dma_wait3A_93 = arith.constant 0 : i32
          %dma_wait3A_94 = tpu.memref_slice %arg7[%rem3A_86, %dma_wait3A_93] : memref<16x128xi32, #tpu.memory_space<vmem>> -> memref<1x128xi32, #tpu.memory_space<vmem>>
          %dma_wait3A_95 = tpu.memref_squeeze %dma_wait3A_94 : memref<1x128xi32, #tpu.memory_space<vmem>> -> memref<128xi32, #tpu.memory_space<vmem>>
          %dma_wait3A_96 = arith.constant 0 : i32
          %dma_wait3A_97 = arith.constant 0 : i32
          %dma_wait3A_98 = tpu.memref_slice %arg5[%dma_wait3A_96, %dma_wait3A_97] : memref<10000x128xf32, #tpu.memory_space<vmem_shared>> -> memref<10000x128xf32, #tpu.memory_space<vmem_shared>>
          tpu.wait_indirect_dma semaphore(%run_scoped3A : memref<!tpu.dma_semaphore, #tpu.memory_space<semaphore_mem>>) src(%arg9 : memref<128x128xf32, #tpu.memory_space<vmem>>) dst(%dma_wait3A_98 : memref<10000x128xf32, #tpu.memory_space<vmem_shared>>)
          tpu.yield
        }) : () -> ()
      } else {
      }
    }
    %scan3A_26 = arith.constant 40 : i32
    %barrier3A_27 = arith.constant 0 : index
    tpu.barrier barrier_id(%barrier3A_27)
    %scan3A_28 = arith.constant 0 : i32
    %scan3A_29 = arith.constant 16 : i32
    %scan3A_30 = arith.addi %scan3A_28, %scan3A_29 : i32
    %scan3A_31 = arith.constant 1 : i32
    scf.for %scan3A_33 = %scan3A_28 to %scan3A_30 step %scan3A_31  : i32 {
      %mul3A_34 = arith.constant 1 : i32
      %mul3A_35 = arith.muli %scan3A_33, %mul3A_34 : i32
      %add3A_36 = arith.constant 0 : i32
      %add3A_37 = arith.addi %add3A_36, %mul3A_35 : i32
      %mul3A_38 = arith.constant 16 : i32
      %mul3A_39 = arith.muli %mul3A_38, %add3A_37 : i32
      %add3A_40 = arith.addi %arg1, %mul3A_39 : i32
      %lt3A = arith.constant 250 : i32
      %lt3A_41 = arith.cmpi slt, %add3A_40, %lt3A : i32
      %convert_element_type3A = arith.extui %lt3A_41 : i1 to i32
      %cond3A = arith.constant 0 : i32
      %cond3A_42 = arith.cmpi ne, %convert_element_type3A, %cond3A : i32
      scf.if %cond3A_42 {
        %mul3A_43 = arith.constant 40 : i32
        %mul3A_44 = arith.muli %add3A_40, %mul3A_43 : i32
        %multiple_of3A_45 = tpu.assume_multiple %mul3A_44, 8 : i32
        "tpu.region"() ({
          %run_scoped3A = tpu.sem_alloc : memref<!tpu.dma_semaphore, #tpu.memory_space<semaphore_mem>>
          %dma_start3A_46 = arith.constant 0 : i32
          %dma_start3A_47 = arith.constant 0 : i32
          %dma_start3A_48 = tpu.memref_slice %arg4[%arg0, %dma_start3A_46, %dma_start3A_47] : memref<2x10000x128xf32, #tpu.memory_space<hbm>> -> memref<1x10000x128xf32, #tpu.memory_space<hbm>>
          %dma_start3A_49 = tpu.memref_squeeze %dma_start3A_48 : memref<1x10000x128xf32, #tpu.memory_space<hbm>> -> memref<10000x128xf32, #tpu.memory_space<hbm>>
          %dma_start3A_50 = arith.constant 0 : i32
          %dma_start3A_51 = tpu.memref_slice %dma_start3A_49[%multiple_of3A_45, %dma_start3A_50] : memref<10000x128xf32, #tpu.memory_space<hbm>> -> memref<40x128xf32, #tpu.memory_space<hbm>>
          %dma_start3A_52 = arith.constant 0 : i32
          %dma_start3A_53 = tpu.memref_slice %arg5[%multiple_of3A_45, %dma_start3A_52] : memref<10000x128xf32, #tpu.memory_space<vmem_shared>> -> memref<40x128xf32, #tpu.memory_space<vmem_shared>>
          tpu.enqueue_dma source(%dma_start3A_53 : memref<40x128xf32, #tpu.memory_space<vmem_shared>>) target(%dma_start3A_51 : memref<40x128xf32, #tpu.memory_space<hbm>>) target_semaphore(%run_scoped3A : memref<!tpu.dma_semaphore, #tpu.memory_space<semaphore_mem>>)
          %dma_wait3A = arith.constant 0 : i32
          %dma_wait3A_54 = arith.constant 0 : i32
          %dma_wait3A_55 = tpu.memref_slice %arg4[%arg0, %dma_wait3A, %dma_wait3A_54] : memref<2x10000x128xf32, #tpu.memory_space<hbm>> -> memref<1x10000x128xf32, #tpu.memory_space<hbm>>
          %dma_wait3A_56 = tpu.memref_squeeze %dma_wait3A_55 : memref<1x10000x128xf32, #tpu.memory_space<hbm>> -> memref<10000x128xf32, #tpu.memory_space<hbm>>
          %dma_wait3A_57 = arith.constant 0 : i32
          %dma_wait3A_58 = tpu.memref_slice %dma_wait3A_56[%multiple_of3A_45, %dma_wait3A_57] : memref<10000x128xf32, #tpu.memory_space<hbm>> -> memref<40x128xf32, #tpu.memory_space<hbm>>
          %dma_wait3A_59 = arith.constant 0 : i32
          %dma_wait3A_60 = tpu.memref_slice %arg5[%multiple_of3A_45, %dma_wait3A_59] : memref<10000x128xf32, #tpu.memory_space<vmem_shared>> -> memref<40x128xf32, #tpu.memory_space<vmem_shared>>
          tpu.wait_dma2 semaphore(%run_scoped3A : memref<!tpu.dma_semaphore, #tpu.memory_space<semaphore_mem>>) src(%dma_wait3A_60 : memref<40x128xf32, #tpu.memory_space<vmem_shared>>) dst(%dma_wait3A_58 : memref<40x128xf32, #tpu.memory_space<hbm>>)
          tpu.yield
        }) : () -> ()
      } else {
      }
    }
    %scan3A_32 = arith.constant 16 : i32
    return
  }
}

#map = affine_map<(d0, d1) -> (0, 0)>
#map1 = affine_map<(d0, d1) -> (0)>
module attributes {stable_mosaic.version = 14 : i64} {
  func.func @_sc_gather(%arg0: i32, %arg1: i32, %arg2: memref<20000x128xf32, #tpu.memory_space<hbm>>, %arg3: memref<20000x128xf32, #tpu.memory_space<hbm>>, %arg4: memref<323712xi32, #tpu.memory_space<hbm>>, %arg5: memref<323712xi32, #tpu.memory_space<hbm>>, %arg6: memref<320000x128xf32, #tpu.memory_space<hbm>>, %arg7: memref<10240xi32, #tpu.memory_space<vmem>>, %arg8: memref<10240xi32, #tpu.memory_space<vmem>>, %arg9: memref<128x128xf32, #tpu.memory_space<vmem>>, %arg10: memref<128x128xf32, #tpu.memory_space<vmem>>, %arg11: memref<128x128xf32, #tpu.memory_space<vmem>>, %arg12: memref<128x128xf32, #tpu.memory_space<vmem>>, %arg13: memref<!tpu.dma_semaphore, #tpu.memory_space<semaphore_mem>>, %arg14: memref<!tpu.dma_semaphore, #tpu.memory_space<semaphore_mem>>, %arg15: memref<!tpu.dma_semaphore, #tpu.memory_space<semaphore_mem>>, %arg16: memref<!tpu.dma_semaphore, #tpu.memory_space<semaphore_mem>>) attributes {dimension_semantics = [#tpu.dimension_semantics<core_parallel>, #tpu.dimension_semantics<subcore_parallel>], iteration_bounds = array<i64: 2, 16>, scalar_prefetch = 0 : i64, scratch_operands = 10 : i64, tpu.core_type = #tpu.core_type<sc_vector_subcore>, window_params = [{transform_indices = #map}, {transform_indices = #map}, {transform_indices = #map1}, {transform_indices = #map1}, {transform_indices = #map}]} {
    %mul3A = arith.constant 2 : i32
    %mul3A_0 = arith.muli %arg1, %mul3A : i32
    %add3A = arith.addi %mul3A_0, %arg0 : i32
    %mul3A_1 = arith.constant 10112 : i32
    %mul3A_2 = arith.muli %add3A, %mul3A_1 : i32
    %multiple_of3A = tpu.assume_multiple %mul3A_2, 8 : i32
    "tpu.region"() ({
      %run_scoped3A = tpu.sem_alloc : memref<!tpu.dma_semaphore, #tpu.memory_space<semaphore_mem>>
      %dma_start3A_26 = tpu.memref_slice %arg4[%multiple_of3A] : memref<323712xi32, #tpu.memory_space<hbm>> -> memref<10240xi32, #tpu.memory_space<hbm>>
      %dma_start3A_27 = tpu.memref_slice %arg4[%multiple_of3A] : memref<323712xi32, #tpu.memory_space<hbm>> -> memref<10240xi32, #tpu.memory_space<hbm>>
      tpu.enqueue_dma source(%dma_start3A_27 : memref<10240xi32, #tpu.memory_space<hbm>>) target(%arg7 : memref<10240xi32, #tpu.memory_space<vmem>>) target_semaphore(%run_scoped3A : memref<!tpu.dma_semaphore, #tpu.memory_space<semaphore_mem>>)
      %dma_wait3A_28 = tpu.memref_slice %arg4[%multiple_of3A] : memref<323712xi32, #tpu.memory_space<hbm>> -> memref<10240xi32, #tpu.memory_space<hbm>>
      %dma_wait3A_29 = tpu.memref_slice %arg4[%multiple_of3A] : memref<323712xi32, #tpu.memory_space<hbm>> -> memref<10240xi32, #tpu.memory_space<hbm>>
      tpu.wait_dma2 semaphore(%run_scoped3A : memref<!tpu.dma_semaphore, #tpu.memory_space<semaphore_mem>>) src(%dma_wait3A_29 : memref<10240xi32, #tpu.memory_space<hbm>>) dst(%arg7 : memref<10240xi32, #tpu.memory_space<vmem>>)
      tpu.yield
    }) : () -> ()
    "tpu.region"() ({
      %run_scoped3A = tpu.sem_alloc : memref<!tpu.dma_semaphore, #tpu.memory_space<semaphore_mem>>
      %dma_start3A_26 = tpu.memref_slice %arg5[%multiple_of3A] : memref<323712xi32, #tpu.memory_space<hbm>> -> memref<10240xi32, #tpu.memory_space<hbm>>
      %dma_start3A_27 = tpu.memref_slice %arg5[%multiple_of3A] : memref<323712xi32, #tpu.memory_space<hbm>> -> memref<10240xi32, #tpu.memory_space<hbm>>
      tpu.enqueue_dma source(%dma_start3A_27 : memref<10240xi32, #tpu.memory_space<hbm>>) target(%arg8 : memref<10240xi32, #tpu.memory_space<vmem>>) target_semaphore(%run_scoped3A : memref<!tpu.dma_semaphore, #tpu.memory_space<semaphore_mem>>)
      %dma_wait3A_28 = tpu.memref_slice %arg5[%multiple_of3A] : memref<323712xi32, #tpu.memory_space<hbm>> -> memref<10240xi32, #tpu.memory_space<hbm>>
      %dma_wait3A_29 = tpu.memref_slice %arg5[%multiple_of3A] : memref<323712xi32, #tpu.memory_space<hbm>> -> memref<10240xi32, #tpu.memory_space<hbm>>
      tpu.wait_dma2 semaphore(%run_scoped3A : memref<!tpu.dma_semaphore, #tpu.memory_space<semaphore_mem>>) src(%dma_wait3A_29 : memref<10240xi32, #tpu.memory_space<hbm>>) dst(%arg8 : memref<10240xi32, #tpu.memory_space<vmem>>)
      tpu.yield
    }) : () -> ()
    %multiple_of3A_3 = arith.constant 0 : i32
    %multiple_of3A_4 = tpu.assume_multiple %multiple_of3A_3, 8 : i32
    %dma_start3A = tpu.memref_slice %arg7[%multiple_of3A_4] : memref<10240xi32, #tpu.memory_space<vmem>> -> memref<128xi32, #tpu.memory_space<vmem>>
    %dma_start3A_5 = arith.constant 0 : i32
    %dma_start3A_6 = arith.constant 0 : i32
    %dma_start3A_7 = tpu.memref_slice %arg2[%dma_start3A_5, %dma_start3A_6] : memref<20000x128xf32, #tpu.memory_space<hbm>> -> memref<20000x128xf32, #tpu.memory_space<hbm>>
    tpu.enqueue_indirect_dma source(%dma_start3A_7 : memref<20000x128xf32, #tpu.memory_space<hbm>>) target(%arg9 : memref<128x128xf32, #tpu.memory_space<vmem>>) offsets(%dma_start3A : memref<128xi32, #tpu.memory_space<vmem>>) semaphore(%arg13 : memref<!tpu.dma_semaphore, #tpu.memory_space<semaphore_mem>>)
    %dma_start3A_8 = tpu.memref_slice %arg8[%multiple_of3A_4] : memref<10240xi32, #tpu.memory_space<vmem>> -> memref<128xi32, #tpu.memory_space<vmem>>
    %dma_start3A_9 = arith.constant 0 : i32
    %dma_start3A_10 = arith.constant 0 : i32
    %dma_start3A_11 = tpu.memref_slice %arg3[%dma_start3A_9, %dma_start3A_10] : memref<20000x128xf32, #tpu.memory_space<hbm>> -> memref<20000x128xf32, #tpu.memory_space<hbm>>
    tpu.enqueue_indirect_dma source(%dma_start3A_11 : memref<20000x128xf32, #tpu.memory_space<hbm>>) target(%arg11 : memref<128x128xf32, #tpu.memory_space<vmem>>) offsets(%dma_start3A_8 : memref<128xi32, #tpu.memory_space<vmem>>) semaphore(%arg13 : memref<!tpu.dma_semaphore, #tpu.memory_space<semaphore_mem>>)
    %scan3A = arith.constant 0 : i32
    %scan3A_12 = arith.constant 40 : i32
    %scan3A_13 = arith.addi %scan3A, %scan3A_12 : i32
    %scan3A_14 = arith.constant 1 : i32
    scf.for %scan3A_26 = %scan3A to %scan3A_13 step %scan3A_14  : i32 {
      %mul3A_27 = arith.constant 2 : i32
      %mul3A_28 = arith.muli %scan3A_26, %mul3A_27 : i32
      %add3A_29 = arith.constant 0 : i32
      %add3A_30 = arith.addi %add3A_29, %mul3A_28 : i32
      %lt3A = arith.constant 79 : i32
      %lt3A_31 = arith.cmpi slt, %add3A_30, %lt3A : i32
      %mul3A_32 = arith.constant 79 : i32
      %mul3A_33 = arith.muli %add3A, %mul3A_32 : i32
      %add3A_34 = arith.addi %mul3A_33, %add3A_30 : i32
      %lt3A_35 = arith.constant 2500 : i32
      %lt3A_36 = arith.cmpi slt, %add3A_34, %lt3A_35 : i32
      %and3A = arith.andi %lt3A_31, %lt3A_36 : i1
      %convert_element_type3A = arith.extui %and3A : i1 to i32
      %cond3A = arith.constant 0 : i32
      %cond3A_37 = arith.cmpi ne, %convert_element_type3A, %cond3A : i32
      scf.if %cond3A_37 {
        %mul3A_51 = arith.constant 128 : i32
        %mul3A_52 = arith.muli %add3A_30, %mul3A_51 : i32
        %multiple_of3A_53 = tpu.assume_multiple %mul3A_52, 8 : i32
        %dma_wait3A_54 = tpu.memref_slice %arg7[%multiple_of3A_53] : memref<10240xi32, #tpu.memory_space<vmem>> -> memref<128xi32, #tpu.memory_space<vmem>>
        %dma_wait3A_55 = arith.constant 0 : i32
        %dma_wait3A_56 = arith.constant 0 : i32
        %dma_wait3A_57 = tpu.memref_slice %arg2[%dma_wait3A_55, %dma_wait3A_56] : memref<20000x128xf32, #tpu.memory_space<hbm>> -> memref<20000x128xf32, #tpu.memory_space<hbm>>
        tpu.wait_indirect_dma semaphore(%arg13 : memref<!tpu.dma_semaphore, #tpu.memory_space<semaphore_mem>>) src(%dma_wait3A_57 : memref<20000x128xf32, #tpu.memory_space<hbm>>) dst(%arg9 : memref<128x128xf32, #tpu.memory_space<vmem>>)
        %dma_wait3A_58 = tpu.memref_slice %arg8[%multiple_of3A_53] : memref<10240xi32, #tpu.memory_space<vmem>> -> memref<128xi32, #tpu.memory_space<vmem>>
        %dma_wait3A_59 = arith.constant 0 : i32
        %dma_wait3A_60 = arith.constant 0 : i32
        %dma_wait3A_61 = tpu.memref_slice %arg3[%dma_wait3A_59, %dma_wait3A_60] : memref<20000x128xf32, #tpu.memory_space<hbm>> -> memref<20000x128xf32, #tpu.memory_space<hbm>>
        tpu.wait_indirect_dma semaphore(%arg13 : memref<!tpu.dma_semaphore, #tpu.memory_space<semaphore_mem>>) src(%dma_wait3A_61 : memref<20000x128xf32, #tpu.memory_space<hbm>>) dst(%arg11 : memref<128x128xf32, #tpu.memory_space<vmem>>)
        %ge3A = arith.constant 1 : i32
        %ge3A_62 = arith.cmpi sge, %add3A_30, %ge3A : i32
        %sub3A = arith.constant 1 : i32
        %sub3A_63 = arith.subi %add3A_30, %sub3A : i32
        %lt3A_64 = arith.constant 79 : i32
        %lt3A_65 = arith.cmpi slt, %sub3A_63, %lt3A_64 : i32
        %mul3A_66 = arith.constant 79 : i32
        %mul3A_67 = arith.muli %add3A, %mul3A_66 : i32
        %add3A_68 = arith.addi %mul3A_67, %sub3A_63 : i32
        %lt3A_69 = arith.constant 2500 : i32
        %lt3A_70 = arith.cmpi slt, %add3A_68, %lt3A_69 : i32
        %and3A_71 = arith.andi %lt3A_65, %lt3A_70 : i1
        %and3A_72 = arith.andi %ge3A_62, %and3A_71 : i1
        %convert_element_type3A_73 = arith.extui %and3A_72 : i1 to i32
        %cond3A_74 = arith.constant 0 : i32
        %cond3A_75 = arith.cmpi ne, %convert_element_type3A_73, %cond3A_74 : i32
        scf.if %cond3A_75 {
          %sub3A_104 = arith.constant 1 : i32
          %sub3A_105 = arith.subi %add3A_30, %sub3A_104 : i32
          %mul3A_106 = arith.constant 79 : i32
          %mul3A_107 = arith.muli %add3A, %mul3A_106 : i32
          %add3A_108 = arith.addi %mul3A_107, %sub3A_105 : i32
          %mul3A_109 = arith.constant 128 : i32
          %mul3A_110 = arith.muli %add3A_108, %mul3A_109 : i32
          %multiple_of3A_111 = tpu.assume_multiple %mul3A_110, 8 : i32
          %dma_wait3A_112 = arith.constant 0 : i32
          %dma_wait3A_113 = tpu.memref_slice %arg6[%multiple_of3A_111, %dma_wait3A_112] : memref<320000x128xf32, #tpu.memory_space<hbm>> -> memref<128x128xf32, #tpu.memory_space<hbm>>
          %dma_wait3A_114 = arith.constant 0 : i32
          %dma_wait3A_115 = tpu.memref_slice %arg6[%multiple_of3A_111, %dma_wait3A_114] : memref<320000x128xf32, #tpu.memory_space<hbm>> -> memref<128x128xf32, #tpu.memory_space<hbm>>
          tpu.wait_dma2 semaphore(%arg16 : memref<!tpu.dma_semaphore, #tpu.memory_space<semaphore_mem>>) src(%arg12 : memref<128x128xf32, #tpu.memory_space<vmem>>) dst(%dma_wait3A_115 : memref<128x128xf32, #tpu.memory_space<hbm>>)
        } else {
        }
        %add3A_76 = arith.constant 1 : i32
        %add3A_77 = arith.addi %add3A_30, %add3A_76 : i32
        %lt3A_78 = arith.constant 79 : i32
        %lt3A_79 = arith.cmpi slt, %add3A_77, %lt3A_78 : i32
        %mul3A_80 = arith.constant 79 : i32
        %mul3A_81 = arith.muli %add3A, %mul3A_80 : i32
        %add3A_82 = arith.addi %mul3A_81, %add3A_77 : i32
        %lt3A_83 = arith.constant 2500 : i32
        %lt3A_84 = arith.cmpi slt, %add3A_82, %lt3A_83 : i32
        %and3A_85 = arith.andi %lt3A_79, %lt3A_84 : i1
        %convert_element_type3A_86 = arith.extui %and3A_85 : i1 to i32
        %cond3A_87 = arith.constant 0 : i32
        %cond3A_88 = arith.cmpi ne, %convert_element_type3A_86, %cond3A_87 : i32
        scf.if %cond3A_88 {
          %add3A_104 = arith.constant 1 : i32
          %add3A_105 = arith.addi %add3A_30, %add3A_104 : i32
          %mul3A_106 = arith.constant 128 : i32
          %mul3A_107 = arith.muli %add3A_105, %mul3A_106 : i32
          %multiple_of3A_108 = tpu.assume_multiple %mul3A_107, 8 : i32
          %dma_start3A_109 = tpu.memref_slice %arg7[%multiple_of3A_108] : memref<10240xi32, #tpu.memory_space<vmem>> -> memref<128xi32, #tpu.memory_space<vmem>>
          %dma_start3A_110 = arith.constant 0 : i32
          %dma_start3A_111 = arith.constant 0 : i32
          %dma_start3A_112 = tpu.memref_slice %arg2[%dma_start3A_110, %dma_start3A_111] : memref<20000x128xf32, #tpu.memory_space<hbm>> -> memref<20000x128xf32, #tpu.memory_space<hbm>>
          tpu.enqueue_indirect_dma source(%dma_start3A_112 : memref<20000x128xf32, #tpu.memory_space<hbm>>) target(%arg10 : memref<128x128xf32, #tpu.memory_space<vmem>>) offsets(%dma_start3A_109 : memref<128xi32, #tpu.memory_space<vmem>>) semaphore(%arg14 : memref<!tpu.dma_semaphore, #tpu.memory_space<semaphore_mem>>)
          %dma_start3A_113 = tpu.memref_slice %arg8[%multiple_of3A_108] : memref<10240xi32, #tpu.memory_space<vmem>> -> memref<128xi32, #tpu.memory_space<vmem>>
          %dma_start3A_114 = arith.constant 0 : i32
          %dma_start3A_115 = arith.constant 0 : i32
          %dma_start3A_116 = tpu.memref_slice %arg3[%dma_start3A_114, %dma_start3A_115] : memref<20000x128xf32, #tpu.memory_space<hbm>> -> memref<20000x128xf32, #tpu.memory_space<hbm>>
          tpu.enqueue_indirect_dma source(%dma_start3A_116 : memref<20000x128xf32, #tpu.memory_space<hbm>>) target(%arg12 : memref<128x128xf32, #tpu.memory_space<vmem>>) offsets(%dma_start3A_113 : memref<128xi32, #tpu.memory_space<vmem>>) semaphore(%arg14 : memref<!tpu.dma_semaphore, #tpu.memory_space<semaphore_mem>>)
        } else {
        }
        %scan3A_89 = arith.constant 0 : i32
        %scan3A_90 = arith.constant 128 : i32
        %scan3A_91 = arith.addi %scan3A_89, %scan3A_90 : i32
        %scan3A_92 = arith.constant 1 : i32
        scf.for %scan3A_104 = %scan3A_89 to %scan3A_91 step %scan3A_92  : i32 {
          %mul3A_105 = arith.constant 1 : i32
          %mul3A_106 = arith.muli %scan3A_104, %mul3A_105 : i32
          %add3A_107 = arith.constant 0 : i32
          %add3A_108 = arith.addi %add3A_107, %mul3A_106 : i32
          %get3A = arith.index_cast %add3A_108 : i32 to index
          %get3A_109 = arith.constant 0 : index
          %get3A_110 = tpu.vector_load %arg9[%get3A, %get3A_109] {strides = array<i32>} : memref<128x128xf32, #tpu.memory_space<vmem>>, vector<1x16xf32>,
          %get3A_111 = vector.shape_cast %get3A_110 : vector<1x16xf32> to vector<16xf32>
          %get3A_112 = arith.index_cast %add3A_108 : i32 to index
          %get3A_113 = arith.constant 0 : index
          %get3A_114 = tpu.vector_load %arg11[%get3A_112, %get3A_113] {strides = array<i32>} : memref<128x128xf32, #tpu.memory_space<vmem>>, vector<1x16xf32>,
          %get3A_115 = vector.shape_cast %get3A_114 : vector<1x16xf32> to vector<16xf32>
          %add3A_116 = arith.addf %get3A_111, %get3A_115 : vector<16xf32>
          %swap3A = arith.index_cast %add3A_108 : i32 to index
          %swap3A_117 = arith.constant 0 : index
          %swap3A_118 = tpu.vector_load %arg11[%swap3A, %swap3A_117] {strides = array<i32>} : memref<128x128xf32, #tpu.memory_space<vmem>>, vector<1x16xf32>,
          %swap3A_119 = vector.shape_cast %swap3A_118 : vector<1x16xf32> to vector<16xf32>
          %swap3A_120 = vector.shape_cast %add3A_116 : vector<16xf32> to vector<1x16xf32>
          tpu.vector_store %arg11[%swap3A, %swap3A_117], %swap3A_120 {strides = array<i32>} : memref<128x128xf32, #tpu.memory_space<vmem>>, vector<1x16xf32>,
          %get3A_121 = arith.index_cast %add3A_108 : i32 to index
          %get3A_122 = arith.constant 16 : index
          %get3A_123 = tpu.vector_load %arg9[%get3A_121, %get3A_122] {strides = array<i32>} : memref<128x128xf32, #tpu.memory_space<vmem>>, vector<1x16xf32>,
          %get3A_124 = vector.shape_cast %get3A_123 : vector<1x16xf32> to vector<16xf32>
          %get3A_125 = arith.index_cast %add3A_108 : i32 to index
          %get3A_126 = arith.constant 16 : index
          %get3A_127 = tpu.vector_load %arg11[%get3A_125, %get3A_126] {strides = array<i32>} : memref<128x128xf32, #tpu.memory_space<vmem>>, vector<1x16xf32>,
          %get3A_128 = vector.shape_cast %get3A_127 : vector<1x16xf32> to vector<16xf32>
          %add3A_129 = arith.addf %get3A_124, %get3A_128 : vector<16xf32>
          %swap3A_130 = arith.index_cast %add3A_108 : i32 to index
          %swap3A_131 = arith.constant 16 : index
          %swap3A_132 = tpu.vector_load %arg11[%swap3A_130, %swap3A_131] {strides = array<i32>} : memref<128x128xf32, #tpu.memory_space<vmem>>, vector<1x16xf32>,
          %swap3A_133 = vector.shape_cast %swap3A_132 : vector<1x16xf32> to vector<16xf32>
          %swap3A_134 = vector.shape_cast %add3A_129 : vector<16xf32> to vector<1x16xf32>
          tpu.vector_store %arg11[%swap3A_130, %swap3A_131], %swap3A_134 {strides = array<i32>} : memref<128x128xf32, #tpu.memory_space<vmem>>, vector<1x16xf32>,
          %get3A_135 = arith.index_cast %add3A_108 : i32 to index
          %get3A_136 = arith.constant 32 : index
          %get3A_137 = tpu.vector_load %arg9[%get3A_135, %get3A_136] {strides = array<i32>} : memref<128x128xf32, #tpu.memory_space<vmem>>, vector<1x16xf32>,
          %get3A_138 = vector.shape_cast %get3A_137 : vector<1x16xf32> to vector<16xf32>
          %get3A_139 = arith.index_cast %add3A_108 : i32 to index
          %get3A_140 = arith.constant 32 : index
          %get3A_141 = tpu.vector_load %arg11[%get3A_139, %get3A_140] {strides = array<i32>} : memref<128x128xf32, #tpu.memory_space<vmem>>, vector<1x16xf32>,
          %get3A_142 = vector.shape_cast %get3A_141 : vector<1x16xf32> to vector<16xf32>
          %add3A_143 = arith.addf %get3A_138, %get3A_142 : vector<16xf32>
          %swap3A_144 = arith.index_cast %add3A_108 : i32 to index
          %swap3A_145 = arith.constant 32 : index
          %swap3A_146 = tpu.vector_load %arg11[%swap3A_144, %swap3A_145] {strides = array<i32>} : memref<128x128xf32, #tpu.memory_space<vmem>>, vector<1x16xf32>,
          %swap3A_147 = vector.shape_cast %swap3A_146 : vector<1x16xf32> to vector<16xf32>
          %swap3A_148 = vector.shape_cast %add3A_143 : vector<16xf32> to vector<1x16xf32>
          tpu.vector_store %arg11[%swap3A_144, %swap3A_145], %swap3A_148 {strides = array<i32>} : memref<128x128xf32, #tpu.memory_space<vmem>>, vector<1x16xf32>,
          %get3A_149 = arith.index_cast %add3A_108 : i32 to index
          %get3A_150 = arith.constant 48 : index
          %get3A_151 = tpu.vector_load %arg9[%get3A_149, %get3A_150] {strides = array<i32>} : memref<128x128xf32, #tpu.memory_space<vmem>>, vector<1x16xf32>,
          %get3A_152 = vector.shape_cast %get3A_151 : vector<1x16xf32> to vector<16xf32>
          %get3A_153 = arith.index_cast %add3A_108 : i32 to index
          %get3A_154 = arith.constant 48 : index
          %get3A_155 = tpu.vector_load %arg11[%get3A_153, %get3A_154] {strides = array<i32>} : memref<128x128xf32, #tpu.memory_space<vmem>>, vector<1x16xf32>,
          %get3A_156 = vector.shape_cast %get3A_155 : vector<1x16xf32> to vector<16xf32>
          %add3A_157 = arith.addf %get3A_152, %get3A_156 : vector<16xf32>
          %swap3A_158 = arith.index_cast %add3A_108 : i32 to index
          %swap3A_159 = arith.constant 48 : index
          %swap3A_160 = tpu.vector_load %arg11[%swap3A_158, %swap3A_159] {strides = array<i32>} : memref<128x128xf32, #tpu.memory_space<vmem>>, vector<1x16xf32>,
          %swap3A_161 = vector.shape_cast %swap3A_160 : vector<1x16xf32> to vector<16xf32>
          %swap3A_162 = vector.shape_cast %add3A_157 : vector<16xf32> to vector<1x16xf32>
          tpu.vector_store %arg11[%swap3A_158, %swap3A_159], %swap3A_162 {strides = array<i32>} : memref<128x128xf32, #tpu.memory_space<vmem>>, vector<1x16xf32>,
          %get3A_163 = arith.index_cast %add3A_108 : i32 to index
          %get3A_164 = arith.constant 64 : index
          %get3A_165 = tpu.vector_load %arg9[%get3A_163, %get3A_164] {strides = array<i32>} : memref<128x128xf32, #tpu.memory_space<vmem>>, vector<1x16xf32>,
          %get3A_166 = vector.shape_cast %get3A_165 : vector<1x16xf32> to vector<16xf32>
          %get3A_167 = arith.index_cast %add3A_108 : i32 to index
          %get3A_168 = arith.constant 64 : index
          %get3A_169 = tpu.vector_load %arg11[%get3A_167, %get3A_168] {strides = array<i32>} : memref<128x128xf32, #tpu.memory_space<vmem>>, vector<1x16xf32>,
          %get3A_170 = vector.shape_cast %get3A_169 : vector<1x16xf32> to vector<16xf32>
          %add3A_171 = arith.addf %get3A_166, %get3A_170 : vector<16xf32>
          %swap3A_172 = arith.index_cast %add3A_108 : i32 to index
          %swap3A_173 = arith.constant 64 : index
          %swap3A_174 = tpu.vector_load %arg11[%swap3A_172, %swap3A_173] {strides = array<i32>} : memref<128x128xf32, #tpu.memory_space<vmem>>, vector<1x16xf32>,
          %swap3A_175 = vector.shape_cast %swap3A_174 : vector<1x16xf32> to vector<16xf32>
          %swap3A_176 = vector.shape_cast %add3A_171 : vector<16xf32> to vector<1x16xf32>
          tpu.vector_store %arg11[%swap3A_172, %swap3A_173], %swap3A_176 {strides = array<i32>} : memref<128x128xf32, #tpu.memory_space<vmem>>, vector<1x16xf32>,
          %get3A_177 = arith.index_cast %add3A_108 : i32 to index
          %get3A_178 = arith.constant 80 : index
          %get3A_179 = tpu.vector_load %arg9[%get3A_177, %get3A_178] {strides = array<i32>} : memref<128x128xf32, #tpu.memory_space<vmem>>, vector<1x16xf32>,
          %get3A_180 = vector.shape_cast %get3A_179 : vector<1x16xf32> to vector<16xf32>
          %get3A_181 = arith.index_cast %add3A_108 : i32 to index
          %get3A_182 = arith.constant 80 : index
          %get3A_183 = tpu.vector_load %arg11[%get3A_181, %get3A_182] {strides = array<i32>} : memref<128x128xf32, #tpu.memory_space<vmem>>, vector<1x16xf32>,
          %get3A_184 = vector.shape_cast %get3A_183 : vector<1x16xf32> to vector<16xf32>
          %add3A_185 = arith.addf %get3A_180, %get3A_184 : vector<16xf32>
          %swap3A_186 = arith.index_cast %add3A_108 : i32 to index
          %swap3A_187 = arith.constant 80 : index
          %swap3A_188 = tpu.vector_load %arg11[%swap3A_186, %swap3A_187] {strides = array<i32>} : memref<128x128xf32, #tpu.memory_space<vmem>>, vector<1x16xf32>,
          %swap3A_189 = vector.shape_cast %swap3A_188 : vector<1x16xf32> to vector<16xf32>
          %swap3A_190 = vector.shape_cast %add3A_185 : vector<16xf32> to vector<1x16xf32>
          tpu.vector_store %arg11[%swap3A_186, %swap3A_187], %swap3A_190 {strides = array<i32>} : memref<128x128xf32, #tpu.memory_space<vmem>>, vector<1x16xf32>,
          %get3A_191 = arith.index_cast %add3A_108 : i32 to index
          %get3A_192 = arith.constant 96 : index
          %get3A_193 = tpu.vector_load %arg9[%get3A_191, %get3A_192] {strides = array<i32>} : memref<128x128xf32, #tpu.memory_space<vmem>>, vector<1x16xf32>,
          %get3A_194 = vector.shape_cast %get3A_193 : vector<1x16xf32> to vector<16xf32>
          %get3A_195 = arith.index_cast %add3A_108 : i32 to index
          %get3A_196 = arith.constant 96 : index
          %get3A_197 = tpu.vector_load %arg11[%get3A_195, %get3A_196] {strides = array<i32>} : memref<128x128xf32, #tpu.memory_space<vmem>>, vector<1x16xf32>,
          %get3A_198 = vector.shape_cast %get3A_197 : vector<1x16xf32> to vector<16xf32>
          %add3A_199 = arith.addf %get3A_194, %get3A_198 : vector<16xf32>
          %swap3A_200 = arith.index_cast %add3A_108 : i32 to index
          %swap3A_201 = arith.constant 96 : index
          %swap3A_202 = tpu.vector_load %arg11[%swap3A_200, %swap3A_201] {strides = array<i32>} : memref<128x128xf32, #tpu.memory_space<vmem>>, vector<1x16xf32>,
          %swap3A_203 = vector.shape_cast %swap3A_202 : vector<1x16xf32> to vector<16xf32>
          %swap3A_204 = vector.shape_cast %add3A_199 : vector<16xf32> to vector<1x16xf32>
          tpu.vector_store %arg11[%swap3A_200, %swap3A_201], %swap3A_204 {strides = array<i32>} : memref<128x128xf32, #tpu.memory_space<vmem>>, vector<1x16xf32>,
          %get3A_205 = arith.index_cast %add3A_108 : i32 to index
          %get3A_206 = arith.constant 112 : index
          %get3A_207 = tpu.vector_load %arg9[%get3A_205, %get3A_206] {strides = array<i32>} : memref<128x128xf32, #tpu.memory_space<vmem>>, vector<1x16xf32>,
          %get3A_208 = vector.shape_cast %get3A_207 : vector<1x16xf32> to vector<16xf32>
          %get3A_209 = arith.index_cast %add3A_108 : i32 to index
          %get3A_210 = arith.constant 112 : index
          %get3A_211 = tpu.vector_load %arg11[%get3A_209, %get3A_210] {strides = array<i32>} : memref<128x128xf32, #tpu.memory_space<vmem>>, vector<1x16xf32>,
          %get3A_212 = vector.shape_cast %get3A_211 : vector<1x16xf32> to vector<16xf32>
          %add3A_213 = arith.addf %get3A_208, %get3A_212 : vector<16xf32>
          %swap3A_214 = arith.index_cast %add3A_108 : i32 to index
          %swap3A_215 = arith.constant 112 : index
          %swap3A_216 = tpu.vector_load %arg11[%swap3A_214, %swap3A_215] {strides = array<i32>} : memref<128x128xf32, #tpu.memory_space<vmem>>, vector<1x16xf32>,
          %swap3A_217 = vector.shape_cast %swap3A_216 : vector<1x16xf32> to vector<16xf32>
          %swap3A_218 = vector.shape_cast %add3A_213 : vector<16xf32> to vector<1x16xf32>
          tpu.vector_store %arg11[%swap3A_214, %swap3A_215], %swap3A_218 {strides = array<i32>} : memref<128x128xf32, #tpu.memory_space<vmem>>, vector<1x16xf32>,
        }
        %scan3A_93 = arith.constant 128 : i32
        %mul3A_94 = arith.constant 79 : i32
        %mul3A_95 = arith.muli %add3A, %mul3A_94 : i32
        %add3A_96 = arith.addi %mul3A_95, %add3A_30 : i32
        %mul3A_97 = arith.constant 128 : i32
        %mul3A_98 = arith.muli %add3A_96, %mul3A_97 : i32
        %multiple_of3A_99 = tpu.assume_multiple %mul3A_98, 8 : i32
        %dma_start3A_100 = arith.constant 0 : i32
        %dma_start3A_101 = tpu.memref_slice %arg6[%multiple_of3A_99, %dma_start3A_100] : memref<320000x128xf32, #tpu.memory_space<hbm>> -> memref<128x128xf32, #tpu.memory_space<hbm>>
        %dma_start3A_102 = arith.constant 0 : i32
        %dma_start3A_103 = tpu.memref_slice %arg6[%multiple_of3A_99, %dma_start3A_102] : memref<320000x128xf32, #tpu.memory_space<hbm>> -> memref<128x128xf32, #tpu.memory_space<hbm>>
        tpu.enqueue_dma source(%arg11 : memref<128x128xf32, #tpu.memory_space<vmem>>) target(%dma_start3A_103 : memref<128x128xf32, #tpu.memory_space<hbm>>) target_semaphore(%arg15 : memref<!tpu.dma_semaphore, #tpu.memory_space<semaphore_mem>>)
      } else {
      }
      %add3A_38 = arith.constant 1 : i32
      %add3A_39 = arith.addi %add3A_30, %add3A_38 : i32
      %lt3A_40 = arith.constant 79 : i32
      %lt3A_41 = arith.cmpi slt, %add3A_39, %lt3A_40 : i32
      %mul3A_42 = arith.constant 79 : i32
      %mul3A_43 = arith.muli %add3A, %mul3A_42 : i32
      %add3A_44 = arith.addi %mul3A_43, %add3A_39 : i32
      %lt3A_45 = arith.constant 2500 : i32
      %lt3A_46 = arith.cmpi slt, %add3A_44, %lt3A_45 : i32
      %and3A_47 = arith.andi %lt3A_41, %lt3A_46 : i1
      %convert_element_type3A_48 = arith.extui %and3A_47 : i1 to i32
      %cond3A_49 = arith.constant 0 : i32
      %cond3A_50 = arith.cmpi ne, %convert_element_type3A_48, %cond3A_49 : i32
      scf.if %cond3A_50 {
        %mul3A_51 = arith.constant 128 : i32
        %mul3A_52 = arith.muli %add3A_39, %mul3A_51 : i32
        %multiple_of3A_53 = tpu.assume_multiple %mul3A_52, 8 : i32
        %dma_wait3A_54 = tpu.memref_slice %arg7[%multiple_of3A_53] : memref<10240xi32, #tpu.memory_space<vmem>> -> memref<128xi32, #tpu.memory_space<vmem>>
        %dma_wait3A_55 = arith.constant 0 : i32
        %dma_wait3A_56 = arith.constant 0 : i32
        %dma_wait3A_57 = tpu.memref_slice %arg2[%dma_wait3A_55, %dma_wait3A_56] : memref<20000x128xf32, #tpu.memory_space<hbm>> -> memref<20000x128xf32, #tpu.memory_space<hbm>>
        tpu.wait_indirect_dma semaphore(%arg14 : memref<!tpu.dma_semaphore, #tpu.memory_space<semaphore_mem>>) src(%dma_wait3A_57 : memref<20000x128xf32, #tpu.memory_space<hbm>>) dst(%arg10 : memref<128x128xf32, #tpu.memory_space<vmem>>)
        %dma_wait3A_58 = tpu.memref_slice %arg8[%multiple_of3A_53] : memref<10240xi32, #tpu.memory_space<vmem>> -> memref<128xi32, #tpu.memory_space<vmem>>
        %dma_wait3A_59 = arith.constant 0 : i32
        %dma_wait3A_60 = arith.constant 0 : i32
        %dma_wait3A_61 = tpu.memref_slice %arg3[%dma_wait3A_59, %dma_wait3A_60] : memref<20000x128xf32, #tpu.memory_space<hbm>> -> memref<20000x128xf32, #tpu.memory_space<hbm>>
        tpu.wait_indirect_dma semaphore(%arg14 : memref<!tpu.dma_semaphore, #tpu.memory_space<semaphore_mem>>) src(%dma_wait3A_61 : memref<20000x128xf32, #tpu.memory_space<hbm>>) dst(%arg12 : memref<128x128xf32, #tpu.memory_space<vmem>>)
        %ge3A = arith.constant 1 : i32
        %ge3A_62 = arith.cmpi sge, %add3A_39, %ge3A : i32
        %sub3A = arith.constant 1 : i32
        %sub3A_63 = arith.subi %add3A_39, %sub3A : i32
        %lt3A_64 = arith.constant 79 : i32
        %lt3A_65 = arith.cmpi slt, %sub3A_63, %lt3A_64 : i32
        %mul3A_66 = arith.constant 79 : i32
        %mul3A_67 = arith.muli %add3A, %mul3A_66 : i32
        %add3A_68 = arith.addi %mul3A_67, %sub3A_63 : i32
        %lt3A_69 = arith.constant 2500 : i32
        %lt3A_70 = arith.cmpi slt, %add3A_68, %lt3A_69 : i32
        %and3A_71 = arith.andi %lt3A_65, %lt3A_70 : i1
        %and3A_72 = arith.andi %ge3A_62, %and3A_71 : i1
        %convert_element_type3A_73 = arith.extui %and3A_72 : i1 to i32
        %cond3A_74 = arith.constant 0 : i32
        %cond3A_75 = arith.cmpi ne, %convert_element_type3A_73, %cond3A_74 : i32
        scf.if %cond3A_75 {
          %sub3A_104 = arith.constant 1 : i32
          %sub3A_105 = arith.subi %add3A_39, %sub3A_104 : i32
          %mul3A_106 = arith.constant 79 : i32
          %mul3A_107 = arith.muli %add3A, %mul3A_106 : i32
          %add3A_108 = arith.addi %mul3A_107, %sub3A_105 : i32
          %mul3A_109 = arith.constant 128 : i32
          %mul3A_110 = arith.muli %add3A_108, %mul3A_109 : i32
          %multiple_of3A_111 = tpu.assume_multiple %mul3A_110, 8 : i32
          %dma_wait3A_112 = arith.constant 0 : i32
          %dma_wait3A_113 = tpu.memref_slice %arg6[%multiple_of3A_111, %dma_wait3A_112] : memref<320000x128xf32, #tpu.memory_space<hbm>> -> memref<128x128xf32, #tpu.memory_space<hbm>>
          %dma_wait3A_114 = arith.constant 0 : i32
          %dma_wait3A_115 = tpu.memref_slice %arg6[%multiple_of3A_111, %dma_wait3A_114] : memref<320000x128xf32, #tpu.memory_space<hbm>> -> memref<128x128xf32, #tpu.memory_space<hbm>>
          tpu.wait_dma2 semaphore(%arg15 : memref<!tpu.dma_semaphore, #tpu.memory_space<semaphore_mem>>) src(%arg11 : memref<128x128xf32, #tpu.memory_space<vmem>>) dst(%dma_wait3A_115 : memref<128x128xf32, #tpu.memory_space<hbm>>)
        } else {
        }
        %add3A_76 = arith.constant 1 : i32
        %add3A_77 = arith.addi %add3A_39, %add3A_76 : i32
        %lt3A_78 = arith.constant 79 : i32
        %lt3A_79 = arith.cmpi slt, %add3A_77, %lt3A_78 : i32
        %mul3A_80 = arith.constant 79 : i32
        %mul3A_81 = arith.muli %add3A, %mul3A_80 : i32
        %add3A_82 = arith.addi %mul3A_81, %add3A_77 : i32
        %lt3A_83 = arith.constant 2500 : i32
        %lt3A_84 = arith.cmpi slt, %add3A_82, %lt3A_83 : i32
        %and3A_85 = arith.andi %lt3A_79, %lt3A_84 : i1
        %convert_element_type3A_86 = arith.extui %and3A_85 : i1 to i32
        %cond3A_87 = arith.constant 0 : i32
        %cond3A_88 = arith.cmpi ne, %convert_element_type3A_86, %cond3A_87 : i32
        scf.if %cond3A_88 {
          %add3A_104 = arith.constant 1 : i32
          %add3A_105 = arith.addi %add3A_39, %add3A_104 : i32
          %mul3A_106 = arith.constant 128 : i32
          %mul3A_107 = arith.muli %add3A_105, %mul3A_106 : i32
          %multiple_of3A_108 = tpu.assume_multiple %mul3A_107, 8 : i32
          %dma_start3A_109 = tpu.memref_slice %arg7[%multiple_of3A_108] : memref<10240xi32, #tpu.memory_space<vmem>> -> memref<128xi32, #tpu.memory_space<vmem>>
          %dma_start3A_110 = arith.constant 0 : i32
          %dma_start3A_111 = arith.constant 0 : i32
          %dma_start3A_112 = tpu.memref_slice %arg2[%dma_start3A_110, %dma_start3A_111] : memref<20000x128xf32, #tpu.memory_space<hbm>> -> memref<20000x128xf32, #tpu.memory_space<hbm>>
          tpu.enqueue_indirect_dma source(%dma_start3A_112 : memref<20000x128xf32, #tpu.memory_space<hbm>>) target(%arg9 : memref<128x128xf32, #tpu.memory_space<vmem>>) offsets(%dma_start3A_109 : memref<128xi32, #tpu.memory_space<vmem>>) semaphore(%arg13 : memref<!tpu.dma_semaphore, #tpu.memory_space<semaphore_mem>>)
          %dma_start3A_113 = tpu.memref_slice %arg8[%multiple_of3A_108] : memref<10240xi32, #tpu.memory_space<vmem>> -> memref<128xi32, #tpu.memory_space<vmem>>
          %dma_start3A_114 = arith.constant 0 : i32
          %dma_start3A_115 = arith.constant 0 : i32
          %dma_start3A_116 = tpu.memref_slice %arg3[%dma_start3A_114, %dma_start3A_115] : memref<20000x128xf32, #tpu.memory_space<hbm>> -> memref<20000x128xf32, #tpu.memory_space<hbm>>
          tpu.enqueue_indirect_dma source(%dma_start3A_116 : memref<20000x128xf32, #tpu.memory_space<hbm>>) target(%arg11 : memref<128x128xf32, #tpu.memory_space<vmem>>) offsets(%dma_start3A_113 : memref<128xi32, #tpu.memory_space<vmem>>) semaphore(%arg13 : memref<!tpu.dma_semaphore, #tpu.memory_space<semaphore_mem>>)
        } else {
        }
        %scan3A_89 = arith.constant 0 : i32
        %scan3A_90 = arith.constant 128 : i32
        %scan3A_91 = arith.addi %scan3A_89, %scan3A_90 : i32
        %scan3A_92 = arith.constant 1 : i32
        scf.for %scan3A_104 = %scan3A_89 to %scan3A_91 step %scan3A_92  : i32 {
          %mul3A_105 = arith.constant 1 : i32
          %mul3A_106 = arith.muli %scan3A_104, %mul3A_105 : i32
          %add3A_107 = arith.constant 0 : i32
          %add3A_108 = arith.addi %add3A_107, %mul3A_106 : i32
          %get3A = arith.index_cast %add3A_108 : i32 to index
          %get3A_109 = arith.constant 0 : index
          %get3A_110 = tpu.vector_load %arg10[%get3A, %get3A_109] {strides = array<i32>} : memref<128x128xf32, #tpu.memory_space<vmem>>, vector<1x16xf32>,
          %get3A_111 = vector.shape_cast %get3A_110 : vector<1x16xf32> to vector<16xf32>
          %get3A_112 = arith.index_cast %add3A_108 : i32 to index
          %get3A_113 = arith.constant 0 : index
          %get3A_114 = tpu.vector_load %arg12[%get3A_112, %get3A_113] {strides = array<i32>} : memref<128x128xf32, #tpu.memory_space<vmem>>, vector<1x16xf32>,
          %get3A_115 = vector.shape_cast %get3A_114 : vector<1x16xf32> to vector<16xf32>
          %add3A_116 = arith.addf %get3A_111, %get3A_115 : vector<16xf32>
          %swap3A = arith.index_cast %add3A_108 : i32 to index
          %swap3A_117 = arith.constant 0 : index
          %swap3A_118 = tpu.vector_load %arg12[%swap3A, %swap3A_117] {strides = array<i32>} : memref<128x128xf32, #tpu.memory_space<vmem>>, vector<1x16xf32>,
          %swap3A_119 = vector.shape_cast %swap3A_118 : vector<1x16xf32> to vector<16xf32>
          %swap3A_120 = vector.shape_cast %add3A_116 : vector<16xf32> to vector<1x16xf32>
          tpu.vector_store %arg12[%swap3A, %swap3A_117], %swap3A_120 {strides = array<i32>} : memref<128x128xf32, #tpu.memory_space<vmem>>, vector<1x16xf32>,
          %get3A_121 = arith.index_cast %add3A_108 : i32 to index
          %get3A_122 = arith.constant 16 : index
          %get3A_123 = tpu.vector_load %arg10[%get3A_121, %get3A_122] {strides = array<i32>} : memref<128x128xf32, #tpu.memory_space<vmem>>, vector<1x16xf32>,
          %get3A_124 = vector.shape_cast %get3A_123 : vector<1x16xf32> to vector<16xf32>
          %get3A_125 = arith.index_cast %add3A_108 : i32 to index
          %get3A_126 = arith.constant 16 : index
          %get3A_127 = tpu.vector_load %arg12[%get3A_125, %get3A_126] {strides = array<i32>} : memref<128x128xf32, #tpu.memory_space<vmem>>, vector<1x16xf32>,
          %get3A_128 = vector.shape_cast %get3A_127 : vector<1x16xf32> to vector<16xf32>
          %add3A_129 = arith.addf %get3A_124, %get3A_128 : vector<16xf32>
          %swap3A_130 = arith.index_cast %add3A_108 : i32 to index
          %swap3A_131 = arith.constant 16 : index
          %swap3A_132 = tpu.vector_load %arg12[%swap3A_130, %swap3A_131] {strides = array<i32>} : memref<128x128xf32, #tpu.memory_space<vmem>>, vector<1x16xf32>,
          %swap3A_133 = vector.shape_cast %swap3A_132 : vector<1x16xf32> to vector<16xf32>
          %swap3A_134 = vector.shape_cast %add3A_129 : vector<16xf32> to vector<1x16xf32>
          tpu.vector_store %arg12[%swap3A_130, %swap3A_131], %swap3A_134 {strides = array<i32>} : memref<128x128xf32, #tpu.memory_space<vmem>>, vector<1x16xf32>,
          %get3A_135 = arith.index_cast %add3A_108 : i32 to index
          %get3A_136 = arith.constant 32 : index
          %get3A_137 = tpu.vector_load %arg10[%get3A_135, %get3A_136] {strides = array<i32>} : memref<128x128xf32, #tpu.memory_space<vmem>>, vector<1x16xf32>,
          %get3A_138 = vector.shape_cast %get3A_137 : vector<1x16xf32> to vector<16xf32>
          %get3A_139 = arith.index_cast %add3A_108 : i32 to index
          %get3A_140 = arith.constant 32 : index
          %get3A_141 = tpu.vector_load %arg12[%get3A_139, %get3A_140] {strides = array<i32>} : memref<128x128xf32, #tpu.memory_space<vmem>>, vector<1x16xf32>,
          %get3A_142 = vector.shape_cast %get3A_141 : vector<1x16xf32> to vector<16xf32>
          %add3A_143 = arith.addf %get3A_138, %get3A_142 : vector<16xf32>
          %swap3A_144 = arith.index_cast %add3A_108 : i32 to index
          %swap3A_145 = arith.constant 32 : index
          %swap3A_146 = tpu.vector_load %arg12[%swap3A_144, %swap3A_145] {strides = array<i32>} : memref<128x128xf32, #tpu.memory_space<vmem>>, vector<1x16xf32>,
          %swap3A_147 = vector.shape_cast %swap3A_146 : vector<1x16xf32> to vector<16xf32>
          %swap3A_148 = vector.shape_cast %add3A_143 : vector<16xf32> to vector<1x16xf32>
          tpu.vector_store %arg12[%swap3A_144, %swap3A_145], %swap3A_148 {strides = array<i32>} : memref<128x128xf32, #tpu.memory_space<vmem>>, vector<1x16xf32>,
          %get3A_149 = arith.index_cast %add3A_108 : i32 to index
          %get3A_150 = arith.constant 48 : index
          %get3A_151 = tpu.vector_load %arg10[%get3A_149, %get3A_150] {strides = array<i32>} : memref<128x128xf32, #tpu.memory_space<vmem>>, vector<1x16xf32>,
          %get3A_152 = vector.shape_cast %get3A_151 : vector<1x16xf32> to vector<16xf32>
          %get3A_153 = arith.index_cast %add3A_108 : i32 to index
          %get3A_154 = arith.constant 48 : index
          %get3A_155 = tpu.vector_load %arg12[%get3A_153, %get3A_154] {strides = array<i32>} : memref<128x128xf32, #tpu.memory_space<vmem>>, vector<1x16xf32>,
          %get3A_156 = vector.shape_cast %get3A_155 : vector<1x16xf32> to vector<16xf32>
          %add3A_157 = arith.addf %get3A_152, %get3A_156 : vector<16xf32>
          %swap3A_158 = arith.index_cast %add3A_108 : i32 to index
          %swap3A_159 = arith.constant 48 : index
          %swap3A_160 = tpu.vector_load %arg12[%swap3A_158, %swap3A_159] {strides = array<i32>} : memref<128x128xf32, #tpu.memory_space<vmem>>, vector<1x16xf32>,
          %swap3A_161 = vector.shape_cast %swap3A_160 : vector<1x16xf32> to vector<16xf32>
          %swap3A_162 = vector.shape_cast %add3A_157 : vector<16xf32> to vector<1x16xf32>
          tpu.vector_store %arg12[%swap3A_158, %swap3A_159], %swap3A_162 {strides = array<i32>} : memref<128x128xf32, #tpu.memory_space<vmem>>, vector<1x16xf32>,
          %get3A_163 = arith.index_cast %add3A_108 : i32 to index
          %get3A_164 = arith.constant 64 : index
          %get3A_165 = tpu.vector_load %arg10[%get3A_163, %get3A_164] {strides = array<i32>} : memref<128x128xf32, #tpu.memory_space<vmem>>, vector<1x16xf32>,
          %get3A_166 = vector.shape_cast %get3A_165 : vector<1x16xf32> to vector<16xf32>
          %get3A_167 = arith.index_cast %add3A_108 : i32 to index
          %get3A_168 = arith.constant 64 : index
          %get3A_169 = tpu.vector_load %arg12[%get3A_167, %get3A_168] {strides = array<i32>} : memref<128x128xf32, #tpu.memory_space<vmem>>, vector<1x16xf32>,
          %get3A_170 = vector.shape_cast %get3A_169 : vector<1x16xf32> to vector<16xf32>
          %add3A_171 = arith.addf %get3A_166, %get3A_170 : vector<16xf32>
          %swap3A_172 = arith.index_cast %add3A_108 : i32 to index
          %swap3A_173 = arith.constant 64 : index
          %swap3A_174 = tpu.vector_load %arg12[%swap3A_172, %swap3A_173] {strides = array<i32>} : memref<128x128xf32, #tpu.memory_space<vmem>>, vector<1x16xf32>,
          %swap3A_175 = vector.shape_cast %swap3A_174 : vector<1x16xf32> to vector<16xf32>
          %swap3A_176 = vector.shape_cast %add3A_171 : vector<16xf32> to vector<1x16xf32>
          tpu.vector_store %arg12[%swap3A_172, %swap3A_173], %swap3A_176 {strides = array<i32>} : memref<128x128xf32, #tpu.memory_space<vmem>>, vector<1x16xf32>,
          %get3A_177 = arith.index_cast %add3A_108 : i32 to index
          %get3A_178 = arith.constant 80 : index
          %get3A_179 = tpu.vector_load %arg10[%get3A_177, %get3A_178] {strides = array<i32>} : memref<128x128xf32, #tpu.memory_space<vmem>>, vector<1x16xf32>,
          %get3A_180 = vector.shape_cast %get3A_179 : vector<1x16xf32> to vector<16xf32>
          %get3A_181 = arith.index_cast %add3A_108 : i32 to index
          %get3A_182 = arith.constant 80 : index
          %get3A_183 = tpu.vector_load %arg12[%get3A_181, %get3A_182] {strides = array<i32>} : memref<128x128xf32, #tpu.memory_space<vmem>>, vector<1x16xf32>,
          %get3A_184 = vector.shape_cast %get3A_183 : vector<1x16xf32> to vector<16xf32>
          %add3A_185 = arith.addf %get3A_180, %get3A_184 : vector<16xf32>
          %swap3A_186 = arith.index_cast %add3A_108 : i32 to index
          %swap3A_187 = arith.constant 80 : index
          %swap3A_188 = tpu.vector_load %arg12[%swap3A_186, %swap3A_187] {strides = array<i32>} : memref<128x128xf32, #tpu.memory_space<vmem>>, vector<1x16xf32>,
          %swap3A_189 = vector.shape_cast %swap3A_188 : vector<1x16xf32> to vector<16xf32>
          %swap3A_190 = vector.shape_cast %add3A_185 : vector<16xf32> to vector<1x16xf32>
          tpu.vector_store %arg12[%swap3A_186, %swap3A_187], %swap3A_190 {strides = array<i32>} : memref<128x128xf32, #tpu.memory_space<vmem>>, vector<1x16xf32>,
          %get3A_191 = arith.index_cast %add3A_108 : i32 to index
          %get3A_192 = arith.constant 96 : index
          %get3A_193 = tpu.vector_load %arg10[%get3A_191, %get3A_192] {strides = array<i32>} : memref<128x128xf32, #tpu.memory_space<vmem>>, vector<1x16xf32>,
          %get3A_194 = vector.shape_cast %get3A_193 : vector<1x16xf32> to vector<16xf32>
          %get3A_195 = arith.index_cast %add3A_108 : i32 to index
          %get3A_196 = arith.constant 96 : index
          %get3A_197 = tpu.vector_load %arg12[%get3A_195, %get3A_196] {strides = array<i32>} : memref<128x128xf32, #tpu.memory_space<vmem>>, vector<1x16xf32>,
          %get3A_198 = vector.shape_cast %get3A_197 : vector<1x16xf32> to vector<16xf32>
          %add3A_199 = arith.addf %get3A_194, %get3A_198 : vector<16xf32>
          %swap3A_200 = arith.index_cast %add3A_108 : i32 to index
          %swap3A_201 = arith.constant 96 : index
          %swap3A_202 = tpu.vector_load %arg12[%swap3A_200, %swap3A_201] {strides = array<i32>} : memref<128x128xf32, #tpu.memory_space<vmem>>, vector<1x16xf32>,
          %swap3A_203 = vector.shape_cast %swap3A_202 : vector<1x16xf32> to vector<16xf32>
          %swap3A_204 = vector.shape_cast %add3A_199 : vector<16xf32> to vector<1x16xf32>
          tpu.vector_store %arg12[%swap3A_200, %swap3A_201], %swap3A_204 {strides = array<i32>} : memref<128x128xf32, #tpu.memory_space<vmem>>, vector<1x16xf32>,
          %get3A_205 = arith.index_cast %add3A_108 : i32 to index
          %get3A_206 = arith.constant 112 : index
          %get3A_207 = tpu.vector_load %arg10[%get3A_205, %get3A_206] {strides = array<i32>} : memref<128x128xf32, #tpu.memory_space<vmem>>, vector<1x16xf32>,
          %get3A_208 = vector.shape_cast %get3A_207 : vector<1x16xf32> to vector<16xf32>
          %get3A_209 = arith.index_cast %add3A_108 : i32 to index
          %get3A_210 = arith.constant 112 : index
          %get3A_211 = tpu.vector_load %arg12[%get3A_209, %get3A_210] {strides = array<i32>} : memref<128x128xf32, #tpu.memory_space<vmem>>, vector<1x16xf32>,
          %get3A_212 = vector.shape_cast %get3A_211 : vector<1x16xf32> to vector<16xf32>
          %add3A_213 = arith.addf %get3A_208, %get3A_212 : vector<16xf32>
          %swap3A_214 = arith.index_cast %add3A_108 : i32 to index
          %swap3A_215 = arith.constant 112 : index
          %swap3A_216 = tpu.vector_load %arg12[%swap3A_214, %swap3A_215] {strides = array<i32>} : memref<128x128xf32, #tpu.memory_space<vmem>>, vector<1x16xf32>,
          %swap3A_217 = vector.shape_cast %swap3A_216 : vector<1x16xf32> to vector<16xf32>
          %swap3A_218 = vector.shape_cast %add3A_213 : vector<16xf32> to vector<1x16xf32>
          tpu.vector_store %arg12[%swap3A_214, %swap3A_215], %swap3A_218 {strides = array<i32>} : memref<128x128xf32, #tpu.memory_space<vmem>>, vector<1x16xf32>,
        }
        %scan3A_93 = arith.constant 128 : i32
        %mul3A_94 = arith.constant 79 : i32
        %mul3A_95 = arith.muli %add3A, %mul3A_94 : i32
        %add3A_96 = arith.addi %mul3A_95, %add3A_39 : i32
        %mul3A_97 = arith.constant 128 : i32
        %mul3A_98 = arith.muli %add3A_96, %mul3A_97 : i32
        %multiple_of3A_99 = tpu.assume_multiple %mul3A_98, 8 : i32
        %dma_start3A_100 = arith.constant 0 : i32
        %dma_start3A_101 = tpu.memref_slice %arg6[%multiple_of3A_99, %dma_start3A_100] : memref<320000x128xf32, #tpu.memory_space<hbm>> -> memref<128x128xf32, #tpu.memory_space<hbm>>
        %dma_start3A_102 = arith.constant 0 : i32
        %dma_start3A_103 = tpu.memref_slice %arg6[%multiple_of3A_99, %dma_start3A_102] : memref<320000x128xf32, #tpu.memory_space<hbm>> -> memref<128x128xf32, #tpu.memory_space<hbm>>
        tpu.enqueue_dma source(%arg12 : memref<128x128xf32, #tpu.memory_space<vmem>>) target(%dma_start3A_103 : memref<128x128xf32, #tpu.memory_space<hbm>>) target_semaphore(%arg16 : memref<!tpu.dma_semaphore, #tpu.memory_space<semaphore_mem>>)
      } else {
      }
    }
    %scan3A_15 = arith.constant 40 : i32
    %mul3A_16 = arith.constant 79 : i32
    %mul3A_17 = arith.muli %add3A, %mul3A_16 : i32
    %add3A_18 = arith.constant 0 : i32
    %add3A_19 = arith.addi %mul3A_17, %add3A_18 : i32
    %mul3A_20 = arith.constant 128 : i32
    %mul3A_21 = arith.muli %add3A_19, %mul3A_20 : i32
    %multiple_of3A_22 = tpu.assume_multiple %mul3A_21, 8 : i32
    %dma_wait3A = arith.constant 0 : i32
    %dma_wait3A_23 = tpu.memref_slice %arg6[%multiple_of3A_22, %dma_wait3A] : memref<320000x128xf32, #tpu.memory_space<hbm>> -> memref<128x128xf32, #tpu.memory_space<hbm>>
    %dma_wait3A_24 = arith.constant 0 : i32
    %dma_wait3A_25 = tpu.memref_slice %arg6[%multiple_of3A_22, %dma_wait3A_24] : memref<320000x128xf32, #tpu.memory_space<hbm>> -> memref<128x128xf32, #tpu.memory_space<hbm>>
    tpu.wait_dma2 semaphore(%arg15 : memref<!tpu.dma_semaphore, #tpu.memory_space<semaphore_mem>>) src(%arg11 : memref<128x128xf32, #tpu.memory_space<vmem>>) dst(%dma_wait3A_25 : memref<128x128xf32, #tpu.memory_space<hbm>>)
    return
  }
}

module attributes {stable_mosaic.version = 14 : i64} {
  func.func @_premix_body(%arg0: i32, %arg1: memref<1000x128xf32, #tpu.memory_space<vmem>>, %arg2: memref<1x128x256xbf16, #tpu.memory_space<vmem>>, %arg3: memref<1000x128xf32, #tpu.memory_space<vmem>>, %arg4: memref<1000x128xf32, #tpu.memory_space<vmem>>) attributes {dimension_semantics = [#tpu.dimension_semantics<arbitrary>], iteration_bounds = array<i64: 20>, scalar_prefetch = 0 : i64, scratch_operands = 0 : i64, tpu.core_type = #tpu.core_type<tc>, window_params = [{transform_indices = @transform_0, window_bounds = array<i64: 1000, 128>}, {transform_indices = @transform_1, window_bounds = array<i64: 1, 128, 256>}, {transform_indices = @transform_2, window_bounds = array<i64: 1000, 128>}, {transform_indices = @transform_3, window_bounds = array<i64: 1000, 128>}]} {
    %get3A = arith.constant 0 : index
    %get3A_0 = arith.constant 0 : index
    %get3A_1 = vector.load %arg1[%get3A, %get3A_0] : memref<1000x128xf32, #tpu.memory_space<vmem>>, vector<1000x128xf32>
    %convert_element_type3A = arith.truncf %get3A_1 : vector<1000x128xf32> to vector<1000x128xbf16>
    %get3A_2 = arith.constant 0 : index
    %get3A_3 = arith.constant 0 : index
    %get3A_4 = arith.constant 0 : index
    %get3A_5 = vector.load %arg2[%get3A_2, %get3A_3, %get3A_4] : memref<1x128x256xbf16, #tpu.memory_space<vmem>>, vector<1x128x256xbf16>
    %get3A_6 = vector.shape_cast %get3A_5 : vector<1x128x256xbf16> to vector<128x256xbf16>
    %dot_general3A = arith.constant dense<0.000000e+00> : vector<1000x256xf32>
    %dot_general3A_7 = tpu.matmul %convert_element_type3A, %get3A_6, %dot_general3A {dimension_numbers = #tpu.dot_dimension_numbers<[1], [0], [0], [1], [0, 0, 1, 1], [], []>, transpose_lhs_hint = false} : vector<1000x128xbf16>, vector<128x256xbf16>, vector<1000x256xf32> -> vector<1000x256xf32>
    %slice3A = vector.extract_strided_slice %dot_general3A_7 {offsets = [0, 0], sizes = [1000, 128], strides = [1, 1]} : vector<1000x256xf32> to vector<1000x128xf32>
    %swap3A = arith.constant 0 : index
    %swap3A_8 = arith.constant 0 : index
    %swap3A_9 = vector.load %arg3[%swap3A, %swap3A_8] : memref<1000x128xf32, #tpu.memory_space<vmem>>, vector<1000x128xf32>
    tpu.vector_store %arg3[%swap3A, %swap3A_8], %slice3A {strides = array<i32>} : memref<1000x128xf32, #tpu.memory_space<vmem>>, vector<1000x128xf32>,
    %slice3A_10 = vector.extract_strided_slice %dot_general3A_7 {offsets = [0, 128], sizes = [1000, 128], strides = [1, 1]} : vector<1000x256xf32> to vector<1000x128xf32>
    %swap3A_11 = arith.constant 0 : index
    %swap3A_12 = arith.constant 0 : index
    %swap3A_13 = vector.load %arg4[%swap3A_11, %swap3A_12] : memref<1000x128xf32, #tpu.memory_space<vmem>>, vector<1000x128xf32>
    tpu.vector_store %arg4[%swap3A_11, %swap3A_12], %slice3A_10 {strides = array<i32>} : memref<1000x128xf32, #tpu.memory_space<vmem>>, vector<1000x128xf32>,
    return
  }
  func.func @transform_0(%arg0: i32) -> (i32, i32) {
    %c0_i32 = arith.constant 0 : i32
    %c0_i32_0 = arith.constant 0 : i32
    return %arg0, %c0_i32 : i32, i32
  }
  func.func @transform_1(%arg0: i32) -> (i32, i32, i32) {
    %jit3A = arith.constant 10 : i32
    %div3A = arith.divsi %arg0, %jit3A : i32
    %sign3A = arith.constant 0 : i32
    %sign3A_0 = arith.cmpi sgt, %arg0, %sign3A : i32
    %sign3A_1 = arith.extui %sign3A_0 : i1 to i32
    %sign3A_2 = arith.constant 0 : i32
    %sign3A_3 = arith.cmpi slt, %arg0, %sign3A_2 : i32
    %sign3A_4 = arith.extui %sign3A_3 : i1 to i32
    %sign3A_5 = arith.subi %sign3A_1, %sign3A_4 : i32
    %sign3A_6 = arith.constant 0 : i32
    %sign3A_7 = arith.cmpi sgt, %jit3A, %sign3A_6 : i32
    %sign3A_8 = arith.extui %sign3A_7 : i1 to i32
    %sign3A_9 = arith.constant 0 : i32
    %sign3A_10 = arith.cmpi slt, %jit3A, %sign3A_9 : i32
    %sign3A_11 = arith.extui %sign3A_10 : i1 to i32
    %sign3A_12 = arith.subi %sign3A_8, %sign3A_11 : i32
    %ne3A = arith.cmpi ne, %sign3A_5, %sign3A_12 : i32
    %rem3A = arith.remsi %arg0, %jit3A : i32
    %ne3A_13 = arith.constant 0 : i32
    %ne3A_14 = arith.cmpi ne, %rem3A, %ne3A_13 : i32
    %and3A = arith.andi %ne3A, %ne3A_14 : i1
    %sub3A = arith.constant 1 : i32
    %sub3A_15 = arith.subi %div3A, %sub3A : i32
    %select_n3A = arith.select %and3A, %sub3A_15, %div3A : i32
    %c0_i32 = arith.constant 0 : i32
    %c0_i32_16 = arith.constant 0 : i32
    %c0_i32_17 = arith.constant 0 : i32
    return %select_n3A, %c0_i32, %c0_i32_16 : i32, i32, i32
  }
  func.func @transform_2(%arg0: i32) -> (i32, i32) {
    %c0_i32 = arith.constant 0 : i32
    %c0_i32_0 = arith.constant 0 : i32
    return %arg0, %c0_i32 : i32, i32
  }
  func.func @transform_3(%arg0: i32) -> (i32, i32) {
    %c0_i32 = arith.constant 0 : i32
    %c0_i32_0 = arith.constant 0 : i32
    return %arg0, %c0_i32 : i32, i32
  }
}

module attributes {stable_mosaic.version = 14 : i64} {
  func.func @_edge_body(%arg0: i32, %arg1: memref<3200x128xf32, #tpu.memory_space<vmem>>, %arg2: memref<16x3200xf32, #tpu.memory_space<vmem>>, %arg3: memref<16x128xbf16, #tpu.memory_space<vmem>>, %arg4: memref<1x128xf32, #tpu.memory_space<vmem>>, %arg5: memref<128x128xbf16, #tpu.memory_space<vmem>>, %arg6: memref<1x128xf32, #tpu.memory_space<vmem>>, %arg7: memref<3200x128xf32, #tpu.memory_space<vmem>>) attributes {dimension_semantics = [#tpu.dimension_semantics<arbitrary>], iteration_bounds = array<i64: 100>, scalar_prefetch = 0 : i64, scratch_operands = 0 : i64, tpu.core_type = #tpu.core_type<tc>, window_params = [{transform_indices = @transform_0, window_bounds = array<i64: 3200, 128>}, {transform_indices = @transform_1, window_bounds = array<i64: 16, 3200>}, {pipeline_mode = #tpu.pipeline_mode<synchronous>, transform_indices = @transform_2, window_bounds = array<i64: 16, 128>}, {pipeline_mode = #tpu.pipeline_mode<synchronous>, transform_indices = @transform_3, window_bounds = array<i64: 1, 128>}, {pipeline_mode = #tpu.pipeline_mode<synchronous>, transform_indices = @transform_4, window_bounds = array<i64: 128, 128>}, {pipeline_mode = #tpu.pipeline_mode<synchronous>, transform_indices = @transform_5, window_bounds = array<i64: 1, 128>}, {transform_indices = @transform_6, window_bounds = array<i64: 3200, 128>}]} {
    %get3A = arith.constant 0 : index
    %get3A_0 = arith.constant 0 : index
    %get3A_1 = vector.load %arg2[%get3A, %get3A_0] : memref<16x3200xf32, #tpu.memory_space<vmem>>, vector<16x3200xf32>
    %convert_element_type3A = arith.truncf %get3A_1 : vector<16x3200xf32> to vector<16x3200xbf16>
    %get3A_2 = arith.constant 0 : index
    %get3A_3 = arith.constant 0 : index
    %get3A_4 = vector.load %arg3[%get3A_2, %get3A_3] : memref<16x128xbf16, #tpu.memory_space<vmem>>, vector<16x128xbf16>
    %dot_general3A = arith.constant dense<0.000000e+00> : vector<3200x128xf32>
    %dot_general3A_5 = tpu.matmul %convert_element_type3A, %get3A_4, %dot_general3A {dimension_numbers = #tpu.dot_dimension_numbers<[0], [0], [1], [1], [0, 1, 1, 1], [], []>, transpose_lhs_hint = false} : vector<16x3200xbf16>, vector<16x128xbf16>, vector<3200x128xf32> -> vector<3200x128xf32>
    %get3A_6 = arith.constant 0 : index
    %get3A_7 = arith.constant 0 : index
    %get3A_8 = vector.load %arg1[%get3A_6, %get3A_7] : memref<3200x128xf32, #tpu.memory_space<vmem>>, vector<3200x128xf32>
    %add3A = arith.addf %get3A_8, %dot_general3A_5 : vector<3200x128xf32>
    %get3A_9 = arith.constant 0 : index
    %get3A_10 = arith.constant 0 : index
    %get3A_11 = vector.load %arg4[%get3A_9, %get3A_10] : memref<1x128xf32, #tpu.memory_space<vmem>>, vector<1x128xf32>
    %add3A_12 = vector.broadcast %get3A_11 : vector<1x128xf32> to vector<3200x128xf32>
    %add3A_13 = arith.addf %add3A, %add3A_12 : vector<3200x128xf32>
    %max3A = arith.constant 0.000000e+00 : f32
    %max3A_14 = vector.broadcast %max3A : f32 to vector<3200x128xf32>
    %max3A_15 = arith.maximumf %add3A_13, %max3A_14 : vector<3200x128xf32>
    %convert_element_type3A_16 = arith.truncf %max3A_15 : vector<3200x128xf32> to vector<3200x128xbf16>
    %get3A_17 = arith.constant 0 : index
    %get3A_18 = arith.constant 0 : index
    %get3A_19 = vector.load %arg5[%get3A_17, %get3A_18] : memref<128x128xbf16, #tpu.memory_space<vmem>>, vector<128x128xbf16>
    %dot_general3A_20 = arith.constant dense<0.000000e+00> : vector<3200x128xf32>
    %dot_general3A_21 = tpu.matmul %convert_element_type3A_16, %get3A_19, %dot_general3A_20 {dimension_numbers = #tpu.dot_dimension_numbers<[1], [0], [0], [1], [0, 0, 1, 1], [], []>, transpose_lhs_hint = false} : vector<3200x128xbf16>, vector<128x128xbf16>, vector<3200x128xf32> -> vector<3200x128xf32>
    %get3A_22 = arith.constant 0 : index
    %get3A_23 = arith.constant 0 : index
    %get3A_24 = vector.load %arg6[%get3A_22, %get3A_23] : memref<1x128xf32, #tpu.memory_space<vmem>>, vector<1x128xf32>
    %add3A_25 = vector.broadcast %get3A_24 : vector<1x128xf32> to vector<3200x128xf32>
    %add3A_26 = arith.addf %dot_general3A_21, %add3A_25 : vector<3200x128xf32>
    %swap3A = arith.constant 0 : index
    %swap3A_27 = arith.constant 0 : index
    %swap3A_28 = vector.load %arg7[%swap3A, %swap3A_27] : memref<3200x128xf32, #tpu.memory_space<vmem>>, vector<3200x128xf32>
    tpu.vector_store %arg7[%swap3A, %swap3A_27], %add3A_26 {strides = array<i32>} : memref<3200x128xf32, #tpu.memory_space<vmem>>, vector<3200x128xf32>,
    return
  }
  func.func @transform_0(%arg0: i32) -> (i32, i32) {
    %c0_i32 = arith.constant 0 : i32
    %c0_i32_0 = arith.constant 0 : i32
    return %arg0, %c0_i32 : i32, i32
  }
  func.func @transform_1(%arg0: i32) -> (i32, i32) {
    %c0_i32 = arith.constant 0 : i32
    %c0_i32_0 = arith.constant 0 : i32
    return %c0_i32, %arg0 : i32, i32
  }
  func.func @transform_2(%arg0: i32) -> (i32, i32) {
    %c0_i32 = arith.constant 0 : i32
    %c0_i32_0 = arith.constant 0 : i32
    %c0_i32_1 = arith.constant 0 : i32
    return %c0_i32, %c0_i32_0 : i32, i32
  }
  func.func @transform_3(%arg0: i32) -> (i32, i32) {
    %c0_i32 = arith.constant 0 : i32
    %c0_i32_0 = arith.constant 0 : i32
    %c0_i32_1 = arith.constant 0 : i32
    return %c0_i32, %c0_i32_0 : i32, i32
  }
  func.func @transform_4(%arg0: i32) -> (i32, i32) {
    %c0_i32 = arith.constant 0 : i32
    %c0_i32_0 = arith.constant 0 : i32
    %c0_i32_1 = arith.constant 0 : i32
    return %c0_i32, %c0_i32_0 : i32, i32
  }
  func.func @transform_5(%arg0: i32) -> (i32, i32) {
    %c0_i32 = arith.constant 0 : i32
    %c0_i32_0 = arith.constant 0 : i32
    %c0_i32_1 = arith.constant 0 : i32
    return %c0_i32, %c0_i32_0 : i32, i32
  }
  func.func @transform_6(%arg0: i32) -> (i32, i32) {
    %c0_i32 = arith.constant 0 : i32
    %c0_i32_0 = arith.constant 0 : i32
    return %arg0, %c0_i32 : i32, i32
  }
}

module attributes {stable_mosaic.version = 14 : i64} {
  func.func @_node_body(%arg0: i32, %arg1: memref<1000x128xf32, #tpu.memory_space<vmem>>, %arg2: memref<2x1000x128xf32, #tpu.memory_space<vmem>>, %arg3: memref<2x1000x128xf32, #tpu.memory_space<vmem>>, %arg4: memref<384x128xbf16, #tpu.memory_space<vmem>>, %arg5: memref<1x128xf32, #tpu.memory_space<vmem>>, %arg6: memref<128x128xbf16, #tpu.memory_space<vmem>>, %arg7: memref<1x128xf32, #tpu.memory_space<vmem>>, %arg8: memref<1000x128xf32, #tpu.memory_space<vmem>>) attributes {dimension_semantics = [#tpu.dimension_semantics<arbitrary>], iteration_bounds = array<i64: 10>, scalar_prefetch = 0 : i64, scratch_operands = 0 : i64, tpu.core_type = #tpu.core_type<tc>, window_params = [{transform_indices = @transform_0, window_bounds = array<i64: 1000, 128>}, {transform_indices = @transform_1, window_bounds = array<i64: 2, 1000, 128>}, {transform_indices = @transform_2, window_bounds = array<i64: 2, 1000, 128>}, {pipeline_mode = #tpu.pipeline_mode<synchronous>, transform_indices = @transform_3, window_bounds = array<i64: 384, 128>}, {pipeline_mode = #tpu.pipeline_mode<synchronous>, transform_indices = @transform_4, window_bounds = array<i64: 1, 128>}, {pipeline_mode = #tpu.pipeline_mode<synchronous>, transform_indices = @transform_5, window_bounds = array<i64: 128, 128>}, {pipeline_mode = #tpu.pipeline_mode<synchronous>, transform_indices = @transform_6, window_bounds = array<i64: 1, 128>}, {transform_indices = @transform_7, window_bounds = array<i64: 1000, 128>}]} {
    %get3A = arith.constant 0 : index
    %get3A_0 = arith.constant 0 : index
    %get3A_1 = arith.constant 0 : index
    %get3A_2 = vector.load %arg2[%get3A, %get3A_0, %get3A_1] : memref<2x1000x128xf32, #tpu.memory_space<vmem>>, vector<1x1000x128xf32>
    %get3A_3 = vector.shape_cast %get3A_2 : vector<1x1000x128xf32> to vector<1000x128xf32>
    %get3A_4 = arith.constant 1 : index
    %get3A_5 = arith.constant 0 : index
    %get3A_6 = arith.constant 0 : index
    %get3A_7 = vector.load %arg2[%get3A_4, %get3A_5, %get3A_6] : memref<2x1000x128xf32, #tpu.memory_space<vmem>>, vector<1x1000x128xf32>
    %get3A_8 = vector.shape_cast %get3A_7 : vector<1x1000x128xf32> to vector<1000x128xf32>
    %add3A = arith.addf %get3A_3, %get3A_8 : vector<1000x128xf32>
    %get3A_9 = arith.constant 0 : index
    %get3A_10 = arith.constant 0 : index
    %get3A_11 = arith.constant 0 : index
    %get3A_12 = vector.load %arg3[%get3A_9, %get3A_10, %get3A_11] : memref<2x1000x128xf32, #tpu.memory_space<vmem>>, vector<1x1000x128xf32>
    %get3A_13 = vector.shape_cast %get3A_12 : vector<1x1000x128xf32> to vector<1000x128xf32>
    %get3A_14 = arith.constant 1 : index
    %get3A_15 = arith.constant 0 : index
    %get3A_16 = arith.constant 0 : index
    %get3A_17 = vector.load %arg3[%get3A_14, %get3A_15, %get3A_16] : memref<2x1000x128xf32, #tpu.memory_space<vmem>>, vector<1x1000x128xf32>
    %get3A_18 = vector.shape_cast %get3A_17 : vector<1x1000x128xf32> to vector<1000x128xf32>
    %add3A_19 = arith.addf %get3A_13, %get3A_18 : vector<1000x128xf32>
    %get3A_20 = arith.constant 0 : index
    %get3A_21 = arith.constant 0 : index
    %get3A_22 = vector.load %arg1[%get3A_20, %get3A_21] : memref<1000x128xf32, #tpu.memory_space<vmem>>, vector<1000x128xf32>
    %concatenate3A = tpu.concatenate %get3A_22, %add3A, %add3A_19 in 1 : vector<1000x128xf32>, vector<1000x128xf32>, vector<1000x128xf32> -> vector<1000x384xf32>
    %convert_element_type3A = arith.truncf %concatenate3A : vector<1000x384xf32> to vector<1000x384xbf16>
    %get3A_23 = arith.constant 0 : index
    %get3A_24 = arith.constant 0 : index
    %get3A_25 = vector.load %arg4[%get3A_23, %get3A_24] : memref<384x128xbf16, #tpu.memory_space<vmem>>, vector<384x128xbf16>
    %dot_general3A = arith.constant dense<0.000000e+00> : vector<1000x128xf32>
    %dot_general3A_26 = tpu.matmul %convert_element_type3A, %get3A_25, %dot_general3A {dimension_numbers = #tpu.dot_dimension_numbers<[1], [0], [0], [1], [0, 0, 1, 1], [], []>, transpose_lhs_hint = false} : vector<1000x384xbf16>, vector<384x128xbf16>, vector<1000x128xf32> -> vector<1000x128xf32>
    %get3A_27 = arith.constant 0 : index
    %get3A_28 = arith.constant 0 : index
    %get3A_29 = vector.load %arg5[%get3A_27, %get3A_28] : memref<1x128xf32, #tpu.memory_space<vmem>>, vector<1x128xf32>
    %add3A_30 = vector.broadcast %get3A_29 : vector<1x128xf32> to vector<1000x128xf32>
    %add3A_31 = arith.addf %dot_general3A_26, %add3A_30 : vector<1000x128xf32>
    %max3A = arith.constant 0.000000e+00 : f32
    %max3A_32 = vector.broadcast %max3A : f32 to vector<1000x128xf32>
    %max3A_33 = arith.maximumf %add3A_31, %max3A_32 : vector<1000x128xf32>
    %convert_element_type3A_34 = arith.truncf %max3A_33 : vector<1000x128xf32> to vector<1000x128xbf16>
    %get3A_35 = arith.constant 0 : index
    %get3A_36 = arith.constant 0 : index
    %get3A_37 = vector.load %arg6[%get3A_35, %get3A_36] : memref<128x128xbf16, #tpu.memory_space<vmem>>, vector<128x128xbf16>
    %dot_general3A_38 = arith.constant dense<0.000000e+00> : vector<1000x128xf32>
    %dot_general3A_39 = tpu.matmul %convert_element_type3A_34, %get3A_37, %dot_general3A_38 {dimension_numbers = #tpu.dot_dimension_numbers<[1], [0], [0], [1], [0, 0, 1, 1], [], []>, transpose_lhs_hint = false} : vector<1000x128xbf16>, vector<128x128xbf16>, vector<1000x128xf32> -> vector<1000x128xf32>
    %get3A_40 = arith.constant 0 : index
    %get3A_41 = arith.constant 0 : index
    %get3A_42 = vector.load %arg7[%get3A_40, %get3A_41] : memref<1x128xf32, #tpu.memory_space<vmem>>, vector<1x128xf32>
    %add3A_43 = vector.broadcast %get3A_42 : vector<1x128xf32> to vector<1000x128xf32>
    %add3A_44 = arith.addf %dot_general3A_39, %add3A_43 : vector<1000x128xf32>
    %swap3A = arith.constant 0 : index
    %swap3A_45 = arith.constant 0 : index
    %swap3A_46 = vector.load %arg8[%swap3A, %swap3A_45] : memref<1000x128xf32, #tpu.memory_space<vmem>>, vector<1000x128xf32>
    tpu.vector_store %arg8[%swap3A, %swap3A_45], %add3A_44 {strides = array<i32>} : memref<1000x128xf32, #tpu.memory_space<vmem>>, vector<1000x128xf32>,
    return
  }
  func.func @transform_0(%arg0: i32) -> (i32, i32) {
    %c0_i32 = arith.constant 0 : i32
    %c0_i32_0 = arith.constant 0 : i32
    return %arg0, %c0_i32 : i32, i32
  }
  func.func @transform_1(%arg0: i32) -> (i32, i32, i32) {
    %c0_i32 = arith.constant 0 : i32
    %c0_i32_0 = arith.constant 0 : i32
    %c0_i32_1 = arith.constant 0 : i32
    return %c0_i32, %arg0, %c0_i32_0 : i32, i32, i32
  }
  func.func @transform_2(%arg0: i32) -> (i32, i32, i32) {
    %c0_i32 = arith.constant 0 : i32
    %c0_i32_0 = arith.constant 0 : i32
    %c0_i32_1 = arith.constant 0 : i32
    return %c0_i32, %arg0, %c0_i32_0 : i32, i32, i32
  }
  func.func @transform_3(%arg0: i32) -> (i32, i32) {
    %c0_i32 = arith.constant 0 : i32
    %c0_i32_0 = arith.constant 0 : i32
    %c0_i32_1 = arith.constant 0 : i32
    return %c0_i32, %c0_i32_0 : i32, i32
  }
  func.func @transform_4(%arg0: i32) -> (i32, i32) {
    %c0_i32 = arith.constant 0 : i32
    %c0_i32_0 = arith.constant 0 : i32
    %c0_i32_1 = arith.constant 0 : i32
    return %c0_i32, %c0_i32_0 : i32, i32
  }
  func.func @transform_5(%arg0: i32) -> (i32, i32) {
    %c0_i32 = arith.constant 0 : i32
    %c0_i32_0 = arith.constant 0 : i32
    %c0_i32_1 = arith.constant 0 : i32
    return %c0_i32, %c0_i32_0 : i32, i32
  }
  func.func @transform_6(%arg0: i32) -> (i32, i32) {
    %c0_i32 = arith.constant 0 : i32
    %c0_i32_0 = arith.constant 0 : i32
    %c0_i32_1 = arith.constant 0 : i32
    return %c0_i32, %c0_i32_0 : i32, i32
  }
  func.func @transform_7(%arg0: i32) -> (i32, i32) {
    %c0_i32 = arith.constant 0 : i32
    %c0_i32_0 = arith.constant 0 : i32
    return %arg0, %c0_i32 : i32, i32
  }
}

</mosaic_0001>

<sc_bundles>
// kernel: kernel.10.cloned.1.call-start
scs
__scs_entry_jumppad:
0x0: {  	(pc) =	sbr.rel $0x88, $3  }
0x1: {  	(tag) =	ssettag $0x0;
	lr =	simm.s32 $0x1  }
0x2: {  	[smem:$0x3F8F] =	sst lr;
	_ =	strace $0xD0000000  }
0x3: {  	_ = 	snop  }
0x4: {  	_ = 	snop  }
0x5: {  	_ = 	snop  }
0x6: {  	_ = 	snop  }
0x7: {  	_ = 	snop  }
__scs_overlays_trampoline_lowered:
0x8: {  	[smem:$0x3F9E] =	sst s0  }
0x9: {  	[smem:$0x3F9F] =	sst s1  }
0xa: {  	[smem:$0x3FA0] =	sst s2  }
0xb: {  	[smem:$0x3FA1] =	sst s3  }
0xc: {  	[smem:$0x3FA2] =	sst s4  }
0xd: {  	[smem:$0x3FA3] =	sst s5  }
0xe: {  	[smem:$0x3FA4] =	sst s6  }
0xf: {  	[smem:$0x3FA5] =	sst s7  }
0x10: {  	[smem:$0x3FA6] =	sst s8  }
0x11: {  	[smem:$0x3FA7] =	sst s9;
	s0 =	simm.s32 @!p0 $0x0  }
0x12: {  	s1 =	sld [smem:$0x3F8D];
	s0 =	simm.s32 @p0 $0x1  }
0x13: {  	[smem:$0x3FA8] =	sst s0;
	s0 =	simm.s32 @!p1 $0x0  }
0x14: {  	s2 =	sld [smem:$0x3F8C];
	s0 =	simm.s32 @p1 $0x1  }
0x15: {  	[smem:$0x3FA9] =	sst s0;
	s0 =	simm.s32 @!p2 $0x0  }
0x16: {  	s3 =	sld [smem:$0x3FDB];
	s0 =	simm.s32 @p2 $0x1  }
0x17: {  	s4 =	simm.s32 $0x1BF5;
	[smem:$0x3FAB] =	sst s0  }
0x18: {  	s0 =	sld [smem:$0x3F8E];
	_ =	swait.ge [sflag:s4], $0x0  }
0x19: {  	s7 =	sld [smem:$0x3F8F]  }
0x1a: {  	s8 =	sadd.s32 $0xFFFFE003, lr  }
0x1b: {  	s9 =	sadd.s32 $0xFFFFFEF7, lr;
	s5 =	simm.s32 $0xFFFFFFFF;
	p2 =	slt.u32 s8, $0xFFFFF086  }
0x1c: {  	p1 =	slt.u32 s9, $0xF7A;
	s5 =	simm.s32 @!p2 $0x0  }
0x1d: {  	s5 =	simm.s32 @p1 $0x1;
	p0 =	seq.s32 s7, s2  }
0x1e: {  	s7 =	smul.u32 @!p0 $0xF7A, s2;
	p2 =	seq.s32 @!p0 s5, $0x0  }
0x1f: {  	s9 =	smul.u32 $0xF7A, s1;
	s8 =	simm.s32 @!p0 $0x1BF5;
	p2 =	por !p2, p0  }
0x20: {  	[sflag:s8] =	ssyncset.s32 @!p0 $0xFFFFF086;
	s6 =	sadd.s32 @!p0 s3, s7;
	s7 =	simm.s32 @!p0 $0x108  }
0x21: {  	s3 =	sadd.s32 s3, s9;
	s6 =	sadd.s32 @!p0 $0x88, s6;
	s7 =	simm.s32 @p2 $0x1082  }
0x22: {  	[simem:s7], [sflag:s8] =	dma.local @!p0 [hbm:s6], $0xF7A  }
0x23: {  	s9 =	sor.u32 $0xD0000000, s2;
	s6 =	simm.s32 $0x108;
	_ =	swait.ge @!p0 [sflag:s8], $0x0  }
0x24: {  	s3 =	sadd.s32 $0x88, s3;
	s6 =	simm.s32 @!p1 $0x1082;
	[sflag:s4] =	ssyncset.s32 $0xFFFFF086  }
0x25: {  	[simem:s6], [sflag:s4] =	dma.local [hbm:s3], $0xF7A  }
0x26: {  	[smem:$0x3F8F] =	sst s1;
	(tag) =	ssettag s2;
	_ =	strace s9  }
0x27: {  	s1 =	sld [smem:$0x3F9F]  }
0x28: {  	s2 =	sld [smem:$0x3FA0]  }
0x29: {  	s4 =	sld [smem:$0x3FA2]  }
0x2a: {  	p0 =	seq.s32 s5, $0x0;
	s5 =	sld [smem:$0x3FA3]  }
0x2b: {  	s6 =	sld [smem:$0x3FA4]  }
0x2c: {  	s7 =	sld [smem:$0x3FA5]  }
0x2d: {  	s3 =	simm.s32 $0x108;
	s8 =	sld [smem:$0x3FA6]  }
0x2e: {  	s3 =	simm.s32 @!p0 $0x1082;
	s9 =	sld [smem:$0x3FA7]  }
0x2f: {  	lr =	sadd.s32 s0, s3;
	s0 =	sld [smem:$0x3F9E]  }
0x30: {  	s3 =	sld [smem:$0x3FA1]  }
0x31: {  	[smem:$0x3FAA] =	sst s10  }
0x32: {  	s10 =	sld [smem:$0x3FA8];
	_ =	sdelay $0x3  }
0x33: {  	p0 =	seq.s32 s10, $0x1;
	s10 =	sld [smem:$0x3FAA];
	_ =	sdelay $0x3  }
0x34: {  	[smem:$0x3FAA] =	sst s10  }
0x35: {  	s10 =	sld [smem:$0x3FA9];
	_ =	sdelay $0x3  }
0x36: {  	p1 =	seq.s32 s10, $0x1;
	s10 =	sld [smem:$0x3FAA];
	_ =	sdelay $0x3  }
0x37: {  	[smem:$0x3FAA] =	sst s10  }
0x38: {  	s10 =	sld [smem:$0x3FAB]  }
0x39: {  	_ = 	snop;
	(pc) =	sbr.ind lr, $3  }
0x3a: {  	_ = 	snop  }
0x3b: {  	_ = 	snop  }
0x3c: {  	p2 =	seq.s32 s10, $0x1;
	s10 =	sld [smem:$0x3FAA]  }
0x3d: {  	_ =	shalt  }
0x3e: {  	_ =	shalt  }
0x3f: {  	_ =	shalt  }
0x40: {  	_ =	shalt  }
0x41: {  	_ =	shalt  }
0x42: {  	_ =	shalt  }
0x43: {  	_ =	shalt  }
0x44: {  	_ =	shalt  }
0x45: {  	_ =	shalt  }
0x46: {  	_ =	shalt  }
0x47: {  	_ =	shalt  }
0x48: {  	_ =	shalt  }
0x49: {  	_ =	shalt  }
0x4a: {  	_ =	shalt  }
0x4b: {  	_ =	shalt  }
0x4c: {  	_ =	shalt  }
0x4d: {  	_ =	shalt  }
0x4e: {  	_ =	shalt  }
0x4f: {  	_ =	shalt  }
0x50: {  	_ =	shalt  }
0x51: {  	_ =	shalt  }
0x52: {  	_ =	shalt  }
0x53: {  	_ =	shalt  }
0x54: {  	_ =	shalt  }
0x55: {  	_ =	shalt  }
0x56: {  	_ =	shalt  }
0x57: {  	_ =	shalt  }
0x58: {  	_ =	shalt  }
0x59: {  	_ =	shalt  }
0x5a: {  	_ =	shalt  }
0x5b: {  	_ =	shalt  }
0x5c: {  	_ =	shalt  }
0x5d: {  	_ =	shalt  }
0x5e: {  	_ =	shalt  }
0x5f: {  	_ =	shalt  }
0x60: {  	_ =	shalt  }
0x61: {  	_ =	shalt  }
0x62: {  	_ =	shalt  }
0x63: {  	_ =	shalt  }
0x64: {  	_ =	shalt  }
0x65: {  	_ =	shalt  }
0x66: {  	_ =	shalt  }
0x67: {  	_ =	shalt  }
0x68: {  	_ =	shalt  }
0x69: {  	_ =	shalt  }
0x6a: {  	_ =	shalt  }
0x6b: {  	_ =	shalt  }
0x6c: {  	_ =	shalt  }
0x6d: {  	_ =	shalt  }
0x6e: {  	_ =	shalt  }
0x6f: {  	_ =	shalt  }
0x70: {  	_ =	shalt  }
0x71: {  	_ =	shalt  }
0x72: {  	_ =	shalt  }
0x73: {  	_ =	shalt  }
0x74: {  	_ =	shalt  }
0x75: {  	_ =	shalt  }
0x76: {  	_ =	shalt  }
0x77: {  	_ =	shalt  }
0x78: {  	_ =	shalt  }
0x79: {  	_ =	shalt  }
0x7a: {  	_ =	shalt  }
0x7b: {  	_ =	shalt  }
0x7c: {  	_ =	shalt  }
0x7d: {  	_ =	shalt  }
0x7e: {  	_ =	shalt  }
0x7f: {  	_ =	shalt  }
0x80: {  	_ =	shalt  }
0x81: {  	_ =	shalt  }
0x82: {  	_ =	shalt  }
0x83: {  	_ =	shalt  }
0x84: {  	_ =	shalt  }
0x85: {  	_ =	shalt  }
0x86: {  	_ =	shalt  }
0x87: {  	_ =	shalt  }
.Lfunc_end0:
.L_simem_size_0:
called_computation_lowered:
.L_overlay_start_0:
0x88: {  	s2 =	sld [smem:$0x3FD9]  }
0x89: {  	s3 =	sld [smem:$0x3FFE];
	_ =	sdelay $0x1  }
0x8a: {  	s1 =	srdreg.scid  }
0x8b: {  	s0 =	sand.u32 $0x1, s1  }
0x8c: {  	s17 =	sshll.u32 s0, $0xA;
	s2 =	sadd.s32 s3, s2  }
0x8d: {  	s2 =	sadd.s32 s2, s17  }
0x8e: {  	[smem:$0x3FB6] =	sst s2  }
0x8f: {  	_ = 	snop  }
0x90: {  	(tm) =	ssettm $0x1  }
0x91: {  	s18 =	sld [smem:$0x3FFB];
	_ =	sdelay $0x3  }
0x92: {  	_ =	strace s18  }
0x93: {  	s2 =	sld [smem:$0x3FFC];
	_ =	sdelay $0x3  }
0x94: {  	_ =	strace s2  }
0x95: {  	s2 =	sld [smem:$0x3FFD];
	_ =	sdelay $0x3  }
0x96: {  	_ =	strace s2  }
0x97: {  	_ =	strace $0x8FFFFFFF  }
0x98: {  	s19 =	sld [smem:$0x3FDB];
	_ =	sdelay $0x1  }
0x99: {  	s20 =	simm.s32 $_scs_section_size  }
0x9a: {  	s4 =	simm.s32 $_size__tile_overlayer_lowered;
	s5 =	simm.s32 $_tile_overlayer_lowered  }
0x9b: {  	s6 =	simm.s32 $0x1BFF;
	s21 =	sshll.u32 s5, $0x1;
	s3 =	sadd.s32 s20, s19  }
0x9c: {  	s22 =	simm.s32 $0x0;
	s4 =	sshll.u32 s4, $0x1;
	s5 =	sadd.s32 s21, s3  }
0x9d: {  	[timem:s22], [sflag:s6] =	dma.local [hbm:s5], s4  }
0x9e: {  	_ =	swait.ge [sflag:s6], s4  }
0x9f: {  	s4 =	ssub.s32 $0x0, s4;
	[sflag:s6] =	ssyncset.done $0x0  }
0xa0: {  	[sflag:s6] =	ssyncadd.s32 s4;
	_ =	sdelay $0x1  }
0xa1: {  	s23 =	simm.s32 $0x1B8B  }
0xa2: {  	_ =	swait.ge [sflag:s23], $0x1  }
0xa3: {  	[sflag:s23] =	ssyncset.done $0x0  }
0xa4: {  	[sflag:s23] =	ssyncadd.s32 $0xFFFFFFFF  }
0xa5: {  	s4 =	sld [smem:$0x0]  }
0xa6: {  	s5 =	sand.u32 $0xFFFFFFFE, s1  }
0xa7: {  	p0 =	sne.s32 s1, s5  }
0xa8: {  	s5 =	sshll.u32 @p0 s5, $0xE  }
0xa9: {  	s5 =	sadd.s32 @p0 $0x11B8D, s5;
	s6 =	sshll.u32 @p0 s4, $0x11  }
0xaa: {  	s5 =	sor.u32 @p0 s6, s5  }
0xab: {  	[sflag:s5] =	ssyncadd.remote.s32 @p0 $0x1;
	_ =	sdelay $0x1  }
0xac: {  	s5 =	simm.s32 @p0 $0x1B8D  }
0xad: {  	_ =	swait.eq @p0 [sflag:s5], $0x1  }
0xae: {  	[sflag:s5] =	ssyncadd.s32 @p0 $0xFFFFFFFF  }
0xaf: {  	s6 =	sshll.u32 @!p0 s1, $0xE  }
0xb0: {  	s6 =	sor.u32 @!p0 $0x4000, s6;
	s5 =	simm.s32 @!p0 $0x1B8D  }
0xb1: {  	s4 =	sshll.u32 @!p0 s4, $0x11;
	s6 =	sadd.s32 @!p0 $0x11B8D, s6;
	_ =	swait.eq @!p0 [sflag:s5], $0x1  }
0xb2: {  	s4 =	sor.u32 @!p0 s4, s6;
	[sflag:s5] =	ssyncadd.s32 @!p0 $0xFFFFFFFF  }
0xb3: {  	s25 =	simm.s32 $0x1B8E;
	s24 =	sld [smem:$0x3FFE];
	[sflag:s4] =	ssyncadd.remote.s32 @!p0 $0x1  }
0xb4: {  	s26 =	simm.s32 $execute0_lowered;
	[smem:$0x3FD2] =	sst s25  }
0xb5: {  	s5 =	sshll.u32 s26, $0x1;
	_ =	strace $0x80000049;
	[dreg:$0x1] =	wrdreg $0xFFFFFFFF  }
0xb6: {  	s28 =	simm.s32 $_size_execute0_lowered;
	s3 =	sadd.s32 s3, s5;
	[dreg:$0x0] =	wrdreg $0x0  }
0xb7: {  	s5 =	sshll.u32 s28, $0x1;
	[dreg:$0x2] =	wrdreg s3  }
0xb8: {  	[dreg:$0x3] =	wrdreg s5  }
0xb9: {  	[dreg:$0x4] =	wrdreg $0xC0  }
0xba: {  	_ =	task [dreg:s22], $0x5FFFF  }
0xbb: {  	[dreg:$0x1] =	wrdreg $0xFFFFFFFF  }
0xbc: {  	[dreg:$0x0] =	wrdreg $0x60  }
0xbd: {  	[dreg:$0x2] =	wrdreg s24  }
0xbe: {  	[dreg:$0x3] =	wrdreg $0x9  }
0xbf: {  	_ =	task.clear_ibuf [dreg:s22], $0x4FFFF;
	_ =	strace $0x90000049  }
0xc0: {  	s29 =	simm.s32 $0x9;
	_ =	strace $0x8000004B  }
0xc1: {  	_ =	swait.ge [sflag:s29], $0x1  }
0xc2: {  	[sflag:s29] =	ssyncadd.s32 $0xFFFFFFFF  }
0xc3: {  	_ =	strace $0x9000004B  }
0xc4: {  	_ =	sfence  }
0xc5: {  	s30 =	sld [smem:$0x0];
	_ =	sdelay $0x2  }
0xc6: {  	s31 =	sshll.u32 s1, $0xD;
	s1 =	sshrl.u32 s1, $0x2  }
0xc7: {  	s4 =	sand.u32 $0x4000, s31;
	s1 =	sadd.s32 s1, s30  }
0xc8: {  	s0 =	sor.u32 s4, s0;
	s1 =	sshll.u32 s1, $0x11  }
0xc9: {  	s0 =	sor.u32 s1, s0  }
0xca: {  	s0 =	sadd.s32 $0x8F2B, s0  }
0xcb: {  	[sflag:s0] =	ssyncadd.remote.s32 $0x1  }
0xcc: {  	_ =	sfence.sel $0xFFFF  }
0xcd: {  	[dreg:$0x0] =	wrdreg $0xFFFFFFFF;
	(pc) =	sbr.abs _section_cstart, $3  }
0xce: {  	[dreg:$0x1] =	wrdreg $0xFFFFFFFF  }
0xcf: {  	_ =	task.clear_ibuf [dreg:s22], $0x2FFFF;
	_ =	strace $0x9FFFFFFF  }
0xd0: {  	(tm) =	ssettm $0x7FFFFFFF  }
0xd1: {  	_ =	shalt  }
tec
execute0_lowered:
.L_overlay_start_1:
0x0: {  	(tag) =	ssettag $0x1  }
0x1: {  	s5 =	rddreg [dreg:$0x0]  }
0x2: {  	s0 =	rddreg [dreg:$0x1];
	s3 =	srdreg.scid  }
0x3: {  	s1 =	stileid.u32;
	s2 =	simm.s32 $0x0;
	s10 =	simm.s32 $0x5  }
0x4: {  	s11 =	simm.s32 $0x2800;
	s12 =	simm.s32 $0x80;
	s13 =	simm.s32 $0x5000  }
0x5: {  	s14 =	simm.s32 $0xD000;
	s15 =	simm.s32 $0x1;
	s16 =	simm.s32 $0x2  }
0x6: {  	s17 =	simm.s32 $0x3;
	s18 =	simm.s32 $0x11000;
	s19 =	simm.s32 $0x0  }
0x7: {  	s6 =	sand.u32 $0x1, s3;
	s31 =	sshll.u32 s1, $0x1;
	[smem:$0x7FF] =	sst s2  }
.Ltmp0:
0x8: {  	s3 =	sadd.s32 $0x18E00, s5;
	s8 =	sor.u32 s6, s31;
	(pc) =	sbr.rel .LBB2_1-.Ltmp0, $4  }
0x9: {  	s4 =	sadd.s32 $0x67000, s5;
	s6 =	ssub.s32 $0x2, s6;
	s7 =	smul.u32 $0x4F0, s8  }
0xa: {  	_ =	strace $0x8000004A;
	s9 =	sshrl.u32 s6, $0x1;
	s8 =	smul.u32 $0x4F, s8  }
0xb: {  	s9 =	ssub.s32 s6, s9;
	s7 =	sadd.s32 s7, s5;
	s5 =	sadd.s32 $0xD3000, s5  }
0xc: {  	s9 =	smax.u32 s9, $0x1;
	s6 =	sadd.s32 $0xC9000, s7;
	s7 =	sadd.s32 $0xBF000, s7  }
.LBB2_12:
0xd: {  	s19 =	sadd.s32 $0x1, s19  }
0xe: {  	p0 =	sne.s32 s19, s9  }
.Ltmp1:
0xf: {  	_ = 	snop;
	(pc) =	sbr.rel @!p0 .LBB2_13-.Ltmp1, $4  }
0x10: {  	_ = 	snop  }
0x11: {  	_ =	swait.ge [sflag:s17], $0x4000  }
0x12: {  	[sflag:s17] =	ssyncset.done $0x0  }
0x13: {  	[sflag:s17] =	ssyncadd.s32 $0xFFFFC000  }
.LBB2_1:
0x14: {  	[tilespmem:s2], [sflag:$0x5] =	stream.linear.gather [hbm4b:s6+s2], $0x2800, $0x38;
	[tilespmem:$0x15000] =	vst v63  }
0x15: {  	_ =	swait.ge [sflag:s10], $0x2800  }
0x16: {  	[sflag:s10] =	ssyncset.done $0x0  }
0x17: {  	[sflag:s10] =	ssyncadd.s32 $0xFFFFD800  }
0x18: {  	[tilespmem:s11], [sflag:$0x5] =	stream.linear.gather [hbm4b:s7+s2], $0x2800, $0x38;
	[tilespmem:$0x15000] =	vst v63  }
0x19: {  	_ =	swait.ge [sflag:s10], $0x2800  }
.Ltmp2:
0x1a: {  	[sflag:s10] =	ssyncset.done $0x0;
	(pc) =	sbr.rel .LBB2_2-.Ltmp2, $4  }
0x1b: {  	[sflag:s10] =	ssyncadd.s32 $0xFFFFD800  }
0x1c: {  	[tilespmem:s13], [sflag:$0x1] =	stream.indirect.gather [hbm4b:s3+s12], $0x80, s2, s12, $0xb8;
	[tilespmem:$0x15000] =	vst v63  }
0x1d: {  	s20 =	simm.s32 $0x0  }
0x1e: {  	[tilespmem:s14], [sflag:$0x1] =	stream.indirect.gather [hbm4b:s4+s12], $0x80, s11, s12, $0xb8;
	[tilespmem:$0x15000] =	vst v63  }
.LBB2_11:
0x1f: {  	s20 =	sadd.s32 $0x1, s20  }
0x20: {  	p0 =	sne.s32 s20, $0x28  }
.Ltmp3:
0x21: {  	_ = 	snop;
	(pc) =	sbr.rel @!p0 .LBB2_12-.Ltmp3, $1  }
0x22: {  	_ =	sdelay $0x3  }
.LBB2_2:
0x23: {  	s22 =	sshll.u32 s20, $0x1  }
0x24: {  	s23 =	sadd.s32 s8, s22  }
0x25: {  	p0 =	slt.u32 s23, $0x9C4  }
.Ltmp4:
0x26: {  	_ = 	snop;
	(pc) =	sbr.rel @!p0 .LBB2_3-.Ltmp4, $1  }
0x27: {  	_ =	sdelay $0x3  }
0x28: {  	_ =	swait.ge [sflag:s15], $0x4000  }
0x29: {  	[sflag:s15] =	ssyncset.done $0x0  }
0x2a: {  	[sflag:s15] =	ssyncadd.s32 $0xFFFFC000  }
0x2b: {  	s21 =	sadd.s32 $0xFFFFFFFF, s22;
	_ =	swait.ge [sflag:s15], $0x4000  }
0x2c: {  	p0 =	sgt.u32 s21, $0x4E;
	[sflag:s15] =	ssyncset.done $0x0  }
0x2d: {  	s24 =	sor.u32 $0x1, s22;
	s25 =	simm.s32 @!p0 $0x4;
	[sflag:s15] =	ssyncadd.s32 $0xFFFFC000  }
0x2e: {  	p1 =	sgt.u32 s24, $0x4E;
	s21 =	sadd.s32 s8, s24;
	_ =	swait.ge @!p0 [sflag:s25], $0x4000  }
0x2f: {  	p2 =	sgt.u32 @!p1 s21, $0x9C3;
	[sflag:s25] =	ssyncset.done @!p0 $0x0  }
0x30: {  	[sflag:s25] =	ssyncadd.s32 @!p0 $0xFFFFC000;
	p0 =	por p2, p1  }
0x31: {  	s25 =	sshll.u32 @!p0 s24, $0x7;
	s26 =	simm.s32 @!p0 $0x80;
	s28 =	simm.s32 @!p0 $0x9000  }
0x32: {  	[tilespmem:s28], [sflag:$0x2] =	stream.indirect.gather @!p0 [hbm4b:s3+s26], $0x80, s25, s26, $0xb8;
	[tilespmem:$0x15000] =	vst v63  }
0x33: {  	s25 =	sadd.s32 @!p0 $0x2800, s25;
	s28 =	simm.s32 @!p0 $0x11000  }
0x34: {  	[tilespmem:s28], [sflag:$0x2] =	stream.indirect.gather @!p0 [hbm4b:s4+s26], $0x80, s25, s26, $0xb8;
	[tilespmem:$0x15000] =	vst v63  }
0x35: {  	s25 =	simm.s32 $0x0  }
0x36: {  	v7 =	vld [tilespmem:s25+$0x5000]  }
0x37: {  	v11 =	vld [tilespmem:s25+$0x5010]  }
0x38: {  	v5 =	vld [tilespmem:s25+$0x5020]  }
0x39: {  	v4 =	vld [tilespmem:s25+$0x5030]  }
0x3a: {  	v3 =	vld [tilespmem:s25+$0x5040]  }
0x3b: {  	v2 =	vld [tilespmem:s25+$0x5050]  }
0x3c: {  	v1 =	vld [tilespmem:s25+$0x5060]  }
0x3d: {  	v0 =	vld [tilespmem:s25+$0x5070]  }
0x3e: {  	v12 =	vld [tilespmem:s25+$0xD000]  }
0x3f: {  	v13 =	vld [tilespmem:s25+$0xD010]  }
0x40: {  	v10 =	vld [tilespmem:s25+$0xD020]  }
0x41: {  	v9 =	vld [tilespmem:s25+$0xD030]  }
0x42: {  	v8 =	vld [tilespmem:s25+$0xD040]  }
0x43: {  	v6 =	vld [tilespmem:s25+$0xD050];
	v12 =	vadd.f32 v12, v7  }
0x44: {  	s26 =	simm.s32 $0x200;
	v11 =	vadd.f32 v13, v11;
	v7 =	vld [tilespmem:s25+$0xD060]  }
.LBB2_5:
0x45: {  	s28 =	sshra.s32 s26, $0x2;
	p0 =	sne.s32 s26, $0xFE00;
	[tilespmem:s25+$0xD000] =	vst v12;
	v5 =	vadd.f32 v10, v5;
	v10 =	vld [tilespmem:s25+$0xD070]  }
0x46: {  	v12 =	vld [tilespmem:s28+$0x5000];
	[tilespmem:s25+$0xD010] =	vst v11;
	v4 =	vadd.f32 v9, v4  }
0x47: {  	v11 =	vld [tilespmem:s28+$0x5010];
	[tilespmem:s25+$0xD020] =	vst v5;
	v3 =	vadd.f32 v8, v3  }
0x48: {  	v5 =	vld [tilespmem:s28+$0x5020];
	[tilespmem:s25+$0xD030] =	vst v4;
	v2 =	vadd.f32 v6, v2  }
0x49: {  	v4 =	vld [tilespmem:s28+$0x5030];
	[tilespmem:s25+$0xD040] =	vst v3;
	v1 =	vadd.f32 v7, v1  }
0x4a: {  	v3 =	vld [tilespmem:s28+$0x5040];
	[tilespmem:s25+$0xD050] =	vst v2;
	v0 =	vadd.f32 v10, v0  }
0x4b: {  	v2 =	vld [tilespmem:s28+$0x5050];
	[tilespmem:s25+$0xD060] =	vst v1  }
0x4c: {  	v1 =	vld [tilespmem:s28+$0x5060];
	[tilespmem:s25+$0xD070] =	vst v0;
	s25 =	smov.u32 s28  }
0x4d: {  	v0 =	vld [tilespmem:s25+$0x5070]  }
0x4e: {  	v6 =	vld [tilespmem:s25+$0xD000]  }
0x4f: {  	v7 =	vld [tilespmem:s25+$0xD010]  }
.Ltmp5:
0x50: {  	v10 =	vld [tilespmem:s25+$0xD020];
	(pc) =	sbr.rel @p0 .LBB2_5-.Ltmp5, $4  }
0x51: {  	v9 =	vld [tilespmem:s25+$0xD030]  }
0x52: {  	v8 =	vld [tilespmem:s25+$0xD040]  }
0x53: {  	v12 =	vadd.f32 v6, v12;
	v6 =	vld [tilespmem:s25+$0xD050]  }
0x54: {  	s26 =	sadd.s32 $0x200, s26;
	v11 =	vadd.f32 v7, v11;
	v7 =	vld [tilespmem:s25+$0xD060]  }
0x55: {  	[tilespmem:s25+$0xD000] =	vst v12;
	v5 =	vadd.f32 v10, v5;
	v63 =	vld [tilespmem:s25+$0xD070]  }
0x56: {  	[tilespmem:s25+$0xD010] =	vst v11;
	v4 =	vadd.f32 v9, v4  }
0x57: {  	[tilespmem:s25+$0xD020] =	vst v5;
	v3 =	vadd.f32 v8, v3  }
0x58: {  	[tilespmem:s25+$0xD030] =	vst v4;
	v2 =	vadd.f32 v6, v2  }
.Ltmp6:
0x59: {  	[tilespmem:s25+$0xD040] =	vst v3;
	v1 =	vadd.f32 v7, v1;
	(pc) =	sbr.rel .LBB2_7-.Ltmp6, $4  }
0x5a: {  	[tilespmem:s25+$0xD050] =	vst v2;
	v0 =	vadd.f32 v63, v0  }
0x5b: {  	s23 =	sshll.u32 s23, $0xB;
	[tilespmem:s25+$0xD060] =	vst v1  }
0x5c: {  	s23 =	sadd.s32 s5, s23;
	[tilespmem:s25+$0xD070] =	vst v0  }
0x5d: {  	[hbm4b:s23+s2] =	stream.linear.scatter [tilespmem:s14], [sflag:$0x3], $0x4000, $0x38;
	[tilespmem:$0x15000] =	vst v63  }
.LBB2_3:
0x5e: {  	s24 =	sor.u32 $0x1, s22  }
0x5f: {  	s21 =	sadd.s32 s8, s24  }
.LBB2_7:
0x60: {  	p0 =	sgt.u32 s24, $0x4E  }
0x61: {  	p1 =	sgt.u32 @!p0 s21, $0x9C3  }
0x62: {  	p0 =	por p0, p1  }
.Ltmp7:
0x63: {  	_ = 	snop;
	(pc) =	sbr.rel @p0 .LBB2_11-.Ltmp7, $1  }
0x64: {  	_ =	sdelay $0x3  }
0x65: {  	_ =	swait.ge [sflag:s16], $0x4000  }
0x66: {  	[sflag:s16] =	ssyncset.done $0x0  }
0x67: {  	[sflag:s16] =	ssyncadd.s32 $0xFFFFC000  }
0x68: {  	_ =	swait.ge [sflag:s16], $0x4000  }
0x69: {  	s22 =	sadd.s32 $0x2, s22;
	[sflag:s16] =	ssyncset.done $0x0  }
0x6a: {  	s23 =	sadd.s32 s8, s22;
	[sflag:s16] =	ssyncadd.s32 $0xFFFFC000  }
0x6b: {  	p0 =	sgt.u32 s23, $0x9C3;
	_ =	swait.ge [sflag:s17], $0x4000  }
0x6c: {  	s22 =	sshll.u32 @!p0 s22, $0x7;
	[sflag:s17] =	ssyncset.done $0x0  }
0x6d: {  	s23 =	simm.s32 @!p0 $0x80;
	s24 =	simm.s32 @!p0 $0x5000;
	[sflag:s17] =	ssyncadd.s32 $0xFFFFC000  }
0x6e: {  	[tilespmem:s24], [sflag:$0x1] =	stream.indirect.gather @!p0 [hbm4b:s3+s23], $0x80, s22, s23, $0xb8;
	[tilespmem:$0x15000] =	vst v63  }
0x6f: {  	s22 =	sadd.s32 @!p0 $0x2800, s22;
	s24 =	simm.s32 @!p0 $0xD000  }
0x70: {  	[tilespmem:s24], [sflag:$0x1] =	stream.indirect.gather @!p0 [hbm4b:s4+s23], $0x80, s22, s23, $0xb8;
	[tilespmem:$0x15000] =	vst v63  }
0x71: {  	s22 =	simm.s32 $0x0  }
0x72: {  	v7 =	vld [tilespmem:s22+$0x9000]  }
0x73: {  	v11 =	vld [tilespmem:s22+$0x9010]  }
0x74: {  	v5 =	vld [tilespmem:s22+$0x9020]  }
0x75: {  	v4 =	vld [tilespmem:s22+$0x9030]  }
0x76: {  	v3 =	vld [tilespmem:s22+$0x9040]  }
0x77: {  	v2 =	vld [tilespmem:s22+$0x9050]  }
0x78: {  	v1 =	vld [tilespmem:s22+$0x9060]  }
0x79: {  	v0 =	vld [tilespmem:s22+$0x9070]  }
0x7a: {  	v12 =	vld [tilespmem:s22+$0x11000]  }
0x7b: {  	v13 =	vld [tilespmem:s22+$0x11010]  }
0x7c: {  	v10 =	vld [tilespmem:s22+$0x11020]  }
0x7d: {  	v9 =	vld [tilespmem:s22+$0x11030]  }
0x7e: {  	v8 =	vld [tilespmem:s22+$0x11040]  }
0x7f: {  	v6 =	vld [tilespmem:s22+$0x11050];
	v12 =	vadd.f32 v12, v7  }
0x80: {  	s23 =	simm.s32 $0x200;
	v11 =	vadd.f32 v13, v11;
	v7 =	vld [tilespmem:s22+$0x11060]  }
.LBB2_9:
0x81: {  	s24 =	sshra.s32 s23, $0x2;
	p0 =	sne.s32 s23, $0xFE00;
	[tilespmem:s22+$0x11000] =	vst v12;
	v5 =	vadd.f32 v10, v5;
	v10 =	vld [tilespmem:s22+$0x11070]  }
0x82: {  	v12 =	vld [tilespmem:s24+$0x9000];
	[tilespmem:s22+$0x11010] =	vst v11;
	v4 =	vadd.f32 v9, v4  }
0x83: {  	v11 =	vld [tilespmem:s24+$0x9010];
	[tilespmem:s22+$0x11020] =	vst v5;
	v3 =	vadd.f32 v8, v3  }
0x84: {  	v5 =	vld [tilespmem:s24+$0x9020];
	[tilespmem:s22+$0x11030] =	vst v4;
	v2 =	vadd.f32 v6, v2  }
0x85: {  	v4 =	vld [tilespmem:s24+$0x9030];
	[tilespmem:s22+$0x11040] =	vst v3;
	v1 =	vadd.f32 v7, v1  }
0x86: {  	v3 =	vld [tilespmem:s24+$0x9040];
	[tilespmem:s22+$0x11050] =	vst v2;
	v0 =	vadd.f32 v10, v0  }
0x87: {  	v2 =	vld [tilespmem:s24+$0x9050];
	[tilespmem:s22+$0x11060] =	vst v1  }
0x88: {  	v1 =	vld [tilespmem:s24+$0x9060];
	[tilespmem:s22+$0x11070] =	vst v0;
	s22 =	smov.u32 s24  }
0x89: {  	v0 =	vld [tilespmem:s22+$0x9070]  }
0x8a: {  	v6 =	vld [tilespmem:s22+$0x11000]  }
0x8b: {  	v7 =	vld [tilespmem:s22+$0x11010]  }
.Ltmp8:
0x8c: {  	v10 =	vld [tilespmem:s22+$0x11020];
	(pc) =	sbr.rel @p0 .LBB2_9-.Ltmp8, $4  }
0x8d: {  	v9 =	vld [tilespmem:s22+$0x11030]  }
0x8e: {  	v8 =	vld [tilespmem:s22+$0x11040]  }
0x8f: {  	v12 =	vadd.f32 v6, v12;
	v6 =	vld [tilespmem:s22+$0x11050]  }
0x90: {  	s23 =	sadd.s32 $0x200, s23;
	v11 =	vadd.f32 v7, v11;
	v7 =	vld [tilespmem:s22+$0x11060]  }
0x91: {  	[tilespmem:s22+$0x11000] =	vst v12;
	v5 =	vadd.f32 v10, v5;
	v63 =	vld [tilespmem:s22+$0x11070]  }
0x92: {  	[tilespmem:s22+$0x11010] =	vst v11;
	v4 =	vadd.f32 v9, v4  }
0x93: {  	[tilespmem:s22+$0x11020] =	vst v5;
	v3 =	vadd.f32 v8, v3  }
0x94: {  	[tilespmem:s22+$0x11030] =	vst v4;
	v2 =	vadd.f32 v6, v2  }
.Ltmp9:
0x95: {  	[tilespmem:s22+$0x11040] =	vst v3;
	v1 =	vadd.f32 v7, v1;
	(pc) =	sbr.rel .LBB2_11-.Ltmp9, $4  }
0x96: {  	[tilespmem:s22+$0x11050] =	vst v2;
	v0 =	vadd.f32 v63, v0  }
0x97: {  	s21 =	sshll.u32 s21, $0xB;
	[tilespmem:s22+$0x11060] =	vst v1  }
0x98: {  	s21 =	sadd.s32 s5, s21;
	[tilespmem:s22+$0x11070] =	vst v0  }
0x99: {  	[hbm4b:s21+s2] =	stream.linear.scatter [tilespmem:s18], [sflag:$0x4], $0x4000, $0x38;
	[tilespmem:$0x15000] =	vst v63  }
.LBB2_13:
0x9a: {  	_ =	sfence.sel $0x180000  }
0x9b: {  	[bflag:$0x0] =	sbarrier.arrive $0xFFFF  }
0x9c: {  	p0 =	sne.s32 s1, $0x0;
	_ =	strace $0x9000004A  }
0x9d: {  	s0 =	sadd.s32 @!p0 $0x100000, s0;
	[bflag:$0x2] =	sbarrier.arrive $0xFFFF  }
0x9e: {  	[sflag:s0] =	ssyncadd.tile.s32 @!p0 $0x1;
	_ =	shalt  }
.Lfunc_end2:
_tile_overlayer_lowered:
.L_overlay_start_2:
0x9f: {  	(tag) =	ssettag $0x2  }
0xa0: {  	s0 =	rddreg [dreg:$0x0];
	s2 =	stileid.u32  }
0xa1: {  	s1 =	rddreg [dreg:$0x1];
	p0 =	sne.s32 s2, $0x0  }
0xa2: {  	s3 =	rddreg [dreg:$0x2];
	[bflag:$0x3] =	sbarrier.arrive $0xFFFF;
	s2 =	simm.s32 @!p0 $0x1C05  }
0xa3: {  	[timem:s3], [sflag:s2] =	dma.local @!p0 [hbm:s0], s1  }
0xa4: {  	s0 =	simm.s32 @!p0 $0x5  }
0xa5: {  	_ =	swait.ge @!p0 [sflag:s0], s1  }
0xa6: {  	s1 =	ssub.s32 @!p0 $0x0, s1;
	[sflag:s0] =	ssyncset.done @!p0 $0x0  }
0xa7: {  	[sflag:s0] =	ssyncadd.s32 @!p0 s1  }
0xa8: {  	[bflag:$0x3] =	sbarrier.arrive $0xFFFF  }
0xa9: {  	_ =	shalt  }

// kernel: kernel.13.cloned.1.call-start
scs
__scs_entry_jumppad:
0x0: {  	(pc) =	sbr.rel $0x88, $3  }
0x1: {  	(tag) =	ssettag $0x0;
	lr =	simm.s32 $0x1  }
0x2: {  	[smem:$0x3F8F] =	sst lr;
	_ =	strace $0xD0000000  }
0x3: {  	_ = 	snop  }
0x4: {  	_ = 	snop  }
0x5: {  	_ = 	snop  }
0x6: {  	_ = 	snop  }
0x7: {  	_ = 	snop  }
__scs_overlays_trampoline_lowered:
0x8: {  	[smem:$0x3F9E] =	sst s0  }
0x9: {  	[smem:$0x3F9F] =	sst s1  }
0xa: {  	[smem:$0x3FA0] =	sst s2  }
0xb: {  	[smem:$0x3FA1] =	sst s3  }
0xc: {  	[smem:$0x3FA2] =	sst s4  }
0xd: {  	[smem:$0x3FA3] =	sst s5  }
0xe: {  	[smem:$0x3FA4] =	sst s6  }
0xf: {  	[smem:$0x3FA5] =	sst s7  }
0x10: {  	[smem:$0x3FA6] =	sst s8  }
0x11: {  	[smem:$0x3FA7] =	sst s9;
	s0 =	simm.s32 @!p0 $0x0  }
0x12: {  	s1 =	sld [smem:$0x3F8D];
	s0 =	simm.s32 @p0 $0x1  }
0x13: {  	[smem:$0x3FA8] =	sst s0;
	s0 =	simm.s32 @!p1 $0x0  }
0x14: {  	s2 =	sld [smem:$0x3F8C];
	s0 =	simm.s32 @p1 $0x1  }
0x15: {  	[smem:$0x3FA9] =	sst s0;
	s0 =	simm.s32 @!p2 $0x0  }
0x16: {  	s3 =	sld [smem:$0x3FDB];
	s0 =	simm.s32 @p2 $0x1  }
0x17: {  	s4 =	simm.s32 $0x1BF5;
	[smem:$0x3FAB] =	sst s0  }
0x18: {  	s0 =	sld [smem:$0x3F8E];
	_ =	swait.ge [sflag:s4], $0x0  }
0x19: {  	s7 =	sld [smem:$0x3F8F]  }
0x1a: {  	s8 =	sadd.s32 $0xFFFFE003, lr  }
0x1b: {  	s9 =	sadd.s32 $0xFFFFFEF7, lr;
	s5 =	simm.s32 $0xFFFFFFFF;
	p2 =	slt.u32 s8, $0xFFFFF086  }
0x1c: {  	p1 =	slt.u32 s9, $0xF7A;
	s5 =	simm.s32 @!p2 $0x0  }
0x1d: {  	s5 =	simm.s32 @p1 $0x1;
	p0 =	seq.s32 s7, s2  }
0x1e: {  	s7 =	smul.u32 @!p0 $0xF7A, s2;
	p2 =	seq.s32 @!p0 s5, $0x0  }
0x1f: {  	s9 =	smul.u32 $0xF7A, s1;
	s8 =	simm.s32 @!p0 $0x1BF5;
	p2 =	por !p2, p0  }
0x20: {  	[sflag:s8] =	ssyncset.s32 @!p0 $0xFFFFF086;
	s6 =	sadd.s32 @!p0 s3, s7;
	s7 =	simm.s32 @!p0 $0x108  }
0x21: {  	s3 =	sadd.s32 s3, s9;
	s6 =	sadd.s32 @!p0 $0x88, s6;
	s7 =	simm.s32 @p2 $0x1082  }
0x22: {  	[simem:s7], [sflag:s8] =	dma.local @!p0 [hbm:s6], $0xF7A  }
0x23: {  	s9 =	sor.u32 $0xD0000000, s2;
	s6 =	simm.s32 $0x108;
	_ =	swait.ge @!p0 [sflag:s8], $0x0  }
0x24: {  	s3 =	sadd.s32 $0x88, s3;
	s6 =	simm.s32 @!p1 $0x1082;
	[sflag:s4] =	ssyncset.s32 $0xFFFFF086  }
0x25: {  	[simem:s6], [sflag:s4] =	dma.local [hbm:s3], $0xF7A  }
0x26: {  	[smem:$0x3F8F] =	sst s1;
	(tag) =	ssettag s2;
	_ =	strace s9  }
0x27: {  	s1 =	sld [smem:$0x3F9F]  }
0x28: {  	s2 =	sld [smem:$0x3FA0]  }
0x29: {  	s4 =	sld [smem:$0x3FA2]  }
0x2a: {  	p0 =	seq.s32 s5, $0x0;
	s5 =	sld [smem:$0x3FA3]  }
0x2b: {  	s6 =	sld [smem:$0x3FA4]  }
0x2c: {  	s7 =	sld [smem:$0x3FA5]  }
0x2d: {  	s3 =	simm.s32 $0x108;
	s8 =	sld [smem:$0x3FA6]  }
0x2e: {  	s3 =	simm.s32 @!p0 $0x1082;
	s9 =	sld [smem:$0x3FA7]  }
0x2f: {  	lr =	sadd.s32 s0, s3;
	s0 =	sld [smem:$0x3F9E]  }
0x30: {  	s3 =	sld [smem:$0x3FA1]  }
0x31: {  	[smem:$0x3FAA] =	sst s10  }
0x32: {  	s10 =	sld [smem:$0x3FA8];
	_ =	sdelay $0x3  }
0x33: {  	p0 =	seq.s32 s10, $0x1;
	s10 =	sld [smem:$0x3FAA];
	_ =	sdelay $0x3  }
0x34: {  	[smem:$0x3FAA] =	sst s10  }
0x35: {  	s10 =	sld [smem:$0x3FA9];
	_ =	sdelay $0x3  }
0x36: {  	p1 =	seq.s32 s10, $0x1;
	s10 =	sld [smem:$0x3FAA];
	_ =	sdelay $0x3  }
0x37: {  	[smem:$0x3FAA] =	sst s10  }
0x38: {  	s10 =	sld [smem:$0x3FAB]  }
0x39: {  	_ = 	snop;
	(pc) =	sbr.ind lr, $3  }
0x3a: {  	_ = 	snop  }
0x3b: {  	_ = 	snop  }
0x3c: {  	p2 =	seq.s32 s10, $0x1;
	s10 =	sld [smem:$0x3FAA]  }
0x3d: {  	_ =	shalt  }
0x3e: {  	_ =	shalt  }
0x3f: {  	_ =	shalt  }
0x40: {  	_ =	shalt  }
0x41: {  	_ =	shalt  }
0x42: {  	_ =	shalt  }
0x43: {  	_ =	shalt  }
0x44: {  	_ =	shalt  }
0x45: {  	_ =	shalt  }
0x46: {  	_ =	shalt  }
0x47: {  	_ =	shalt  }
0x48: {  	_ =	shalt  }
0x49: {  	_ =	shalt  }
0x4a: {  	_ =	shalt  }
0x4b: {  	_ =	shalt  }
0x4c: {  	_ =	shalt  }
0x4d: {  	_ =	shalt  }
0x4e: {  	_ =	shalt  }
0x4f: {  	_ =	shalt  }
0x50: {  	_ =	shalt  }
0x51: {  	_ =	shalt  }
0x52: {  	_ =	shalt  }
0x53: {  	_ =	shalt  }
0x54: {  	_ =	shalt  }
0x55: {  	_ =	shalt  }
0x56: {  	_ =	shalt  }
0x57: {  	_ =	shalt  }
0x58: {  	_ =	shalt  }
0x59: {  	_ =	shalt  }
0x5a: {  	_ =	shalt  }
0x5b: {  	_ =	shalt  }
0x5c: {  	_ =	shalt  }
0x5d: {  	_ =	shalt  }
0x5e: {  	_ =	shalt  }
0x5f: {  	_ =	shalt  }
0x60: {  	_ =	shalt  }
0x61: {  	_ =	shalt  }
0x62: {  	_ =	shalt  }
0x63: {  	_ =	shalt  }
0x64: {  	_ =	shalt  }
0x65: {  	_ =	shalt  }
0x66: {  	_ =	shalt  }
0x67: {  	_ =	shalt  }
0x68: {  	_ =	shalt  }
0x69: {  	_ =	shalt  }
0x6a: {  	_ =	shalt  }
0x6b: {  	_ =	shalt  }
0x6c: {  	_ =	shalt  }
0x6d: {  	_ =	shalt  }
0x6e: {  	_ =	shalt  }
0x6f: {  	_ =	shalt  }
0x70: {  	_ =	shalt  }
0x71: {  	_ =	shalt  }
0x72: {  	_ =	shalt  }
0x73: {  	_ =	shalt  }
0x74: {  	_ =	shalt  }
0x75: {  	_ =	shalt  }
0x76: {  	_ =	shalt  }
0x77: {  	_ =	shalt  }
0x78: {  	_ =	shalt  }
0x79: {  	_ =	shalt  }
0x7a: {  	_ =	shalt  }
0x7b: {  	_ =	shalt  }
0x7c: {  	_ =	shalt  }
0x7d: {  	_ =	shalt  }
0x7e: {  	_ =	shalt  }
0x7f: {  	_ =	shalt  }
0x80: {  	_ =	shalt  }
0x81: {  	_ =	shalt  }
0x82: {  	_ =	shalt  }
0x83: {  	_ =	shalt  }
0x84: {  	_ =	shalt  }
0x85: {  	_ =	shalt  }
0x86: {  	_ =	shalt  }
0x87: {  	_ =	shalt  }
.Lfunc_end0:
.L_simem_size_0:
called_computation.1_lowered:
.L_overlay_start_0:
0x88: {  	s2 =	sld [smem:$0x3FD9]  }
0x89: {  	s3 =	sld [smem:$0x3FFE];
	_ =	sdelay $0x1  }
0x8a: {  	s1 =	srdreg.scid  }
0x8b: {  	s0 =	sand.u32 $0x1, s1  }
0x8c: {  	s14 =	sshll.u32 s0, $0xA;
	s2 =	sadd.s32 s3, s2  }
0x8d: {  	s2 =	sadd.s32 s2, s14  }
0x8e: {  	[smem:$0x3FB6] =	sst s2  }
0x8f: {  	_ = 	snop  }
0x90: {  	s2 =	sld [smem:$0x3FD0];
	_ =	sdelay $0x2  }
0x91: {  	s15 =	simm.s32 $0xB;
	s4 =	simm.s32 $0x10  }
0x92: {  	[smem:s4], [sflag:s15] =	dma.local [hbm:s2], $0x1  }
0x93: {  	_ =	swait.eq [sflag:s15], $0x1  }
0x94: {  	[sflag:s15] =	ssyncset.done $0x0  }
0x95: {  	s16 =	sld [smem:$0x10];
	[sflag:s15] =	ssyncadd.s32 $0xFFFFFFFF  }
0x96: {  	s17 =	sld [smem:$0x11];
	(tm) =	ssettm $0x1  }
0x97: {  	s18 =	sld [smem:$0x3FFB];
	_ =	sdelay $0x3  }
0x98: {  	_ =	strace s18  }
0x99: {  	s4 =	sld [smem:$0x3FFC];
	_ =	sdelay $0x3  }
0x9a: {  	_ =	strace s4  }
0x9b: {  	s4 =	sld [smem:$0x3FFD];
	_ =	sdelay $0x3  }
0x9c: {  	_ =	strace s4  }
0x9d: {  	_ =	strace $0x8FFFFFFF  }
0x9e: {  	s19 =	sld [smem:$0x3FDB];
	_ =	sdelay $0x1  }
0x9f: {  	s5 =	simm.s32 $_scs_section_size  }
0xa0: {  	s6 =	simm.s32 $_size__tile_overlayer_lowered;
	s7 =	simm.s32 $_tile_overlayer_lowered  }
0xa1: {  	s22 =	simm.s32 $0x1BFF;
	s21 =	sshll.u32 s7, $0x1;
	s4 =	sadd.s32 s5, s19  }
0xa2: {  	s8 =	simm.s32 $0x0;
	s20 =	sshll.u32 s6, $0x1;
	s6 =	sadd.s32 s21, s4  }
0xa3: {  	[timem:s8], [sflag:s22] =	dma.local [hbm:s6], s20  }
0xa4: {  	_ =	swait.ge [sflag:s22], s20  }
0xa5: {  	s5 =	ssub.s32 $0x0, s20;
	[sflag:s22] =	ssyncset.done $0x0  }
0xa6: {  	[sflag:s22] =	ssyncadd.s32 s5;
	_ =	sdelay $0x1  }
0xa7: {  	s23 =	simm.s32 $0x1B8B  }
0xa8: {  	_ =	swait.ge [sflag:s23], $0x1  }
0xa9: {  	[sflag:s23] =	ssyncset.done $0x0  }
0xaa: {  	s25 =	simm.s32 $0x1B8E;
	s24 =	sld [smem:$0x3FFE];
	[sflag:s23] =	ssyncadd.s32 $0xFFFFFFFF  }
0xab: {  	s26 =	simm.s32 $execute0_lowered;
	[smem:$0x3FD2] =	sst s25  }
0xac: {  	s6 =	sshll.u32 s26, $0x1;
	_ =	strace $0x80000046;
	[dreg:$0x1] =	wrdreg $0xFFFFFFFF  }
0xad: {  	s28 =	simm.s32 $_size_execute0_lowered;
	s4 =	sadd.s32 s4, s6;
	[dreg:$0x0] =	wrdreg $0x0  }
0xae: {  	s6 =	sshll.u32 s28, $0x1;
	[dreg:$0x2] =	wrdreg s4  }
0xaf: {  	[dreg:$0x3] =	wrdreg s6  }
0xb0: {  	[dreg:$0x4] =	wrdreg $0xC0  }
0xb1: {  	_ =	task [dreg:s8], $0x5FFFF  }
0xb2: {  	[dreg:$0x1] =	wrdreg $0xFFFFFFFF  }
0xb3: {  	[dreg:$0x0] =	wrdreg $0x60  }
0xb4: {  	[dreg:$0x2] =	wrdreg s24  }
0xb5: {  	[dreg:$0x3] =	wrdreg s16  }
0xb6: {  	[dreg:$0x4] =	wrdreg s17  }
0xb7: {  	[dreg:$0x5] =	wrdreg $0xA  }
0xb8: {  	_ =	task.clear_ibuf [dreg:s8], $0x6FFFF;
	_ =	strace $0x90000046  }
0xb9: {  	s29 =	simm.s32 $0xA;
	_ =	strace $0x80000048  }
0xba: {  	_ =	swait.ge [sflag:s29], $0x1  }
0xbb: {  	[sflag:s29] =	ssyncadd.s32 $0xFFFFFFFF  }
0xbc: {  	_ =	strace $0x90000048  }
0xbd: {  	_ =	sfence  }
0xbe: {  	s30 =	sld [smem:$0x0];
	_ =	sdelay $0x2  }
0xbf: {  	s31 =	sshll.u32 s1, $0xD;
	s1 =	sshrl.u32 s1, $0x2  }
0xc0: {  	s3 =	sand.u32 $0x4000, s31;
	s1 =	sadd.s32 s1, s30  }
0xc1: {  	s0 =	sor.u32 s3, s0;
	s1 =	sshll.u32 s1, $0x11  }
0xc2: {  	s0 =	sor.u32 s1, s0  }
0xc3: {  	s0 =	sadd.s32 $0x8F2B, s0  }
0xc4: {  	[sflag:s0] =	ssyncadd.remote.s32 $0x1  }
0xc5: {  	_ =	sfence.sel $0xFFFF  }
0xc6: {  	[dreg:$0x0] =	wrdreg $0xFFFFFFFF;
	(pc) =	sbr.abs _section_cstart, $3  }
0xc7: {  	[dreg:$0x1] =	wrdreg $0xFFFFFFFF  }
0xc8: {  	_ =	task.clear_ibuf [dreg:s8], $0x2FFFF;
	_ =	strace $0x9FFFFFFF  }
0xc9: {  	(tm) =	ssettm $0x7FFFFFFF  }
tec
execute0_lowered:
.L_overlay_start_1:
0x0: {  	(tag) =	ssettag $0x1  }
0x1: {  	s6 =	rddreg [dreg:$0x0]  }
0x2: {  	s7 =	rddreg [dreg:$0x1]  }
0x3: {  	s1 =	srdreg.scid;
	s0 =	stileid.u32  }
0x4: {  	s2 =	rddreg [dreg:$0x2];
	s3 =	simm.s32 $0x0;
	s12 =	simm.s32 $0x80  }
0x5: {  	s13 =	simm.s32 $0x5000;
	s14 =	simm.s32 $0xD000;
	s15 =	simm.s32 $0x1  }
0x6: {  	s16 =	simm.s32 $0x2;
	s17 =	simm.s32 $0x3;
	s18 =	simm.s32 $0x11000  }
0x7: {  	s5 =	sand.u32 $0x1, s1;
	s4 =	sshll.u32 s0, $0x1;
	s1 =	rddreg [dreg:$0x3]  }
0x8: {  	s19 =	simm.s32 $0x0;
	[smem:$0x7FF] =	sst s3;
	s8 =	sor.u32 s5, s4  }
.Ltmp0:
0x9: {  	_ =	strace $0x80000047;
	s10 =	ssub.s32 $0x2, s5;
	(pc) =	sbr.rel .LBB2_1-.Ltmp0, $4  }
0xa: {  	s4 =	sadd.s32 $0x18E00, s6;
	s9 =	smul.u32 $0x4F0, s8;
	s31 =	sshrl.u32 s10, $0x1  }
0xb: {  	s5 =	sadd.s32 $0x67000, s6;
	s8 =	smul.u32 $0x4F, s8;
	s10 =	ssub.s32 s10, s31  }
0xc: {  	s11 =	sadd.s32 s9, s6;
	s6 =	sadd.s32 s7, s9;
	s9 =	smax.u32 s10, $0x1  }
0xd: {  	s10 =	simm.s32 $0x5;
	s7 =	sadd.s32 $0xEE00, s11;
	s11 =	simm.s32 $0x2800  }
.LBB2_12:
0xe: {  	s19 =	sadd.s32 $0x1, s19  }
0xf: {  	p0 =	sne.s32 s19, s9  }
.Ltmp1:
0x10: {  	_ = 	snop;
	(pc) =	sbr.rel @!p0 .LBB2_13-.Ltmp1, $4  }
0x11: {  	_ = 	snop  }
0x12: {  	_ =	swait.ge [sflag:s17], $0x4000  }
0x13: {  	[sflag:s17] =	ssyncset.done $0x0  }
0x14: {  	[sflag:s17] =	ssyncadd.s32 $0xFFFFC000  }
.LBB2_1:
0x15: {  	[tilespmem:s3], [sflag:$0x5] =	stream.linear.gather [hbm4b:s6+s3], $0x2800, $0x38;
	[tilespmem:$0x15000] =	vst v63  }
0x16: {  	_ =	swait.ge [sflag:s10], $0x2800  }
0x17: {  	[sflag:s10] =	ssyncset.done $0x0  }
0x18: {  	[sflag:s10] =	ssyncadd.s32 $0xFFFFD800  }
0x19: {  	[tilespmem:s11], [sflag:$0x5] =	stream.linear.gather [hbm4b:s7+s3], $0x2800, $0x38;
	[tilespmem:$0x15000] =	vst v63  }
0x1a: {  	_ =	swait.ge [sflag:s10], $0x2800  }
.Ltmp2:
0x1b: {  	[sflag:s10] =	ssyncset.done $0x0;
	(pc) =	sbr.rel .LBB2_2-.Ltmp2, $4  }
0x1c: {  	[sflag:s10] =	ssyncadd.s32 $0xFFFFD800  }
0x1d: {  	[tilespmem:s13], [sflag:$0x1] =	stream.indirect.gather [hbm4b:s4+s12], $0x80, s3, s12, $0xb8;
	[tilespmem:$0x15000] =	vst v63  }
0x1e: {  	s20 =	simm.s32 $0x0  }
0x1f: {  	[tilespmem:s14], [sflag:$0x1] =	stream.indirect.gather [hbm4b:s5+s12], $0x80, s11, s12, $0xb8;
	[tilespmem:$0x15000] =	vst v63  }
.LBB2_11:
0x20: {  	s20 =	sadd.s32 $0x1, s20  }
0x21: {  	p0 =	sne.s32 s20, $0x28  }
.Ltmp3:
0x22: {  	_ = 	snop;
	(pc) =	sbr.rel @!p0 .LBB2_12-.Ltmp3, $1  }
0x23: {  	_ =	sdelay $0x3  }
.LBB2_2:
0x24: {  	s22 =	sshll.u32 s20, $0x1  }
0x25: {  	s23 =	sadd.s32 s8, s22  }
0x26: {  	p0 =	slt.u32 s23, $0x9C4  }
.Ltmp4:
0x27: {  	_ = 	snop;
	(pc) =	sbr.rel @!p0 .LBB2_3-.Ltmp4, $1  }
0x28: {  	_ =	sdelay $0x3  }
0x29: {  	_ =	swait.ge [sflag:s15], $0x4000  }
0x2a: {  	[sflag:s15] =	ssyncset.done $0x0  }
0x2b: {  	[sflag:s15] =	ssyncadd.s32 $0xFFFFC000  }
0x2c: {  	s21 =	sadd.s32 $0xFFFFFFFF, s22;
	_ =	swait.ge [sflag:s15], $0x4000  }
0x2d: {  	p0 =	sgt.u32 s21, $0x4E;
	[sflag:s15] =	ssyncset.done $0x0  }
0x2e: {  	s24 =	sor.u32 $0x1, s22;
	s25 =	simm.s32 @!p0 $0x4;
	[sflag:s15] =	ssyncadd.s32 $0xFFFFC000  }
0x2f: {  	p1 =	sgt.u32 s24, $0x4E;
	s21 =	sadd.s32 s8, s24;
	_ =	swait.ge @!p0 [sflag:s25], $0x4000  }
0x30: {  	p2 =	sgt.u32 @!p1 s21, $0x9C3;
	[sflag:s25] =	ssyncset.done @!p0 $0x0  }
0x31: {  	[sflag:s25] =	ssyncadd.s32 @!p0 $0xFFFFC000;
	p0 =	por p2, p1  }
0x32: {  	s25 =	sshll.u32 @!p0 s24, $0x7;
	s26 =	simm.s32 @!p0 $0x80;
	s28 =	simm.s32 @!p0 $0x9000  }
0x33: {  	[tilespmem:s28], [sflag:$0x2] =	stream.indirect.gather @!p0 [hbm4b:s4+s26], $0x80, s25, s26, $0xb8;
	[tilespmem:$0x15000] =	vst v63  }
0x34: {  	s25 =	sadd.s32 @!p0 $0x2800, s25;
	s28 =	simm.s32 @!p0 $0x11000  }
0x35: {  	[tilespmem:s28], [sflag:$0x2] =	stream.indirect.gather @!p0 [hbm4b:s5+s26], $0x80, s25, s26, $0xb8;
	[tilespmem:$0x15000] =	vst v63  }
0x36: {  	s25 =	simm.s32 $0x0  }
0x37: {  	v7 =	vld [tilespmem:s25+$0x5000]  }
0x38: {  	v11 =	vld [tilespmem:s25+$0x5010]  }
0x39: {  	v5 =	vld [tilespmem:s25+$0x5020]  }
0x3a: {  	v4 =	vld [tilespmem:s25+$0x5030]  }
0x3b: {  	v3 =	vld [tilespmem:s25+$0x5040]  }
0x3c: {  	v2 =	vld [tilespmem:s25+$0x5050]  }
0x3d: {  	v1 =	vld [tilespmem:s25+$0x5060]  }
0x3e: {  	v0 =	vld [tilespmem:s25+$0x5070]  }
0x3f: {  	v12 =	vld [tilespmem:s25+$0xD000]  }
0x40: {  	v13 =	vld [tilespmem:s25+$0xD010]  }
0x41: {  	v10 =	vld [tilespmem:s25+$0xD020]  }
0x42: {  	v9 =	vld [tilespmem:s25+$0xD030]  }
0x43: {  	v8 =	vld [tilespmem:s25+$0xD040]  }
0x44: {  	v6 =	vld [tilespmem:s25+$0xD050];
	v12 =	vadd.f32 v12, v7  }
0x45: {  	s26 =	simm.s32 $0x200;
	v11 =	vadd.f32 v13, v11;
	v7 =	vld [tilespmem:s25+$0xD060]  }
.LBB2_5:
0x46: {  	s28 =	sshra.s32 s26, $0x2;
	p0 =	sne.s32 s26, $0xFE00;
	[tilespmem:s25+$0xD000] =	vst v12;
	v5 =	vadd.f32 v10, v5;
	v10 =	vld [tilespmem:s25+$0xD070]  }
0x47: {  	v12 =	vld [tilespmem:s28+$0x5000];
	[tilespmem:s25+$0xD010] =	vst v11;
	v4 =	vadd.f32 v9, v4  }
0x48: {  	v11 =	vld [tilespmem:s28+$0x5010];
	[tilespmem:s25+$0xD020] =	vst v5;
	v3 =	vadd.f32 v8, v3  }
0x49: {  	v5 =	vld [tilespmem:s28+$0x5020];
	[tilespmem:s25+$0xD030] =	vst v4;
	v2 =	vadd.f32 v6, v2  }
0x4a: {  	v4 =	vld [tilespmem:s28+$0x5030];
	[tilespmem:s25+$0xD040] =	vst v3;
	v1 =	vadd.f32 v7, v1  }
0x4b: {  	v3 =	vld [tilespmem:s28+$0x5040];
	[tilespmem:s25+$0xD050] =	vst v2;
	v0 =	vadd.f32 v10, v0  }
0x4c: {  	v2 =	vld [tilespmem:s28+$0x5050];
	[tilespmem:s25+$0xD060] =	vst v1  }
0x4d: {  	v1 =	vld [tilespmem:s28+$0x5060];
	[tilespmem:s25+$0xD070] =	vst v0;
	s25 =	smov.u32 s28  }
0x4e: {  	v0 =	vld [tilespmem:s25+$0x5070]  }
0x4f: {  	v6 =	vld [tilespmem:s25+$0xD000]  }
0x50: {  	v7 =	vld [tilespmem:s25+$0xD010]  }
.Ltmp5:
0x51: {  	v10 =	vld [tilespmem:s25+$0xD020];
	(pc) =	sbr.rel @p0 .LBB2_5-.Ltmp5, $4  }
0x52: {  	v9 =	vld [tilespmem:s25+$0xD030]  }
0x53: {  	v8 =	vld [tilespmem:s25+$0xD040]  }
0x54: {  	v12 =	vadd.f32 v6, v12;
	v6 =	vld [tilespmem:s25+$0xD050]  }
0x55: {  	s26 =	sadd.s32 $0x200, s26;
	v11 =	vadd.f32 v7, v11;
	v7 =	vld [tilespmem:s25+$0xD060]  }
0x56: {  	[tilespmem:s25+$0xD000] =	vst v12;
	v5 =	vadd.f32 v10, v5;
	v63 =	vld [tilespmem:s25+$0xD070]  }
0x57: {  	[tilespmem:s25+$0xD010] =	vst v11;
	v4 =	vadd.f32 v9, v4  }
0x58: {  	[tilespmem:s25+$0xD020] =	vst v5;
	v3 =	vadd.f32 v8, v3  }
0x59: {  	[tilespmem:s25+$0xD030] =	vst v4;
	v2 =	vadd.f32 v6, v2  }
.Ltmp6:
0x5a: {  	[tilespmem:s25+$0xD040] =	vst v3;
	v1 =	vadd.f32 v7, v1;
	(pc) =	sbr.rel .LBB2_7-.Ltmp6, $4  }
0x5b: {  	[tilespmem:s25+$0xD050] =	vst v2;
	v0 =	vadd.f32 v63, v0  }
0x5c: {  	s23 =	sshll.u32 s23, $0xB;
	[tilespmem:s25+$0xD060] =	vst v1  }
0x5d: {  	s23 =	sadd.s32 s2, s23;
	[tilespmem:s25+$0xD070] =	vst v0  }
0x5e: {  	[hbm4b:s23+s3] =	stream.linear.scatter [tilespmem:s14], [sflag:$0x3], $0x4000, $0x38;
	[tilespmem:$0x15000] =	vst v63  }
.LBB2_3:
0x5f: {  	s24 =	sor.u32 $0x1, s22  }
0x60: {  	s21 =	sadd.s32 s8, s24  }
.LBB2_7:
0x61: {  	p0 =	sgt.u32 s24, $0x4E  }
0x62: {  	p1 =	sgt.u32 @!p0 s21, $0x9C3  }
0x63: {  	p0 =	por p0, p1  }
.Ltmp7:
0x64: {  	_ = 	snop;
	(pc) =	sbr.rel @p0 .LBB2_11-.Ltmp7, $1  }
0x65: {  	_ =	sdelay $0x3  }
0x66: {  	_ =	swait.ge [sflag:s16], $0x4000  }
0x67: {  	[sflag:s16] =	ssyncset.done $0x0  }
0x68: {  	[sflag:s16] =	ssyncadd.s32 $0xFFFFC000  }
0x69: {  	_ =	swait.ge [sflag:s16], $0x4000  }
0x6a: {  	s22 =	sadd.s32 $0x2, s22;
	[sflag:s16] =	ssyncset.done $0x0  }
0x6b: {  	s23 =	sadd.s32 s8, s22;
	[sflag:s16] =	ssyncadd.s32 $0xFFFFC000  }
0x6c: {  	p0 =	sgt.u32 s23, $0x9C3;
	_ =	swait.ge [sflag:s17], $0x4000  }
0x6d: {  	s22 =	sshll.u32 @!p0 s22, $0x7;
	[sflag:s17] =	ssyncset.done $0x0  }
0x6e: {  	s23 =	simm.s32 @!p0 $0x80;
	s24 =	simm.s32 @!p0 $0x5000;
	[sflag:s17] =	ssyncadd.s32 $0xFFFFC000  }
0x6f: {  	[tilespmem:s24], [sflag:$0x1] =	stream.indirect.gather @!p0 [hbm4b:s4+s23], $0x80, s22, s23, $0xb8;
	[tilespmem:$0x15000] =	vst v63  }
0x70: {  	s22 =	sadd.s32 @!p0 $0x2800, s22;
	s24 =	simm.s32 @!p0 $0xD000  }
0x71: {  	[tilespmem:s24], [sflag:$0x1] =	stream.indirect.gather @!p0 [hbm4b:s5+s23], $0x80, s22, s23, $0xb8;
	[tilespmem:$0x15000] =	vst v63  }
0x72: {  	s22 =	simm.s32 $0x0  }
0x73: {  	v7 =	vld [tilespmem:s22+$0x9000]  }
0x74: {  	v11 =	vld [tilespmem:s22+$0x9010]  }
0x75: {  	v5 =	vld [tilespmem:s22+$0x9020]  }
0x76: {  	v4 =	vld [tilespmem:s22+$0x9030]  }
0x77: {  	v3 =	vld [tilespmem:s22+$0x9040]  }
0x78: {  	v2 =	vld [tilespmem:s22+$0x9050]  }
0x79: {  	v1 =	vld [tilespmem:s22+$0x9060]  }
0x7a: {  	v0 =	vld [tilespmem:s22+$0x9070]  }
0x7b: {  	v12 =	vld [tilespmem:s22+$0x11000]  }
0x7c: {  	v13 =	vld [tilespmem:s22+$0x11010]  }
0x7d: {  	v10 =	vld [tilespmem:s22+$0x11020]  }
0x7e: {  	v9 =	vld [tilespmem:s22+$0x11030]  }
0x7f: {  	v8 =	vld [tilespmem:s22+$0x11040]  }
0x80: {  	v6 =	vld [tilespmem:s22+$0x11050];
	v12 =	vadd.f32 v12, v7  }
0x81: {  	s23 =	simm.s32 $0x200;
	v11 =	vadd.f32 v13, v11;
	v7 =	vld [tilespmem:s22+$0x11060]  }
.LBB2_9:
0x82: {  	s24 =	sshra.s32 s23, $0x2;
	p0 =	sne.s32 s23, $0xFE00;
	[tilespmem:s22+$0x11000] =	vst v12;
	v5 =	vadd.f32 v10, v5;
	v10 =	vld [tilespmem:s22+$0x11070]  }
0x83: {  	v12 =	vld [tilespmem:s24+$0x9000];
	[tilespmem:s22+$0x11010] =	vst v11;
	v4 =	vadd.f32 v9, v4  }
0x84: {  	v11 =	vld [tilespmem:s24+$0x9010];
	[tilespmem:s22+$0x11020] =	vst v5;
	v3 =	vadd.f32 v8, v3  }
0x85: {  	v5 =	vld [tilespmem:s24+$0x9020];
	[tilespmem:s22+$0x11030] =	vst v4;
	v2 =	vadd.f32 v6, v2  }
0x86: {  	v4 =	vld [tilespmem:s24+$0x9030];
	[tilespmem:s22+$0x11040] =	vst v3;
	v1 =	vadd.f32 v7, v1  }
0x87: {  	v3 =	vld [tilespmem:s24+$0x9040];
	[tilespmem:s22+$0x11050] =	vst v2;
	v0 =	vadd.f32 v10, v0  }
0x88: {  	v2 =	vld [tilespmem:s24+$0x9050];
	[tilespmem:s22+$0x11060] =	vst v1  }
0x89: {  	v1 =	vld [tilespmem:s24+$0x9060];
	[tilespmem:s22+$0x11070] =	vst v0;
	s22 =	smov.u32 s24  }
0x8a: {  	v0 =	vld [tilespmem:s22+$0x9070]  }
0x8b: {  	v6 =	vld [tilespmem:s22+$0x11000]  }
0x8c: {  	v7 =	vld [tilespmem:s22+$0x11010]  }
.Ltmp8:
0x8d: {  	v10 =	vld [tilespmem:s22+$0x11020];
	(pc) =	sbr.rel @p0 .LBB2_9-.Ltmp8, $4  }
0x8e: {  	v9 =	vld [tilespmem:s22+$0x11030]  }
0x8f: {  	v8 =	vld [tilespmem:s22+$0x11040]  }
0x90: {  	v12 =	vadd.f32 v6, v12;
	v6 =	vld [tilespmem:s22+$0x11050]  }
0x91: {  	s23 =	sadd.s32 $0x200, s23;
	v11 =	vadd.f32 v7, v11;
	v7 =	vld [tilespmem:s22+$0x11060]  }
0x92: {  	[tilespmem:s22+$0x11000] =	vst v12;
	v5 =	vadd.f32 v10, v5;
	v63 =	vld [tilespmem:s22+$0x11070]  }
0x93: {  	[tilespmem:s22+$0x11010] =	vst v11;
	v4 =	vadd.f32 v9, v4  }
0x94: {  	[tilespmem:s22+$0x11020] =	vst v5;
	v3 =	vadd.f32 v8, v3  }
0x95: {  	[tilespmem:s22+$0x11030] =	vst v4;
	v2 =	vadd.f32 v6, v2  }
.Ltmp9:
0x96: {  	[tilespmem:s22+$0x11040] =	vst v3;
	v1 =	vadd.f32 v7, v1;
	(pc) =	sbr.rel .LBB2_11-.Ltmp9, $4  }
0x97: {  	[tilespmem:s22+$0x11050] =	vst v2;
	v0 =	vadd.f32 v63, v0  }
0x98: {  	s21 =	sshll.u32 s21, $0xB;
	[tilespmem:s22+$0x11060] =	vst v1  }
0x99: {  	s21 =	sadd.s32 s2, s21;
	[tilespmem:s22+$0x11070] =	vst v0  }
0x9a: {  	[hbm4b:s21+s3] =	stream.linear.scatter [tilespmem:s18], [sflag:$0x4], $0x4000, $0x38;
	[tilespmem:$0x15000] =	vst v63  }
.LBB2_13:
0x9b: {  	_ =	sfence.sel $0x180000  }
0x9c: {  	[bflag:$0x0] =	sbarrier.arrive $0xFFFF  }
0x9d: {  	p0 =	sne.s32 s0, $0x0;
	_ =	strace $0x90000047  }
0x9e: {  	s0 =	sadd.s32 @!p0 $0x100000, s1;
	[bflag:$0x2] =	sbarrier.arrive $0xFFFF  }
0x9f: {  	[sflag:s0] =	ssyncadd.tile.s32 @!p0 $0x1;
	_ =	shalt  }
.Lfunc_end2:
_tile_overlayer_lowered:
.L_overlay_start_2:
0xa0: {  	(tag) =	ssettag $0x2  }
0xa1: {  	s0 =	rddreg [dreg:$0x0];
	s2 =	stileid.u32  }
0xa2: {  	s1 =	rddreg [dreg:$0x1];
	p0 =	sne.s32 s2, $0x0  }
0xa3: {  	s3 =	rddreg [dreg:$0x2];
	[bflag:$0x3] =	sbarrier.arrive $0xFFFF;
	s2 =	simm.s32 @!p0 $0x1C05  }
0xa4: {  	[timem:s3], [sflag:s2] =	dma.local @!p0 [hbm:s0], s1  }
0xa5: {  	s0 =	simm.s32 @!p0 $0x5  }
0xa6: {  	_ =	swait.ge @!p0 [sflag:s0], s1  }
0xa7: {  	s1 =	ssub.s32 @!p0 $0x0, s1;
	[sflag:s0] =	ssyncset.done @!p0 $0x0  }
0xa8: {  	[sflag:s0] =	ssyncadd.s32 @!p0 s1  }
0xa9: {  	[bflag:$0x3] =	sbarrier.arrive $0xFFFF  }
0xaa: {  	_ =	shalt  }

// kernel: kernel.16.cloned.1.call-start
scs
__scs_entry_jumppad:
0x0: {  	(pc) =	sbr.rel $0x88, $3  }
0x1: {  	(tag) =	ssettag $0x0;
	lr =	simm.s32 $0x1  }
0x2: {  	[smem:$0x3F8F] =	sst lr;
	_ =	strace $0xD0000000  }
0x3: {  	_ = 	snop  }
0x4: {  	_ = 	snop  }
0x5: {  	_ = 	snop  }
0x6: {  	_ = 	snop  }
0x7: {  	_ = 	snop  }
__scs_overlays_trampoline_lowered:
0x8: {  	[smem:$0x3F9E] =	sst s0  }
0x9: {  	[smem:$0x3F9F] =	sst s1  }
0xa: {  	[smem:$0x3FA0] =	sst s2  }
0xb: {  	[smem:$0x3FA1] =	sst s3  }
0xc: {  	[smem:$0x3FA2] =	sst s4  }
0xd: {  	[smem:$0x3FA3] =	sst s5  }
0xe: {  	[smem:$0x3FA4] =	sst s6  }
0xf: {  	[smem:$0x3FA5] =	sst s7  }
0x10: {  	[smem:$0x3FA6] =	sst s8  }
0x11: {  	[smem:$0x3FA7] =	sst s9;
	s0 =	simm.s32 @!p0 $0x0  }
0x12: {  	s1 =	sld [smem:$0x3F8D];
	s0 =	simm.s32 @p0 $0x1  }
0x13: {  	[smem:$0x3FA8] =	sst s0;
	s0 =	simm.s32 @!p1 $0x0  }
0x14: {  	s2 =	sld [smem:$0x3F8C];
	s0 =	simm.s32 @p1 $0x1  }
0x15: {  	[smem:$0x3FA9] =	sst s0;
	s0 =	simm.s32 @!p2 $0x0  }
0x16: {  	s3 =	sld [smem:$0x3FDB];
	s0 =	simm.s32 @p2 $0x1  }
0x17: {  	s4 =	simm.s32 $0x1BF5;
	[smem:$0x3FAB] =	sst s0  }
0x18: {  	s0 =	sld [smem:$0x3F8E];
	_ =	swait.ge [sflag:s4], $0x0  }
0x19: {  	s7 =	sld [smem:$0x3F8F]  }
0x1a: {  	s8 =	sadd.s32 $0xFFFFE003, lr  }
0x1b: {  	s9 =	sadd.s32 $0xFFFFFEF7, lr;
	s5 =	simm.s32 $0xFFFFFFFF;
	p2 =	slt.u32 s8, $0xFFFFF086  }
0x1c: {  	p1 =	slt.u32 s9, $0xF7A;
	s5 =	simm.s32 @!p2 $0x0  }
0x1d: {  	s5 =	simm.s32 @p1 $0x1;
	p0 =	seq.s32 s7, s2  }
0x1e: {  	s7 =	smul.u32 @!p0 $0xF7A, s2;
	p2 =	seq.s32 @!p0 s5, $0x0  }
0x1f: {  	s9 =	smul.u32 $0xF7A, s1;
	s8 =	simm.s32 @!p0 $0x1BF5;
	p2 =	por !p2, p0  }
0x20: {  	[sflag:s8] =	ssyncset.s32 @!p0 $0xFFFFF086;
	s6 =	sadd.s32 @!p0 s3, s7;
	s7 =	simm.s32 @!p0 $0x108  }
0x21: {  	s3 =	sadd.s32 s3, s9;
	s6 =	sadd.s32 @!p0 $0x88, s6;
	s7 =	simm.s32 @p2 $0x1082  }
0x22: {  	[simem:s7], [sflag:s8] =	dma.local @!p0 [hbm:s6], $0xF7A  }
0x23: {  	s9 =	sor.u32 $0xD0000000, s2;
	s6 =	simm.s32 $0x108;
	_ =	swait.ge @!p0 [sflag:s8], $0x0  }
0x24: {  	s3 =	sadd.s32 $0x88, s3;
	s6 =	simm.s32 @!p1 $0x1082;
	[sflag:s4] =	ssyncset.s32 $0xFFFFF086  }
0x25: {  	[simem:s6], [sflag:s4] =	dma.local [hbm:s3], $0xF7A  }
0x26: {  	[smem:$0x3F8F] =	sst s1;
	(tag) =	ssettag s2;
	_ =	strace s9  }
0x27: {  	s1 =	sld [smem:$0x3F9F]  }
0x28: {  	s2 =	sld [smem:$0x3FA0]  }
0x29: {  	s4 =	sld [smem:$0x3FA2]  }
0x2a: {  	p0 =	seq.s32 s5, $0x0;
	s5 =	sld [smem:$0x3FA3]  }
0x2b: {  	s6 =	sld [smem:$0x3FA4]  }
0x2c: {  	s7 =	sld [smem:$0x3FA5]  }
0x2d: {  	s3 =	simm.s32 $0x108;
	s8 =	sld [smem:$0x3FA6]  }
0x2e: {  	s3 =	simm.s32 @!p0 $0x1082;
	s9 =	sld [smem:$0x3FA7]  }
0x2f: {  	lr =	sadd.s32 s0, s3;
	s0 =	sld [smem:$0x3F9E]  }
0x30: {  	s3 =	sld [smem:$0x3FA1]  }
0x31: {  	[smem:$0x3FAA] =	sst s10  }
0x32: {  	s10 =	sld [smem:$0x3FA8];
	_ =	sdelay $0x3  }
0x33: {  	p0 =	seq.s32 s10, $0x1;
	s10 =	sld [smem:$0x3FAA];
	_ =	sdelay $0x3  }
0x34: {  	[smem:$0x3FAA] =	sst s10  }
0x35: {  	s10 =	sld [smem:$0x3FA9];
	_ =	sdelay $0x3  }
0x36: {  	p1 =	seq.s32 s10, $0x1;
	s10 =	sld [smem:$0x3FAA];
	_ =	sdelay $0x3  }
0x37: {  	[smem:$0x3FAA] =	sst s10  }
0x38: {  	s10 =	sld [smem:$0x3FAB]  }
0x39: {  	_ = 	snop;
	(pc) =	sbr.ind lr, $3  }
0x3a: {  	_ = 	snop  }
0x3b: {  	_ = 	snop  }
0x3c: {  	p2 =	seq.s32 s10, $0x1;
	s10 =	sld [smem:$0x3FAA]  }
0x3d: {  	_ =	shalt  }
0x3e: {  	_ =	shalt  }
0x3f: {  	_ =	shalt  }
0x40: {  	_ =	shalt  }
0x41: {  	_ =	shalt  }
0x42: {  	_ =	shalt  }
0x43: {  	_ =	shalt  }
0x44: {  	_ =	shalt  }
0x45: {  	_ =	shalt  }
0x46: {  	_ =	shalt  }
0x47: {  	_ =	shalt  }
0x48: {  	_ =	shalt  }
0x49: {  	_ =	shalt  }
0x4a: {  	_ =	shalt  }
0x4b: {  	_ =	shalt  }
0x4c: {  	_ =	shalt  }
0x4d: {  	_ =	shalt  }
0x4e: {  	_ =	shalt  }
0x4f: {  	_ =	shalt  }
0x50: {  	_ =	shalt  }
0x51: {  	_ =	shalt  }
0x52: {  	_ =	shalt  }
0x53: {  	_ =	shalt  }
0x54: {  	_ =	shalt  }
0x55: {  	_ =	shalt  }
0x56: {  	_ =	shalt  }
0x57: {  	_ =	shalt  }
0x58: {  	_ =	shalt  }
0x59: {  	_ =	shalt  }
0x5a: {  	_ =	shalt  }
0x5b: {  	_ =	shalt  }
0x5c: {  	_ =	shalt  }
0x5d: {  	_ =	shalt  }
0x5e: {  	_ =	shalt  }
0x5f: {  	_ =	shalt  }
0x60: {  	_ =	shalt  }
0x61: {  	_ =	shalt  }
0x62: {  	_ =	shalt  }
0x63: {  	_ =	shalt  }
0x64: {  	_ =	shalt  }
0x65: {  	_ =	shalt  }
0x66: {  	_ =	shalt  }
0x67: {  	_ =	shalt  }
0x68: {  	_ =	shalt  }
0x69: {  	_ =	shalt  }
0x6a: {  	_ =	shalt  }
0x6b: {  	_ =	shalt  }
0x6c: {  	_ =	shalt  }
0x6d: {  	_ =	shalt  }
0x6e: {  	_ =	shalt  }
0x6f: {  	_ =	shalt  }
0x70: {  	_ =	shalt  }
0x71: {  	_ =	shalt  }
0x72: {  	_ =	shalt  }
0x73: {  	_ =	shalt  }
0x74: {  	_ =	shalt  }
0x75: {  	_ =	shalt  }
0x76: {  	_ =	shalt  }
0x77: {  	_ =	shalt  }
0x78: {  	_ =	shalt  }
0x79: {  	_ =	shalt  }
0x7a: {  	_ =	shalt  }
0x7b: {  	_ =	shalt  }
0x7c: {  	_ =	shalt  }
0x7d: {  	_ =	shalt  }
0x7e: {  	_ =	shalt  }
0x7f: {  	_ =	shalt  }
0x80: {  	_ =	shalt  }
0x81: {  	_ =	shalt  }
0x82: {  	_ =	shalt  }
0x83: {  	_ =	shalt  }
0x84: {  	_ =	shalt  }
0x85: {  	_ =	shalt  }
0x86: {  	_ =	shalt  }
0x87: {  	_ =	shalt  }
.Lfunc_end0:
.L_simem_size_0:
called_computation.2_lowered:
.L_overlay_start_0:
0x88: {  	s2 =	sld [smem:$0x3FD9]  }
0x89: {  	s3 =	sld [smem:$0x3FFE];
	_ =	sdelay $0x1  }
0x8a: {  	s1 =	srdreg.scid  }
0x8b: {  	s0 =	sand.u32 $0x1, s1  }
0x8c: {  	s15 =	sshll.u32 s0, $0xA;
	s2 =	sadd.s32 s3, s2  }
0x8d: {  	s2 =	sadd.s32 s2, s15  }
0x8e: {  	[smem:$0x3FB6] =	sst s2  }
0x8f: {  	_ = 	snop  }
0x90: {  	s2 =	sld [smem:$0x3FD0];
	_ =	sdelay $0x2  }
0x91: {  	s4 =	simm.s32 $0xB;
	s16 =	simm.s32 $0x10  }
0x92: {  	[smem:s16], [sflag:s4] =	dma.local [hbm:s2], $0x1  }
0x93: {  	_ =	swait.eq [sflag:s4], $0x1  }
0x94: {  	[sflag:s4] =	ssyncset.done $0x0  }
0x95: {  	s17 =	sld [smem:$0x10];
	[sflag:s4] =	ssyncadd.s32 $0xFFFFFFFF  }
0x96: {  	s18 =	sld [smem:$0x11];
	(tm) =	ssettm $0x1  }
0x97: {  	s19 =	sld [smem:$0x3FFB];
	_ =	sdelay $0x3  }
0x98: {  	_ =	strace s19  }
0x99: {  	s2 =	sld [smem:$0x3FFC];
	_ =	sdelay $0x3  }
0x9a: {  	_ =	strace s2  }
0x9b: {  	s2 =	sld [smem:$0x3FFD];
	_ =	sdelay $0x3  }
0x9c: {  	_ =	strace s2  }
0x9d: {  	_ =	strace $0x8FFFFFFF  }
0x9e: {  	s20 =	sld [smem:$0x3FDB];
	_ =	sdelay $0x1  }
0x9f: {  	s5 =	simm.s32 $_scs_section_size  }
0xa0: {  	s6 =	simm.s32 $_size__tile_overlayer_lowered;
	s7 =	simm.s32 $_tile_overlayer_lowered  }
0xa1: {  	s8 =	simm.s32 $0x1BFF;
	s21 =	sshll.u32 s7, $0x1;
	s5 =	sadd.s32 s5, s20  }
0xa2: {  	s22 =	simm.s32 $0x0;
	s6 =	sshll.u32 s6, $0x1;
	s7 =	sadd.s32 s21, s5  }
0xa3: {  	[timem:s22], [sflag:s8] =	dma.local [hbm:s7], s6  }
0xa4: {  	_ =	swait.ge [sflag:s8], s6  }
0xa5: {  	s6 =	ssub.s32 $0x0, s6;
	[sflag:s8] =	ssyncset.done $0x0  }
0xa6: {  	[sflag:s8] =	ssyncadd.s32 s6;
	_ =	sdelay $0x1  }
0xa7: {  	s23 =	simm.s32 $0x1B8B  }
0xa8: {  	_ =	swait.ge [sflag:s23], $0x1  }
0xa9: {  	[sflag:s23] =	ssyncset.done $0x0  }
0xaa: {  	[sflag:s23] =	ssyncadd.s32 $0xFFFFFFFF  }
0xab: {  	s6 =	sld [smem:$0x0]  }
0xac: {  	s7 =	sand.u32 $0xFFFFFFFE, s1  }
0xad: {  	p0 =	sne.s32 s1, s7  }
0xae: {  	s7 =	sshll.u32 @p0 s7, $0xE  }
0xaf: {  	s7 =	sadd.s32 @p0 $0x11B8D, s7;
	s8 =	sshll.u32 @p0 s6, $0x11  }
0xb0: {  	s7 =	sor.u32 @p0 s8, s7  }
0xb1: {  	[sflag:s7] =	ssyncadd.remote.s32 @p0 $0x1;
	_ =	sdelay $0x1  }
0xb2: {  	s7 =	simm.s32 @p0 $0x1B8D  }
0xb3: {  	_ =	swait.eq @p0 [sflag:s7], $0x1  }
0xb4: {  	[sflag:s7] =	ssyncadd.s32 @p0 $0xFFFFFFFF  }
0xb5: {  	s8 =	sshll.u32 @!p0 s1, $0xE  }
0xb6: {  	s8 =	sor.u32 @!p0 $0x4000, s8;
	s7 =	simm.s32 @!p0 $0x1B8D  }
0xb7: {  	s6 =	sshll.u32 @!p0 s6, $0x11;
	s8 =	sadd.s32 @!p0 $0x11B8D, s8;
	_ =	swait.eq @!p0 [sflag:s7], $0x1  }
0xb8: {  	s6 =	sor.u32 @!p0 s6, s8;
	[sflag:s7] =	ssyncadd.s32 @!p0 $0xFFFFFFFF  }
0xb9: {  	s25 =	simm.s32 $0x1B8E;
	s24 =	sld [smem:$0x3FFE];
	[sflag:s6] =	ssyncadd.remote.s32 @!p0 $0x1  }
0xba: {  	s26 =	simm.s32 $execute0_lowered;
	[smem:$0x3FD2] =	sst s25  }
0xbb: {  	s7 =	sshll.u32 s26, $0x1;
	_ =	strace $0x8000004F;
	[dreg:$0x1] =	wrdreg $0xFFFFFFFF  }
0xbc: {  	s28 =	simm.s32 $_size_execute0_lowered;
	s5 =	sadd.s32 s5, s7;
	[dreg:$0x0] =	wrdreg $0x0  }
0xbd: {  	s7 =	sshll.u32 s28, $0x1;
	[dreg:$0x2] =	wrdreg s5  }
0xbe: {  	[dreg:$0x3] =	wrdreg s7  }
0xbf: {  	[dreg:$0x4] =	wrdreg $0xC0  }
0xc0: {  	_ =	task [dreg:s22], $0x5FFFF  }
0xc1: {  	[dreg:$0x1] =	wrdreg $0xFFFFFFFF  }
0xc2: {  	[dreg:$0x0] =	wrdreg $0x60  }
0xc3: {  	[dreg:$0x2] =	wrdreg s18  }
0xc4: {  	[dreg:$0x3] =	wrdreg s17  }
0xc5: {  	[dreg:$0x4] =	wrdreg s24  }
0xc6: {  	[dreg:$0x5] =	wrdreg $0x0  }
0xc7: {  	[dreg:$0x6] =	wrdreg $0x9  }
0xc8: {  	_ =	task.clear_ibuf [dreg:s22], $0x7FFFF;
	_ =	strace $0x9000004F  }
0xc9: {  	s29 =	simm.s32 $0x9;
	_ =	strace $0x80000051  }
0xca: {  	_ =	swait.ge [sflag:s29], $0x1  }
0xcb: {  	[sflag:s29] =	ssyncadd.s32 $0xFFFFFFFF  }
0xcc: {  	_ =	strace $0x90000051  }
0xcd: {  	_ =	sfence  }
0xce: {  	s30 =	sld [smem:$0x0];
	_ =	sdelay $0x2  }
0xcf: {  	s31 =	sshll.u32 s1, $0xD;
	s1 =	sshrl.u32 s1, $0x2  }
0xd0: {  	s4 =	sand.u32 $0x4000, s31;
	s1 =	sadd.s32 s1, s30  }
0xd1: {  	s0 =	sor.u32 s4, s0;
	s1 =	sshll.u32 s1, $0x11  }
0xd2: {  	s0 =	sor.u32 s1, s0  }
0xd3: {  	s0 =	sadd.s32 $0x8F2B, s0  }
0xd4: {  	[sflag:s0] =	ssyncadd.remote.s32 $0x1  }
0xd5: {  	_ =	sfence.sel $0xFFFF  }
0xd6: {  	[dreg:$0x0] =	wrdreg $0xFFFFFFFF;
	(pc) =	sbr.abs _section_cstart, $3  }
0xd7: {  	[dreg:$0x1] =	wrdreg $0xFFFFFFFF  }
0xd8: {  	_ =	task.clear_ibuf [dreg:s22], $0x2FFFF;
	_ =	strace $0x9FFFFFFF  }
0xd9: {  	(tm) =	ssettm $0x7FFFFFFF  }
tec
execute0_lowered:
.L_overlay_start_1:
0x0: {  	(tag) =	ssettag $0x1  }
0x1: {  	s0 =	stileid.u32  }
0x2: {  	s6 =	rddreg [dreg:$0x0];
	s10 =	smul.u32 $0x5000, s0  }
0x3: {  	s7 =	rddreg [dreg:$0x1];
	s12 =	smul.u32 $0x50000, s0  }
0x4: {  	s1 =	srdreg.scid;
	s15 =	smul.u32 $0xA0, s0  }
0x5: {  	s4 =	rddreg [dreg:$0x2];
	s8 =	sand.u32 $0x1, s1;
	s29 =	smul.u32 $0xA00, s0  }
0x6: {  	s2 =	rddreg [dreg:$0x3];
	s5 =	smul.u32 $0x27100, s8  }
0x7: {  	s3 =	simm.s32 $0x0;
	s1 =	rddreg [dreg:$0x4];
	s13 =	smul.u32 $0x28000, s8  }
0x8: {  	s25 =	sshll.u32 s0, $0x1;
	[smem:$0x7FF] =	sst s3;
	s30 =	smul.u32 $0x50, s8  }
0x9: {  	s14 =	sor.u32 s8, s25;
	s11 =	ssub.s32 $0x2, s8;
	s31 =	smul.u32 $0x500, s8  }
0xa: {  	_ =	strace $0x80000050;
	s9 =	smul.u32 $0x28000, s14;
	s26 =	sshrl.u32 s11, $0x1  }
0xb: {  	s28 =	sadd.s32 s12, s6;
	s10 =	sshrl.u32 s10, $0x2;
	s12 =	sadd.s32 s29, s7  }
0xc: {  	p0 =	seq.s32 s14, $0x1F;
	s14 =	simm.s32 $0x0;
	s5 =	sadd.s32 s5, s4  }
0xd: {  	s11 =	ssub.s32 s11, s26;
	s8 =	sadd.s32 s10, s2;
	s10 =	sadd.s32 s30, s15  }
0xe: {  	s4 =	sadd.s32 s6, s9;
	s5 =	sadd.s32 $0xE600, s5;
	s6 =	smax.u32 s11, $0x1  }
0xf: {  	s9 =	sadd.s32 s13, s28;
	s11 =	sadd.s32 s31, s12;
	s12 =	smul.u32 $0x280, s0  }
0x10: {  	v0 =	vimm.f32 $0.0e+00;
	s13 =	simm.s32 $0x15480;
	s7 =	sadd.s32 $0x27800, s4;
	s9 =	sadd.s32 $0x1000, s9  }
.LBB2_1:
0x11: {  	[tilespmem:s13], [sflag:$0x1] =	stream.linear.gather [hbm4b:s4+s3], $0x4000, $0x38;
	[tilespmem:$0x1D480] =	vst v63  }
0x12: {  	s15 =	simm.s32 $0x70;
	s16 =	simm.s32 $0x3C0  }
.LBB2_2:
0x13: {  	p1 =	sne.s32 s16, $0x4FC0;
	[tilespmem:s15+$0x13880] =	vst v0  }
0x14: {  	[tilespmem:s15+$0x13810] =	vst v0  }
0x15: {  	[tilespmem:s15+$0x13820] =	vst v0  }
.Ltmp0:
0x16: {  	[tilespmem:s15+$0x13830] =	vst v0;
	(pc) =	sbr.rel @p1 .LBB2_2-.Ltmp0, $4  }
0x17: {  	[tilespmem:s15+$0x13840] =	vst v0  }
0x18: {  	[tilespmem:s15+$0x13850] =	vst v0  }
0x19: {  	[tilespmem:s15+$0x13860] =	vst v0  }
0x1a: {  	[tilespmem:s15+$0x13870] =	vst v0;
	s15 =	sshra.s32 s16, $0x2;
	s16 =	sadd.s32 $0x200, s16  }
0x1b: {  	[tilespmem:s15+$0x13880] =	vst v0  }
0x1c: {  	[tilespmem:s15+$0x13810] =	vst v0  }
0x1d: {  	[tilespmem:s15+$0x13820] =	vst v0  }
0x1e: {  	[tilespmem:s15+$0x13830] =	vst v0  }
0x1f: {  	[tilespmem:s15+$0x13840] =	vst v0  }
0x20: {  	[tilespmem:s15+$0x13850] =	vst v0;
	s16 =	sadd.s32 $0x0, s0  }
0x21: {  	[tilespmem:s15+$0x13860] =	vst v0;
	p1 =	sgt.u32 s16, $0xF9  }
0x22: {  	[tilespmem:s15+$0x13870] =	vst v0;
	s15 =	simm.s32 @!p1 $0x13880;
	s18 =	simm.s32 @!p1 $0x3  }
0x23: {  	[spmem:s8] =	stream.linear.scatter @!p1 [tilespmem:s15], [sflag:$0x3], $0x1400, $0x38;
	[tilespmem:$0x1D480] =	vst v63  }
0x24: {  	s17 =	simm.s32 $0x20;
	_ =	swait.ge @!p1 [sflag:s18], $0x1400  }
0x25: {  	s16 =	simm.s32 $0x10;
	s15 =	sadd.s32 $0x14000, s8;
	[sflag:s18] =	ssyncset.done @!p1 $0x0  }
.LBB2_4:
0x26: {  	s19 =	sadd.s32 s16, s0;
	s16 =	smov.u32 s17;
	s17 =	sadd.s32 $0x10, s17  }
0x27: {  	[sflag:s18] =	ssyncadd.s32 @!p1 $0xFFFFEC00;
	p2 =	sne.s32 s17, $0x100  }
.Ltmp1:
0x28: {  	p1 =	sgt.u32 s19, $0xF9;
	(pc) =	sbr.rel @p2 .LBB2_4-.Ltmp1, $4  }
0x29: {  	s19 =	simm.s32 @!p1 $0x13880;
	s18 =	simm.s32 @!p1 $0x3  }
0x2a: {  	[spmem:s15] =	stream.linear.scatter @!p1 [tilespmem:s19], [sflag:$0x3], $0x1400, $0x38;
	[tilespmem:$0x1D480] =	vst v63  }
0x2b: {  	_ =	swait.ge @!p1 [sflag:s18], $0x1400  }
0x2c: {  	s15 =	sadd.s32 $0x14000, s15;
	[sflag:s18] =	ssyncset.done @!p1 $0x0  }
0x2d: {  	s16 =	sadd.s32 s16, s0  }
0x2e: {  	p2 =	sgt.u32 s16, $0xF9  }
0x2f: {  	[sflag:s18] =	ssyncadd.s32 @!p1 $0xFFFFEC00;
	s16 =	simm.s32 @!p2 $0x13880  }
0x30: {  	[spmem:s15] =	stream.linear.scatter @!p2 [tilespmem:s16], [sflag:$0x3], $0x1400, $0x38;
	[tilespmem:$0x1D480] =	vst v63  }
0x31: {  	s17 =	sadd.s32 $0x0, s10;
	s16 =	simm.s32 @!p2 $0x3  }
0x32: {  	p1 =	sgt.u32 s17, $0x9C3;
	s15 =	simm.s32 $0x0;
	_ =	swait.ge @!p2 [sflag:s16], $0x1400  }
0x33: {  	s17 =	sand.u32 @!p1 $0xE, s15;
	[sflag:s16] =	ssyncset.done @!p2 $0x0  }
0x34: {  	[sflag:s16] =	ssyncadd.s32 @!p2 $0xFFFFEC00;
	p2 =	sne.s32 @!p1 s17, $0x0  }
0x35: {  	[bflag:$0x0] =	sbarrier.arrive $0xFFFF;
	p2 =	por p2, p1  }
0x36: {  	s16 =	simm.s32 @!p2 $0x0;
	s18 =	simm.s32 @!p2 $0x14C80;
	s19 =	simm.s32 @!p2 $0x4  }
0x37: {  	[tilespmem:s18], [sflag:$0x4] =	stream.linear.gather @!p2 [hbm4b:s11+s16], $0x800, $0x38;
	[tilespmem:$0x1D480] =	vst v63  }
0x38: {  	s24 =	sadd.s32 $0x2, s10;
	s16 =	sadd.s32 @!p1 $0x0, s10;
	_ =	swait.ge @!p2 [sflag:s19], $0x800  }
0x39: {  	s21 =	simm.s32 @!p1 $0x4;
	s18 =	sadd.s32 @!p1 $0x1, s16;
	[sflag:s19] =	ssyncset.done @!p2 $0x0  }
0x3a: {  	p3 =	sgt.u32 @!p1 s18, $0x9C3;
	s18 =	simm.s32 @!p1 $0x1;
	[sflag:s19] =	ssyncadd.s32 @!p2 $0xFFFFF800  }
0x3b: {  	s17 =	sshll.u32 @!p1 s17, $0x7;
	p2 =	por p3, p1;
	_ =	swait.ge @!p1 [sflag:s18], $0x4000  }
0x3c: {  	s17 =	sadd.s32 @!p1 $0x14C80, s17;
	s19 =	simm.s32 @!p2 $0x19480;
	[sflag:s18] =	ssyncset.done @!p1 $0x0  }
0x3d: {  	s20 =	simm.s32 @!p2 $0x0;
	[sflag:s18] =	ssyncadd.s32 @!p1 $0xFFFFC000;
	s18 =	sadd.s32 @!p2 $0xFFFFF800, s9  }
0x3e: {  	[tilespmem:s19], [sflag:$0x2] =	stream.linear.gather @!p2 [hbm4b:s18+s20], $0x4000, $0x38;
	[tilespmem:$0x1D480] =	vst v63  }
0x3f: {  	s16 =	sadd.s32 @!p1 $0x2, s16;
	s20 =	simm.s32 @!p1 $0x80;
	s18 =	simm.s32 @!p1 $0x15480  }
0x40: {  	[spmem:s2] =	stream.indirect.scatter.add.f32 @!p1 [tilespmem:s18], [sflag:$0x4], $0x80, s17, s20, $0xb8;
	[tilespmem:$0x1D480] =	vst v63  }
0x41: {  	s23 =	simm.s32 @!p1 $0x19480;
	p3 =	sgt.u32 @!p1 s16, $0x9C3;
	_ =	swait.ge @!p1 [sflag:s21], $0x4000  }
0x42: {  	p3 =	por p3, p1;
	p2 =	por p1, p1;
	[sflag:s21] =	ssyncset.done @!p1 $0x0  }
0x43: {  	s19 =	simm.s32 $0x2;
	s17 =	simm.s32 @!p2 $0x2;
	[sflag:s21] =	ssyncadd.s32 @!p2 $0xFFFFC000  }
0x44: {  	s22 =	simm.s32 @!p2 $0x3;
	s18 =	sand.u32 @!p1 $0x1C00, s15;
	_ =	swait.ge @!p2 [sflag:s17], $0x4000  }
0x45: {  	s16 =	sshrl.u32 @!p1 s18, $0x2;
	s18 =	simm.s32 @!p3 $0x15480;
	[sflag:s17] =	ssyncset.done @!p2 $0x0  }
0x46: {  	s21 =	sadd.s32 @!p1 $0x14D00, s16;
	[sflag:s17] =	ssyncadd.s32 @!p2 $0xFFFFC000;
	s17 =	simm.s32 @!p3 $0x0  }
0x47: {  	[tilespmem:s18], [sflag:$0x1] =	stream.linear.gather @!p3 [hbm4b:s9+s17], $0x4000, $0x38;
	[tilespmem:$0x1D480] =	vst v63  }
0x48: {  	s16 =	smov.u32 s9;
	s18 =	simm.s32 $0x4;
	s17 =	sadd.s32 $0x20, s11  }
.LBB2_6:
0x49: {  	s15 =	sadd.s32 $0x400, s15  }
0x4a: {  	s16 =	sadd.s32 $0x1000, s16;
	s25 =	smov.u32 s18;
	s18 =	sadd.s32 $0x2, s18  }
0x4b: {  	[spmem:s2] =	stream.indirect.scatter.add.f32 @!p2 [tilespmem:s23], [sflag:$0x3], $0x80, s21, s20, $0xb8;
	[tilespmem:$0x1D480] =	vst v63  }
0x4c: {  	p3 =	sgt.u32 s24, $0x9C3;
	p1 =	sne.s32 s18, $0x4E;
	_ =	swait.ge @!p2 [sflag:s22], $0x4000  }
0x4d: {  	s20 =	sand.u32 @!p3 $0xE, s19;
	s19 =	sadd.s32 @!p3 s19, s10;
	[sflag:s22] =	ssyncset.done @!p2 $0x0  }
0x4e: {  	p4 =	sne.s32 @!p3 s20, $0x0;
	s21 =	sadd.s32 @!p3 $0x1, s19;
	[sflag:s22] =	ssyncadd.s32 @!p2 $0xFFFFC000  }
0x4f: {  	s20 =	sshll.u32 @!p3 s20, $0x7;
	p4 =	por p4, p3;
	p2 =	sgt.u32 @!p3 s21, $0x9C3  }
0x50: {  	s21 =	simm.s32 @!p4 $0x0;
	s22 =	simm.s32 @!p4 $0x14C80;
	s23 =	simm.s32 @!p4 $0x4  }
0x51: {  	[tilespmem:s22], [sflag:$0x4] =	stream.linear.gather @!p4 [hbm4b:s17+s21], $0x800, $0x38;
	[tilespmem:$0x1D480] =	vst v63  }
0x52: {  	p2 =	por p2, p3;
	s22 =	sadd.s32 @!p3 $0x14C80, s20;
	_ =	swait.ge @!p4 [sflag:s23], $0x800  }
0x53: {  	s19 =	sadd.s32 @!p3 $0x2, s19;
	s20 =	sand.u32 @!p3 $0x1C00, s15;
	[sflag:s23] =	ssyncset.done @!p4 $0x0  }
0x54: {  	[sflag:s23] =	ssyncadd.s32 @!p4 $0xFFFFF800;
	s23 =	simm.s32 @!p3 $0x1;
	p4 =	sgt.u32 @!p3 s19, $0x9C3  }
0x55: {  	s19 =	sshrl.u32 @!p3 s20, $0x2;
	_ =	swait.ge @!p3 [sflag:s23], $0x4000;
	p4 =	por p4, p3  }
0x56: {  	s20 =	simm.s32 @!p2 $0x19480;
	s21 =	sadd.s32 @!p3 $0x14D00, s19;
	[sflag:s23] =	ssyncset.done @!p3 $0x0  }
0x57: {  	s19 =	sadd.s32 @!p2 $0xFFFFF800, s16;
	[sflag:s23] =	ssyncadd.s32 @!p3 $0xFFFFC000;
	s23 =	simm.s32 @!p2 $0x0  }
0x58: {  	[tilespmem:s20], [sflag:$0x2] =	stream.linear.gather @!p2 [hbm4b:s19+s23], $0x4000, $0x38;
	[tilespmem:$0x1D480] =	vst v63  }
0x59: {  	s24 =	simm.s32 @!p3 $0x4;
	s20 =	simm.s32 @!p3 $0x80;
	s19 =	simm.s32 @!p3 $0x15480  }
0x5a: {  	[spmem:s2] =	stream.indirect.scatter.add.f32 @!p3 [tilespmem:s19], [sflag:$0x4], $0x80, s22, s20, $0xb8;
	[tilespmem:$0x1D480] =	vst v63  }
0x5b: {  	s23 =	simm.s32 @!p3 $0x19480;
	s19 =	smov.u32 s25;
	_ =	swait.ge @!p3 [sflag:s24], $0x4000  }
0x5c: {  	p2 =	por p3, p3;
	[sflag:s24] =	ssyncset.done @!p3 $0x0  }
.Ltmp2:
0x5d: {  	s25 =	simm.s32 @!p2 $0x2;
	[sflag:s24] =	ssyncadd.s32 @!p2 $0xFFFFC000;
	(pc) =	sbr.rel @p1 .LBB2_6-.Ltmp2, $4  }
0x5e: {  	s17 =	sadd.s32 $0x20, s17;
	_ =	swait.ge @!p2 [sflag:s25], $0x4000  }
0x5f: {  	s22 =	simm.s32 @!p2 $0x3;
	s24 =	sadd.s32 s19, s10;
	[sflag:s25] =	ssyncset.done @!p2 $0x0  }
0x60: {  	s26 =	simm.s32 @!p4 $0x15480;
	[sflag:s25] =	ssyncadd.s32 @!p2 $0xFFFFC000;
	s25 =	simm.s32 @!p4 $0x0  }
0x61: {  	[tilespmem:s26], [sflag:$0x1] =	stream.linear.gather @!p4 [hbm4b:s16+s25], $0x4000, $0x38;
	[tilespmem:$0x1D480] =	vst v63  }
0x62: {  	[spmem:s2] =	stream.indirect.scatter.add.f32 @!p2 [tilespmem:s23], [sflag:$0x3], $0x80, s21, s20, $0xb8;
	[tilespmem:$0x1D480] =	vst v63  }
0x63: {  	p1 =	sgt.u32 s24, $0x9C3  }
0x64: {  	_ =	swait.ge @!p2 [sflag:s22], $0x4000;
	s18 =	sand.u32 @!p1 $0xE, s19  }
0x65: {  	[sflag:s22] =	ssyncset.done @!p2 $0x0;
	p3 =	sne.s32 @!p1 s18, $0x0  }
0x66: {  	[sflag:s22] =	ssyncadd.s32 @!p2 $0xFFFFC000;
	p2 =	por p3, p1  }
0x67: {  	s20 =	simm.s32 @!p2 $0x0;
	s21 =	simm.s32 @!p2 $0x14C80;
	s22 =	simm.s32 @!p2 $0x4  }
0x68: {  	[tilespmem:s21], [sflag:$0x4] =	stream.linear.gather @!p2 [hbm4b:s17+s20], $0x800, $0x38;
	[tilespmem:$0x1D480] =	vst v63  }
0x69: {  	s17 =	sadd.s32 @!p1 s19, s10;
	_ =	swait.ge @!p2 [sflag:s22], $0x800  }
0x6a: {  	s16 =	sadd.s32 $0x1000, s16;
	s19 =	sadd.s32 @!p1 $0x1, s17;
	[sflag:s22] =	ssyncset.done @!p2 $0x0  }
0x6b: {  	p3 =	sgt.u32 @!p1 s19, $0x9C3;
	s19 =	simm.s32 @!p1 $0x1;
	[sflag:s22] =	ssyncadd.s32 @!p2 $0xFFFFF800  }
0x6c: {  	s18 =	sshll.u32 @!p1 s18, $0x7;
	p2 =	por p3, p1;
	_ =	swait.ge @!p1 [sflag:s19], $0x4000  }
0x6d: {  	s18 =	sadd.s32 @!p1 $0x14C80, s18;
	s20 =	simm.s32 @!p2 $0x19480;
	[sflag:s19] =	ssyncset.done @!p1 $0x0  }
0x6e: {  	s21 =	simm.s32 @!p2 $0x0;
	[sflag:s19] =	ssyncadd.s32 @!p1 $0xFFFFC000;
	s19 =	sadd.s32 @!p2 $0xFFFFF800, s16  }
0x6f: {  	[tilespmem:s20], [sflag:$0x2] =	stream.linear.gather @!p2 [hbm4b:s19+s21], $0x4000, $0x38;
	[tilespmem:$0x1D480] =	vst v63  }
0x70: {  	s19 =	simm.s32 @!p1 $0x80;
	s20 =	simm.s32 @!p1 $0x15480;
	s21 =	simm.s32 @!p1 $0x4  }
0x71: {  	[spmem:s2] =	stream.indirect.scatter.add.f32 @!p1 [tilespmem:s20], [sflag:$0x4], $0x80, s18, s19, $0xb8;
	[tilespmem:$0x1D480] =	vst v63  }
0x72: {  	_ =	swait.ge @!p1 [sflag:s21], $0x4000  }
0x73: {  	s15 =	sadd.s32 $0x400, s15;
	p2 =	por p1, p1;
	[sflag:s21] =	ssyncset.done @!p1 $0x0  }
0x74: {  	s17 =	sadd.s32 @!p1 $0x2, s17;
	s18 =	simm.s32 @!p2 $0x2;
	[sflag:s21] =	ssyncadd.s32 @!p2 $0xFFFFC000  }
0x75: {  	s15 =	sand.u32 @!p1 $0x1C00, s15;
	p3 =	sgt.u32 @!p1 s17, $0x9C3;
	_ =	swait.ge @!p2 [sflag:s18], $0x4000  }
0x76: {  	s15 =	sshrl.u32 @!p1 s15, $0x2;
	p3 =	por p3, p1;
	[sflag:s18] =	ssyncset.done @!p2 $0x0  }
0x77: {  	s17 =	simm.s32 @!p3 $0x0;
	[sflag:s18] =	ssyncadd.s32 @!p2 $0xFFFFC000;
	s18 =	simm.s32 @!p3 $0x15480  }
0x78: {  	[tilespmem:s18], [sflag:$0x1] =	stream.linear.gather @!p3 [hbm4b:s16+s17], $0x4000, $0x38;
	[tilespmem:$0x1D480] =	vst v63  }
0x79: {  	s15 =	sadd.s32 @!p1 $0x14D00, s15;
	s16 =	simm.s32 @!p1 $0x19480;
	s17 =	simm.s32 @!p2 $0x3  }
0x7a: {  	[spmem:s2] =	stream.indirect.scatter.add.f32 @!p2 [tilespmem:s16], [sflag:$0x3], $0x80, s15, s19, $0xb8;
	[tilespmem:$0x1D480] =	vst v63  }
0x7b: {  	_ =	swait.ge @!p2 [sflag:s17], $0x4000  }
0x7c: {  	[sflag:s17] =	ssyncset.done @!p2 $0x0  }
0x7d: {  	s15 =	simm.s32 @!p0 $0x1;
	[sflag:s17] =	ssyncadd.s32 @!p2 $0xFFFFC000  }
0x7e: {  	_ =	swait.ge @!p0 [sflag:s15], $0x4000  }
0x7f: {  	[sflag:s15] =	ssyncset.done @!p0 $0x0  }
0x80: {  	s16 =	simm.s32 @!p0 $0x19480;
	[sflag:s15] =	ssyncadd.s32 @!p0 $0xFFFFC000;
	s15 =	simm.s32 @!p0 $0x0  }
0x81: {  	[tilespmem:s16], [sflag:$0x2] =	stream.linear.gather @!p0 [hbm4b:s7+s15], $0x4000, $0x38;
	[tilespmem:$0x1D480] =	vst v63  }
0x82: {  	s18 =	simm.s32 @!p0 $0x15480;
	s17 =	simm.s32 @!p0 $0x15380;
	s15 =	simm.s32 @!p0 $0x80  }
0x83: {  	[spmem:s2] =	stream.indirect.scatter.add.f32 @!p0 [tilespmem:s18], [sflag:$0x4], $0x80, s17, s15, $0xb8;
	[tilespmem:$0x1D480] =	vst v63  }
0x84: {  	s17 =	simm.s32 @!p0 $0x4  }
0x85: {  	_ =	swait.ge @!p0 [sflag:s17], $0x4000  }
0x86: {  	[sflag:s17] =	ssyncset.done @!p0 $0x0  }
0x87: {  	[sflag:s17] =	ssyncadd.s32 @!p0 $0xFFFFC000;
	s17 =	simm.s32 @!p0 $0x2  }
0x88: {  	_ =	swait.ge @!p0 [sflag:s17], $0x4000  }
0x89: {  	[sflag:s17] =	ssyncset.done @!p0 $0x0  }
0x8a: {  	[sflag:s17] =	ssyncadd.s32 @!p0 $0xFFFFC000;
	s17 =	simm.s32 @!p0 $0x15400  }
0x8b: {  	[spmem:s2] =	stream.indirect.scatter.add.f32 @!p0 [tilespmem:s16], [sflag:$0x3], $0x80, s17, s15, $0xb8;
	[tilespmem:$0x1D480] =	vst v63  }
0x8c: {  	s31 =	sadd.s32 $0x0, s0;
	s15 =	simm.s32 @!p0 $0x3  }
0x8d: {  	p1 =	sgt.u32 s31, $0xF9;
	_ =	swait.ge @!p0 [sflag:s15], $0x4000  }
0x8e: {  	s18 =	sshrl.u32 @!p1 s8, $0x3;
	[sflag:s15] =	ssyncset.done @!p0 $0x0  }
0x8f: {  	s17 =	simm.s32 @!p1 $0x3;
	[sflag:s15] =	ssyncadd.s32 @!p0 $0xFFFFC000;
	s15 =	sshll.u32 @!p1 s0, $0x6  }
0x90: {  	s16 =	sadd.s32 @!p1 s12, s5;
	[bflag:$0x0] =	sbarrier.arrive $0xFFFF;
	s15 =	sor.u32 @!p1 $0x1C03, s15  }
0x91: {  	[hbm:s16], [sflag:s15] =	dma.local @!p1 [spmem:s18], $0x280  }
0x92: {  	s19 =	sadd.s32 $0x10, s0;
	s18 =	simm.s32 $0x20;
	_ =	swait.ge @!p1 [sflag:s17], $0x280  }
0x93: {  	s15 =	sadd.s32 $0x2800, s12;
	s16 =	sadd.s32 $0x14000, s8;
	[sflag:s17] =	ssyncset.done @!p1 $0x0  }
.LBB2_8:
0x94: {  	[sflag:s17] =	ssyncadd.s32 @!p1 $0xFFFFFD80  }
0x95: {  	p1 =	sgt.u32 s19, $0xF9;
	s19 =	smov.u32 s18;
	s18 =	sadd.s32 $0x10, s18  }
0x96: {  	p2 =	sne.s32 s18, $0x100  }
.Ltmp3:
0x97: {  	s20 =	sshll.u32 @!p1 s0, $0x6;
	s17 =	simm.s32 @!p1 $0x3;
	(pc) =	sbr.rel @p2 .LBB2_8-.Ltmp3, $4  }
0x98: {  	s21 =	sadd.s32 @!p1 s15, s5;
	s22 =	sshrl.u32 @!p1 s16, $0x3;
	s20 =	sor.u32 @!p1 $0x1C03, s20  }
0x99: {  	[hbm:s21], [sflag:s20] =	dma.local @!p1 [spmem:s22], $0x280  }
0x9a: {  	s15 =	sadd.s32 $0x2800, s15;
	_ =	swait.ge @!p1 [sflag:s17], $0x280  }
0x9b: {  	s19 =	sadd.s32 s19, s0;
	s16 =	sadd.s32 $0x14000, s16;
	[sflag:s17] =	ssyncset.done @!p1 $0x0  }
0x9c: {  	p2 =	sgt.u32 s19, $0xF9  }
0x9d: {  	[sflag:s17] =	ssyncadd.s32 @!p1 $0xFFFFFD80;
	s14 =	sadd.s32 $0x1, s14;
	s17 =	sshll.u32 @!p2 s0, $0x6  }
0x9e: {  	s18 =	simm.s32 @!p2 $0x3;
	s15 =	sadd.s32 @!p2 s15, s5;
	p1 =	sne.s32 s14, s6  }
.Ltmp4:
0x9f: {  	s16 =	sshrl.u32 @!p2 s16, $0x3;
	s17 =	sor.u32 @!p2 $0x1C03, s17;
	(pc) =	sbr.rel @p1 .LBB2_1-.Ltmp4, $4  }
0xa0: {  	[hbm:s15], [sflag:s17] =	dma.local @!p2 [spmem:s16], $0x280  }
0xa1: {  	_ =	swait.ge @!p2 [sflag:s18], $0x280  }
0xa2: {  	[sflag:s18] =	ssyncset.done @!p2 $0x0  }
0xa3: {  	[sflag:s18] =	ssyncadd.s32 @!p2 $0xFFFFFD80  }
0xa4: {  	_ =	sfence.sel $0x180000  }
0xa5: {  	[bflag:$0x0] =	sbarrier.arrive $0xFFFF  }
0xa6: {  	p0 =	sne.s32 s0, $0x0;
	_ =	strace $0x90000050  }
0xa7: {  	s0 =	sadd.s32 @!p0 $0x100000, s1;
	[bflag:$0x2] =	sbarrier.arrive $0xFFFF  }
0xa8: {  	[sflag:s0] =	ssyncadd.tile.s32 @!p0 $0x1;
	_ =	shalt  }
.Lfunc_end2:
_tile_overlayer_lowered:
.L_overlay_start_2:
0xa9: {  	(tag) =	ssettag $0x2  }
0xaa: {  	s0 =	rddreg [dreg:$0x0];
	s2 =	stileid.u32  }
0xab: {  	s1 =	rddreg [dreg:$0x1];
	p0 =	sne.s32 s2, $0x0  }
0xac: {  	s3 =	rddreg [dreg:$0x2];
	[bflag:$0x3] =	sbarrier.arrive $0xFFFF;
	s2 =	simm.s32 @!p0 $0x1C03  }
0xad: {  	[timem:s3], [sflag:s2] =	dma.local @!p0 [hbm:s0], s1  }
0xae: {  	s0 =	simm.s32 @!p0 $0x3  }
0xaf: {  	_ =	swait.ge @!p0 [sflag:s0], s1  }
0xb0: {  	s1 =	ssub.s32 @!p0 $0x0, s1;
	[sflag:s0] =	ssyncset.done @!p0 $0x0  }
0xb1: {  	[sflag:s0] =	ssyncadd.s32 @!p0 s1  }
0xb2: {  	[bflag:$0x3] =	sbarrier.arrive $0xFFFF  }
0xb3: {  	_ =	shalt  }

// kernel: kernel.19.cloned.1.call-start
scs
__scs_entry_jumppad:
0x0: {  	(pc) =	sbr.rel $0x88, $3  }
0x1: {  	(tag) =	ssettag $0x0;
	lr =	simm.s32 $0x1  }
0x2: {  	[smem:$0x3F8F] =	sst lr;
	_ =	strace $0xD0000000  }
0x3: {  	_ = 	snop  }
0x4: {  	_ = 	snop  }
0x5: {  	_ = 	snop  }
0x6: {  	_ = 	snop  }
0x7: {  	_ = 	snop  }
__scs_overlays_trampoline_lowered:
0x8: {  	[smem:$0x3F9E] =	sst s0  }
0x9: {  	[smem:$0x3F9F] =	sst s1  }
0xa: {  	[smem:$0x3FA0] =	sst s2  }
0xb: {  	[smem:$0x3FA1] =	sst s3  }
0xc: {  	[smem:$0x3FA2] =	sst s4  }
0xd: {  	[smem:$0x3FA3] =	sst s5  }
0xe: {  	[smem:$0x3FA4] =	sst s6  }
0xf: {  	[smem:$0x3FA5] =	sst s7  }
0x10: {  	[smem:$0x3FA6] =	sst s8  }
0x11: {  	[smem:$0x3FA7] =	sst s9;
	s0 =	simm.s32 @!p0 $0x0  }
0x12: {  	s1 =	sld [smem:$0x3F8D];
	s0 =	simm.s32 @p0 $0x1  }
0x13: {  	[smem:$0x3FA8] =	sst s0;
	s0 =	simm.s32 @!p1 $0x0  }
0x14: {  	s2 =	sld [smem:$0x3F8C];
	s0 =	simm.s32 @p1 $0x1  }
0x15: {  	[smem:$0x3FA9] =	sst s0;
	s0 =	simm.s32 @!p2 $0x0  }
0x16: {  	s3 =	sld [smem:$0x3FDB];
	s0 =	simm.s32 @p2 $0x1  }
0x17: {  	s4 =	simm.s32 $0x1BF5;
	[smem:$0x3FAB] =	sst s0  }
0x18: {  	s0 =	sld [smem:$0x3F8E];
	_ =	swait.ge [sflag:s4], $0x0  }
0x19: {  	s7 =	sld [smem:$0x3F8F]  }
0x1a: {  	s8 =	sadd.s32 $0xFFFFE003, lr  }
0x1b: {  	s9 =	sadd.s32 $0xFFFFFEF7, lr;
	s5 =	simm.s32 $0xFFFFFFFF;
	p2 =	slt.u32 s8, $0xFFFFF086  }
0x1c: {  	p1 =	slt.u32 s9, $0xF7A;
	s5 =	simm.s32 @!p2 $0x0  }
0x1d: {  	s5 =	simm.s32 @p1 $0x1;
	p0 =	seq.s32 s7, s2  }
0x1e: {  	s7 =	smul.u32 @!p0 $0xF7A, s2;
	p2 =	seq.s32 @!p0 s5, $0x0  }
0x1f: {  	s9 =	smul.u32 $0xF7A, s1;
	s8 =	simm.s32 @!p0 $0x1BF5;
	p2 =	por !p2, p0  }
0x20: {  	[sflag:s8] =	ssyncset.s32 @!p0 $0xFFFFF086;
	s6 =	sadd.s32 @!p0 s3, s7;
	s7 =	simm.s32 @!p0 $0x108  }
0x21: {  	s3 =	sadd.s32 s3, s9;
	s6 =	sadd.s32 @!p0 $0x88, s6;
	s7 =	simm.s32 @p2 $0x1082  }
0x22: {  	[simem:s7], [sflag:s8] =	dma.local @!p0 [hbm:s6], $0xF7A  }
0x23: {  	s9 =	sor.u32 $0xD0000000, s2;
	s6 =	simm.s32 $0x108;
	_ =	swait.ge @!p0 [sflag:s8], $0x0  }
0x24: {  	s3 =	sadd.s32 $0x88, s3;
	s6 =	simm.s32 @!p1 $0x1082;
	[sflag:s4] =	ssyncset.s32 $0xFFFFF086  }
0x25: {  	[simem:s6], [sflag:s4] =	dma.local [hbm:s3], $0xF7A  }
0x26: {  	[smem:$0x3F8F] =	sst s1;
	(tag) =	ssettag s2;
	_ =	strace s9  }
0x27: {  	s1 =	sld [smem:$0x3F9F]  }
0x28: {  	s2 =	sld [smem:$0x3FA0]  }
0x29: {  	s4 =	sld [smem:$0x3FA2]  }
0x2a: {  	p0 =	seq.s32 s5, $0x0;
	s5 =	sld [smem:$0x3FA3]  }
0x2b: {  	s6 =	sld [smem:$0x3FA4]  }
0x2c: {  	s7 =	sld [smem:$0x3FA5]  }
0x2d: {  	s3 =	simm.s32 $0x108;
	s8 =	sld [smem:$0x3FA6]  }
0x2e: {  	s3 =	simm.s32 @!p0 $0x1082;
	s9 =	sld [smem:$0x3FA7]  }
0x2f: {  	lr =	sadd.s32 s0, s3;
	s0 =	sld [smem:$0x3F9E]  }
0x30: {  	s3 =	sld [smem:$0x3FA1]  }
0x31: {  	[smem:$0x3FAA] =	sst s10  }
0x32: {  	s10 =	sld [smem:$0x3FA8];
	_ =	sdelay $0x3  }
0x33: {  	p0 =	seq.s32 s10, $0x1;
	s10 =	sld [smem:$0x3FAA];
	_ =	sdelay $0x3  }
0x34: {  	[smem:$0x3FAA] =	sst s10  }
0x35: {  	s10 =	sld [smem:$0x3FA9];
	_ =	sdelay $0x3  }
0x36: {  	p1 =	seq.s32 s10, $0x1;
	s10 =	sld [smem:$0x3FAA];
	_ =	sdelay $0x3  }
0x37: {  	[smem:$0x3FAA] =	sst s10  }
0x38: {  	s10 =	sld [smem:$0x3FAB]  }
0x39: {  	_ = 	snop;
	(pc) =	sbr.ind lr, $3  }
0x3a: {  	_ = 	snop  }
0x3b: {  	_ = 	snop  }
0x3c: {  	p2 =	seq.s32 s10, $0x1;
	s10 =	sld [smem:$0x3FAA]  }
0x3d: {  	_ =	shalt  }
0x3e: {  	_ =	shalt  }
0x3f: {  	_ =	shalt  }
0x40: {  	_ =	shalt  }
0x41: {  	_ =	shalt  }
0x42: {  	_ =	shalt  }
0x43: {  	_ =	shalt  }
0x44: {  	_ =	shalt  }
0x45: {  	_ =	shalt  }
0x46: {  	_ =	shalt  }
0x47: {  	_ =	shalt  }
0x48: {  	_ =	shalt  }
0x49: {  	_ =	shalt  }
0x4a: {  	_ =	shalt  }
0x4b: {  	_ =	shalt  }
0x4c: {  	_ =	shalt  }
0x4d: {  	_ =	shalt  }
0x4e: {  	_ =	shalt  }
0x4f: {  	_ =	shalt  }
0x50: {  	_ =	shalt  }
0x51: {  	_ =	shalt  }
0x52: {  	_ =	shalt  }
0x53: {  	_ =	shalt  }
0x54: {  	_ =	shalt  }
0x55: {  	_ =	shalt  }
0x56: {  	_ =	shalt  }
0x57: {  	_ =	shalt  }
0x58: {  	_ =	shalt  }
0x59: {  	_ =	shalt  }
0x5a: {  	_ =	shalt  }
0x5b: {  	_ =	shalt  }
0x5c: {  	_ =	shalt  }
0x5d: {  	_ =	shalt  }
0x5e: {  	_ =	shalt  }
0x5f: {  	_ =	shalt  }
0x60: {  	_ =	shalt  }
0x61: {  	_ =	shalt  }
0x62: {  	_ =	shalt  }
0x63: {  	_ =	shalt  }
0x64: {  	_ =	shalt  }
0x65: {  	_ =	shalt  }
0x66: {  	_ =	shalt  }
0x67: {  	_ =	shalt  }
0x68: {  	_ =	shalt  }
0x69: {  	_ =	shalt  }
0x6a: {  	_ =	shalt  }
0x6b: {  	_ =	shalt  }
0x6c: {  	_ =	shalt  }
0x6d: {  	_ =	shalt  }
0x6e: {  	_ =	shalt  }
0x6f: {  	_ =	shalt  }
0x70: {  	_ =	shalt  }
0x71: {  	_ =	shalt  }
0x72: {  	_ =	shalt  }
0x73: {  	_ =	shalt  }
0x74: {  	_ =	shalt  }
0x75: {  	_ =	shalt  }
0x76: {  	_ =	shalt  }
0x77: {  	_ =	shalt  }
0x78: {  	_ =	shalt  }
0x79: {  	_ =	shalt  }
0x7a: {  	_ =	shalt  }
0x7b: {  	_ =	shalt  }
0x7c: {  	_ =	shalt  }
0x7d: {  	_ =	shalt  }
0x7e: {  	_ =	shalt  }
0x7f: {  	_ =	shalt  }
0x80: {  	_ =	shalt  }
0x81: {  	_ =	shalt  }
0x82: {  	_ =	shalt  }
0x83: {  	_ =	shalt  }
0x84: {  	_ =	shalt  }
0x85: {  	_ =	shalt  }
0x86: {  	_ =	shalt  }
0x87: {  	_ =	shalt  }
.Lfunc_end0:
.L_simem_size_0:
called_computation.3_lowered:
.L_overlay_start_0:
0x88: {  	s2 =	sld [smem:$0x3FD9]  }
0x89: {  	s3 =	sld [smem:$0x3FFE];
	_ =	sdelay $0x1  }
0x8a: {  	s1 =	srdreg.scid  }
0x8b: {  	s0 =	sand.u32 $0x1, s1  }
0x8c: {  	s15 =	sshll.u32 s0, $0xA;
	s2 =	sadd.s32 s3, s2  }
0x8d: {  	s2 =	sadd.s32 s2, s15  }
0x8e: {  	[smem:$0x3FB6] =	sst s2  }
0x8f: {  	_ = 	snop  }
0x90: {  	s2 =	sld [smem:$0x3FD0];
	_ =	sdelay $0x2  }
0x91: {  	s16 =	simm.s32 $0xB;
	s4 =	simm.s32 $0x10  }
0x92: {  	[smem:s4], [sflag:s16] =	dma.local [hbm:s2], $0x1  }
0x93: {  	_ =	swait.eq [sflag:s16], $0x1  }
0x94: {  	[sflag:s16] =	ssyncset.done $0x0  }
0x95: {  	[sflag:s16] =	ssyncadd.s32 $0xFFFFFFFF  }
0x96: {  	s17 =	sld [smem:$0x12];
	(tm) =	ssettm $0x1  }
0x97: {  	s18 =	sld [smem:$0x3FFB];
	_ =	sdelay $0x3  }
0x98: {  	_ =	strace s18  }
0x99: {  	s2 =	sld [smem:$0x3FFC];
	_ =	sdelay $0x3  }
0x9a: {  	_ =	strace s2  }
0x9b: {  	s2 =	sld [smem:$0x3FFD];
	_ =	sdelay $0x3  }
0x9c: {  	_ =	strace s2  }
0x9d: {  	_ =	strace $0x8FFFFFFF  }
0x9e: {  	s19 =	sld [smem:$0x3FDB];
	_ =	sdelay $0x1  }
0x9f: {  	s20 =	simm.s32 $_scs_section_size  }
0xa0: {  	s5 =	simm.s32 $_size__tile_overlayer_lowered;
	s6 =	simm.s32 $_tile_overlayer_lowered  }
0xa1: {  	s7 =	simm.s32 $0x1BFF;
	s21 =	sshll.u32 s6, $0x1;
	s4 =	sadd.s32 s20, s19  }
0xa2: {  	s22 =	simm.s32 $0x0;
	s5 =	sshll.u32 s5, $0x1;
	s6 =	sadd.s32 s21, s4  }
0xa3: {  	[timem:s22], [sflag:s7] =	dma.local [hbm:s6], s5  }
0xa4: {  	_ =	swait.ge [sflag:s7], s5  }
0xa5: {  	s5 =	ssub.s32 $0x0, s5;
	[sflag:s7] =	ssyncset.done $0x0  }
0xa6: {  	[sflag:s7] =	ssyncadd.s32 s5;
	_ =	sdelay $0x1  }
0xa7: {  	s23 =	simm.s32 $0x1B8B  }
0xa8: {  	_ =	swait.ge [sflag:s23], $0x1  }
0xa9: {  	[sflag:s23] =	ssyncset.done $0x0  }
0xaa: {  	[sflag:s23] =	ssyncadd.s32 $0xFFFFFFFF  }
0xab: {  	s5 =	sld [smem:$0x0]  }
0xac: {  	s6 =	sand.u32 $0xFFFFFFFE, s1  }
0xad: {  	p0 =	sne.s32 s1, s6  }
0xae: {  	s6 =	sshll.u32 @p0 s6, $0xE  }
0xaf: {  	s6 =	sadd.s32 @p0 $0x11B8D, s6;
	s7 =	sshll.u32 @p0 s5, $0x11  }
0xb0: {  	s6 =	sor.u32 @p0 s7, s6  }
0xb1: {  	[sflag:s6] =	ssyncadd.remote.s32 @p0 $0x1;
	_ =	sdelay $0x1  }
0xb2: {  	s6 =	simm.s32 @p0 $0x1B8D  }
0xb3: {  	_ =	swait.eq @p0 [sflag:s6], $0x1  }
0xb4: {  	[sflag:s6] =	ssyncadd.s32 @p0 $0xFFFFFFFF  }
0xb5: {  	s7 =	sshll.u32 @!p0 s1, $0xE  }
0xb6: {  	s7 =	sor.u32 @!p0 $0x4000, s7;
	s6 =	simm.s32 @!p0 $0x1B8D  }
0xb7: {  	s5 =	sshll.u32 @!p0 s5, $0x11;
	s7 =	sadd.s32 @!p0 $0x11B8D, s7;
	_ =	swait.eq @!p0 [sflag:s6], $0x1  }
0xb8: {  	s5 =	sor.u32 @!p0 s5, s7;
	[sflag:s6] =	ssyncadd.s32 @!p0 $0xFFFFFFFF  }
0xb9: {  	s25 =	simm.s32 $0x1B8E;
	s24 =	sld [smem:$0x3FFE];
	[sflag:s5] =	ssyncadd.remote.s32 @!p0 $0x1  }
0xba: {  	s26 =	simm.s32 $execute0_lowered;
	[smem:$0x3FD2] =	sst s25  }
0xbb: {  	s6 =	sshll.u32 s26, $0x1;
	_ =	strace $0x8000004C;
	[dreg:$0x1] =	wrdreg $0xFFFFFFFF  }
0xbc: {  	s28 =	simm.s32 $_size_execute0_lowered;
	s4 =	sadd.s32 s4, s6;
	[dreg:$0x0] =	wrdreg $0x0  }
0xbd: {  	s6 =	sshll.u32 s28, $0x1;
	[dreg:$0x2] =	wrdreg s4  }
0xbe: {  	[dreg:$0x3] =	wrdreg s6  }
0xbf: {  	[dreg:$0x4] =	wrdreg $0xC0  }
0xc0: {  	_ =	task [dreg:s22], $0x5FFFF  }
0xc1: {  	[dreg:$0x1] =	wrdreg $0xFFFFFFFF  }
0xc2: {  	[dreg:$0x0] =	wrdreg $0x60  }
0xc3: {  	[dreg:$0x2] =	wrdreg s17  }
0xc4: {  	[dreg:$0x3] =	wrdreg s24  }
0xc5: {  	[dreg:$0x4] =	wrdreg $0x0  }
0xc6: {  	[dreg:$0x5] =	wrdreg $0xA  }
0xc7: {  	_ =	task.clear_ibuf [dreg:s22], $0x6FFFF;
	_ =	strace $0x9000004C  }
0xc8: {  	s29 =	simm.s32 $0xA;
	_ =	strace $0x8000004E  }
0xc9: {  	_ =	swait.ge [sflag:s29], $0x1  }
0xca: {  	[sflag:s29] =	ssyncadd.s32 $0xFFFFFFFF  }
0xcb: {  	_ =	strace $0x9000004E  }
0xcc: {  	_ =	sfence  }
0xcd: {  	s30 =	sld [smem:$0x0];
	_ =	sdelay $0x2  }
0xce: {  	s31 =	sshll.u32 s1, $0xD;
	s1 =	sshrl.u32 s1, $0x2  }
0xcf: {  	s4 =	sand.u32 $0x4000, s31;
	s1 =	sadd.s32 s1, s30  }
0xd0: {  	s0 =	sor.u32 s4, s0;
	s1 =	sshll.u32 s1, $0x11  }
0xd1: {  	s0 =	sor.u32 s1, s0  }
0xd2: {  	s0 =	sadd.s32 $0x8F2B, s0  }
0xd3: {  	[sflag:s0] =	ssyncadd.remote.s32 $0x1  }
0xd4: {  	_ =	sfence.sel $0xFFFF  }
0xd5: {  	[dreg:$0x0] =	wrdreg $0xFFFFFFFF;
	(pc) =	sbr.abs _section_cstart, $3  }
0xd6: {  	[dreg:$0x1] =	wrdreg $0xFFFFFFFF  }
0xd7: {  	_ =	task.clear_ibuf [dreg:s22], $0x2FFFF;
	_ =	strace $0x9FFFFFFF  }
0xd8: {  	(tm) =	ssettm $0x7FFFFFFF  }
0xd9: {  	_ =	shalt  }
tec
execute0_lowered:
.L_overlay_start_1:
0x0: {  	(tag) =	ssettag $0x1  }
0x1: {  	s1 =	stileid.u32  }
0x2: {  	s6 =	rddreg [dreg:$0x0];
	s7 =	smul.u32 $0xA00, s1  }
0x3: {  	s4 =	rddreg [dreg:$0x1];
	s11 =	smul.u32 $0x5000, s1  }
0x4: {  	s5 =	srdreg.scid;
	s12 =	smul.u32 $0x50000, s1  }
0x5: {  	s2 =	rddreg [dreg:$0x2];
	s8 =	sand.u32 $0x1, s5;
	s29 =	smul.u32 $0xA0, s1  }
0x6: {  	s0 =	rddreg [dreg:$0x3];
	s9 =	smul.u32 $0x27100, s8  }
0x7: {  	s3 =	simm.s32 $0x0;
	s24 =	sshll.u32 s1, $0x1;
	s13 =	smul.u32 $0x28000, s8  }
0x8: {  	[smem:$0x7FF] =	sst s3;
	s14 =	sor.u32 s8, s24;
	s30 =	smul.u32 $0x500, s8  }
0x9: {  	_ =	strace $0x8000004D;
	s25 =	ssub.s32 $0x2, s8;
	s15 =	smul.u32 $0x50, s8  }
0xa: {  	s5 =	smul.u32 $0x28000, s14;
	s10 =	sadd.s32 s7, s4;
	s26 =	sshrl.u32 s25, $0x1  }
0xb: {  	s28 =	sadd.s32 s12, s6;
	s11 =	sshrl.u32 s11, $0x2;
	s12 =	smul.u32 $0x280, s1  }
0xc: {  	p0 =	seq.s32 s14, $0x1F;
	s14 =	simm.s32 $0x0;
	s9 =	sadd.s32 s9, s4  }
0xd: {  	s7 =	ssub.s32 s25, s26;
	s8 =	sadd.s32 s11, s2;
	s31 =	sadd.s32 s30, s10  }
0xe: {  	s10 =	sadd.s32 s15, s29;
	s4 =	sadd.s32 s6, s5;
	s5 =	sadd.s32 $0x5B5000, s9  }
0xf: {  	s6 =	smax.u32 s7, $0x1;
	s9 =	sadd.s32 s13, s28;
	s11 =	sadd.s32 $0x4600, s31  }
0x10: {  	v0 =	vimm.f32 $0.0e+00;
	s13 =	simm.s32 $0x15480;
	s7 =	sadd.s32 $0x27800, s4;
	s9 =	sadd.s32 $0x1000, s9  }
.LBB2_1:
0x11: {  	[tilespmem:s13], [sflag:$0x1] =	stream.linear.gather [hbm4b:s4+s3], $0x4000, $0x38;
	[tilespmem:$0x1D480] =	vst v63  }
0x12: {  	s15 =	simm.s32 $0x70;
	s16 =	simm.s32 $0x3C0  }
.LBB2_2:
0x13: {  	p1 =	sne.s32 s16, $0x4FC0;
	[tilespmem:s15+$0x13880] =	vst v0  }
0x14: {  	[tilespmem:s15+$0x13810] =	vst v0  }
0x15: {  	[tilespmem:s15+$0x13820] =	vst v0  }
.Ltmp0:
0x16: {  	[tilespmem:s15+$0x13830] =	vst v0;
	(pc) =	sbr.rel @p1 .LBB2_2-.Ltmp0, $4  }
0x17: {  	[tilespmem:s15+$0x13840] =	vst v0  }
0x18: {  	[tilespmem:s15+$0x13850] =	vst v0  }
0x19: {  	[tilespmem:s15+$0x13860] =	vst v0  }
0x1a: {  	[tilespmem:s15+$0x13870] =	vst v0;
	s15 =	sshra.s32 s16, $0x2;
	s16 =	sadd.s32 $0x200, s16  }
0x1b: {  	[tilespmem:s15+$0x13880] =	vst v0  }
0x1c: {  	[tilespmem:s15+$0x13810] =	vst v0  }
0x1d: {  	[tilespmem:s15+$0x13820] =	vst v0  }
0x1e: {  	[tilespmem:s15+$0x13830] =	vst v0  }
0x1f: {  	[tilespmem:s15+$0x13840] =	vst v0  }
0x20: {  	[tilespmem:s15+$0x13850] =	vst v0;
	s16 =	sadd.s32 $0x0, s1  }
0x21: {  	[tilespmem:s15+$0x13860] =	vst v0;
	p1 =	sgt.u32 s16, $0xF9  }
0x22: {  	[tilespmem:s15+$0x13870] =	vst v0;
	s15 =	simm.s32 @!p1 $0x13880;
	s18 =	simm.s32 @!p1 $0x3  }
0x23: {  	[spmem:s8] =	stream.linear.scatter @!p1 [tilespmem:s15], [sflag:$0x3], $0x1400, $0x38;
	[tilespmem:$0x1D480] =	vst v63  }
0x24: {  	s17 =	simm.s32 $0x20;
	_ =	swait.ge @!p1 [sflag:s18], $0x1400  }
0x25: {  	s16 =	simm.s32 $0x10;
	s15 =	sadd.s32 $0x14000, s8;
	[sflag:s18] =	ssyncset.done @!p1 $0x0  }
.LBB2_4:
0x26: {  	s19 =	sadd.s32 s16, s1;
	s16 =	smov.u32 s17;
	s17 =	sadd.s32 $0x10, s17  }
0x27: {  	[sflag:s18] =	ssyncadd.s32 @!p1 $0xFFFFEC00;
	p2 =	sne.s32 s17, $0x100  }
.Ltmp1:
0x28: {  	p1 =	sgt.u32 s19, $0xF9;
	(pc) =	sbr.rel @p2 .LBB2_4-.Ltmp1, $4  }
0x29: {  	s19 =	simm.s32 @!p1 $0x13880;
	s18 =	simm.s32 @!p1 $0x3  }
0x2a: {  	[spmem:s15] =	stream.linear.scatter @!p1 [tilespmem:s19], [sflag:$0x3], $0x1400, $0x38;
	[tilespmem:$0x1D480] =	vst v63  }
0x2b: {  	_ =	swait.ge @!p1 [sflag:s18], $0x1400  }
0x2c: {  	s15 =	sadd.s32 $0x14000, s15;
	[sflag:s18] =	ssyncset.done @!p1 $0x0  }
0x2d: {  	s16 =	sadd.s32 s16, s1  }
0x2e: {  	p2 =	sgt.u32 s16, $0xF9  }
0x2f: {  	[sflag:s18] =	ssyncadd.s32 @!p1 $0xFFFFEC00;
	s16 =	simm.s32 @!p2 $0x13880  }
0x30: {  	[spmem:s15] =	stream.linear.scatter @!p2 [tilespmem:s16], [sflag:$0x3], $0x1400, $0x38;
	[tilespmem:$0x1D480] =	vst v63  }
0x31: {  	s17 =	sadd.s32 $0x0, s10;
	s16 =	simm.s32 @!p2 $0x3  }
0x32: {  	p1 =	sgt.u32 s17, $0x9C3;
	s15 =	simm.s32 $0x0;
	_ =	swait.ge @!p2 [sflag:s16], $0x1400  }
0x33: {  	s17 =	sand.u32 @!p1 $0xE, s15;
	[sflag:s16] =	ssyncset.done @!p2 $0x0  }
0x34: {  	[sflag:s16] =	ssyncadd.s32 @!p2 $0xFFFFEC00;
	p2 =	sne.s32 @!p1 s17, $0x0  }
0x35: {  	[bflag:$0x0] =	sbarrier.arrive $0xFFFF;
	p2 =	por p2, p1  }
0x36: {  	s16 =	simm.s32 @!p2 $0x0;
	s18 =	simm.s32 @!p2 $0x14C80;
	s19 =	simm.s32 @!p2 $0x4  }
0x37: {  	[tilespmem:s18], [sflag:$0x4] =	stream.linear.gather @!p2 [hbm4b:s11+s16], $0x800, $0x38;
	[tilespmem:$0x1D480] =	vst v63  }
0x38: {  	s24 =	sadd.s32 $0x2, s10;
	s16 =	sadd.s32 @!p1 $0x0, s10;
	_ =	swait.ge @!p2 [sflag:s19], $0x800  }
0x39: {  	s21 =	simm.s32 @!p1 $0x4;
	s18 =	sadd.s32 @!p1 $0x1, s16;
	[sflag:s19] =	ssyncset.done @!p2 $0x0  }
0x3a: {  	p3 =	sgt.u32 @!p1 s18, $0x9C3;
	s18 =	simm.s32 @!p1 $0x1;
	[sflag:s19] =	ssyncadd.s32 @!p2 $0xFFFFF800  }
0x3b: {  	s17 =	sshll.u32 @!p1 s17, $0x7;
	p2 =	por p3, p1;
	_ =	swait.ge @!p1 [sflag:s18], $0x4000  }
0x3c: {  	s17 =	sadd.s32 @!p1 $0x14C80, s17;
	s19 =	simm.s32 @!p2 $0x19480;
	[sflag:s18] =	ssyncset.done @!p1 $0x0  }
0x3d: {  	s20 =	simm.s32 @!p2 $0x0;
	[sflag:s18] =	ssyncadd.s32 @!p1 $0xFFFFC000;
	s18 =	sadd.s32 @!p2 $0xFFFFF800, s9  }
0x3e: {  	[tilespmem:s19], [sflag:$0x2] =	stream.linear.gather @!p2 [hbm4b:s18+s20], $0x4000, $0x38;
	[tilespmem:$0x1D480] =	vst v63  }
0x3f: {  	s16 =	sadd.s32 @!p1 $0x2, s16;
	s20 =	simm.s32 @!p1 $0x80;
	s18 =	simm.s32 @!p1 $0x15480  }
0x40: {  	[spmem:s2] =	stream.indirect.scatter.add.f32 @!p1 [tilespmem:s18], [sflag:$0x4], $0x80, s17, s20, $0xb8;
	[tilespmem:$0x1D480] =	vst v63  }
0x41: {  	s23 =	simm.s32 @!p1 $0x19480;
	p3 =	sgt.u32 @!p1 s16, $0x9C3;
	_ =	swait.ge @!p1 [sflag:s21], $0x4000  }
0x42: {  	p3 =	por p3, p1;
	p2 =	por p1, p1;
	[sflag:s21] =	ssyncset.done @!p1 $0x0  }
0x43: {  	s19 =	simm.s32 $0x2;
	s17 =	simm.s32 @!p2 $0x2;
	[sflag:s21] =	ssyncadd.s32 @!p2 $0xFFFFC000  }
0x44: {  	s22 =	simm.s32 @!p2 $0x3;
	s18 =	sand.u32 @!p1 $0x1C00, s15;
	_ =	swait.ge @!p2 [sflag:s17], $0x4000  }
0x45: {  	s16 =	sshrl.u32 @!p1 s18, $0x2;
	s18 =	simm.s32 @!p3 $0x15480;
	[sflag:s17] =	ssyncset.done @!p2 $0x0  }
0x46: {  	s21 =	sadd.s32 @!p1 $0x14D00, s16;
	[sflag:s17] =	ssyncadd.s32 @!p2 $0xFFFFC000;
	s17 =	simm.s32 @!p3 $0x0  }
0x47: {  	[tilespmem:s18], [sflag:$0x1] =	stream.linear.gather @!p3 [hbm4b:s9+s17], $0x4000, $0x38;
	[tilespmem:$0x1D480] =	vst v63  }
0x48: {  	s16 =	smov.u32 s9;
	s18 =	simm.s32 $0x4;
	s17 =	sadd.s32 $0x20, s11  }
.LBB2_6:
0x49: {  	s15 =	sadd.s32 $0x400, s15  }
0x4a: {  	s16 =	sadd.s32 $0x1000, s16;
	s25 =	smov.u32 s18;
	s18 =	sadd.s32 $0x2, s18  }
0x4b: {  	[spmem:s2] =	stream.indirect.scatter.add.f32 @!p2 [tilespmem:s23], [sflag:$0x3], $0x80, s21, s20, $0xb8;
	[tilespmem:$0x1D480] =	vst v63  }
0x4c: {  	p3 =	sgt.u32 s24, $0x9C3;
	p1 =	sne.s32 s18, $0x4E;
	_ =	swait.ge @!p2 [sflag:s22], $0x4000  }
0x4d: {  	s20 =	sand.u32 @!p3 $0xE, s19;
	s19 =	sadd.s32 @!p3 s19, s10;
	[sflag:s22] =	ssyncset.done @!p2 $0x0  }
0x4e: {  	p4 =	sne.s32 @!p3 s20, $0x0;
	s21 =	sadd.s32 @!p3 $0x1, s19;
	[sflag:s22] =	ssyncadd.s32 @!p2 $0xFFFFC000  }
0x4f: {  	s20 =	sshll.u32 @!p3 s20, $0x7;
	p4 =	por p4, p3;
	p2 =	sgt.u32 @!p3 s21, $0x9C3  }
0x50: {  	s21 =	simm.s32 @!p4 $0x0;
	s22 =	simm.s32 @!p4 $0x14C80;
	s23 =	simm.s32 @!p4 $0x4  }
0x51: {  	[tilespmem:s22], [sflag:$0x4] =	stream.linear.gather @!p4 [hbm4b:s17+s21], $0x800, $0x38;
	[tilespmem:$0x1D480] =	vst v63  }
0x52: {  	p2 =	por p2, p3;
	s22 =	sadd.s32 @!p3 $0x14C80, s20;
	_ =	swait.ge @!p4 [sflag:s23], $0x800  }
0x53: {  	s19 =	sadd.s32 @!p3 $0x2, s19;
	s20 =	sand.u32 @!p3 $0x1C00, s15;
	[sflag:s23] =	ssyncset.done @!p4 $0x0  }
0x54: {  	[sflag:s23] =	ssyncadd.s32 @!p4 $0xFFFFF800;
	s23 =	simm.s32 @!p3 $0x1;
	p4 =	sgt.u32 @!p3 s19, $0x9C3  }
0x55: {  	s19 =	sshrl.u32 @!p3 s20, $0x2;
	_ =	swait.ge @!p3 [sflag:s23], $0x4000;
	p4 =	por p4, p3  }
0x56: {  	s20 =	simm.s32 @!p2 $0x19480;
	s21 =	sadd.s32 @!p3 $0x14D00, s19;
	[sflag:s23] =	ssyncset.done @!p3 $0x0  }
0x57: {  	s19 =	sadd.s32 @!p2 $0xFFFFF800, s16;
	[sflag:s23] =	ssyncadd.s32 @!p3 $0xFFFFC000;
	s23 =	simm.s32 @!p2 $0x0  }
0x58: {  	[tilespmem:s20], [sflag:$0x2] =	stream.linear.gather @!p2 [hbm4b:s19+s23], $0x4000, $0x38;
	[tilespmem:$0x1D480] =	vst v63  }
0x59: {  	s24 =	simm.s32 @!p3 $0x4;
	s20 =	simm.s32 @!p3 $0x80;
	s19 =	simm.s32 @!p3 $0x15480  }
0x5a: {  	[spmem:s2] =	stream.indirect.scatter.add.f32 @!p3 [tilespmem:s19], [sflag:$0x4], $0x80, s22, s20, $0xb8;
	[tilespmem:$0x1D480] =	vst v63  }
0x5b: {  	s23 =	simm.s32 @!p3 $0x19480;
	s19 =	smov.u32 s25;
	_ =	swait.ge @!p3 [sflag:s24], $0x4000  }
0x5c: {  	p2 =	por p3, p3;
	[sflag:s24] =	ssyncset.done @!p3 $0x0  }
.Ltmp2:
0x5d: {  	s25 =	simm.s32 @!p2 $0x2;
	[sflag:s24] =	ssyncadd.s32 @!p2 $0xFFFFC000;
	(pc) =	sbr.rel @p1 .LBB2_6-.Ltmp2, $4  }
0x5e: {  	s17 =	sadd.s32 $0x20, s17;
	_ =	swait.ge @!p2 [sflag:s25], $0x4000  }
0x5f: {  	s22 =	simm.s32 @!p2 $0x3;
	s24 =	sadd.s32 s19, s10;
	[sflag:s25] =	ssyncset.done @!p2 $0x0  }
0x60: {  	s26 =	simm.s32 @!p4 $0x15480;
	[sflag:s25] =	ssyncadd.s32 @!p2 $0xFFFFC000;
	s25 =	simm.s32 @!p4 $0x0  }
0x61: {  	[tilespmem:s26], [sflag:$0x1] =	stream.linear.gather @!p4 [hbm4b:s16+s25], $0x4000, $0x38;
	[tilespmem:$0x1D480] =	vst v63  }
0x62: {  	[spmem:s2] =	stream.indirect.scatter.add.f32 @!p2 [tilespmem:s23], [sflag:$0x3], $0x80, s21, s20, $0xb8;
	[tilespmem:$0x1D480] =	vst v63  }
0x63: {  	p1 =	sgt.u32 s24, $0x9C3  }
0x64: {  	_ =	swait.ge @!p2 [sflag:s22], $0x4000;
	s18 =	sand.u32 @!p1 $0xE, s19  }
0x65: {  	[sflag:s22] =	ssyncset.done @!p2 $0x0;
	p3 =	sne.s32 @!p1 s18, $0x0  }
0x66: {  	[sflag:s22] =	ssyncadd.s32 @!p2 $0xFFFFC000;
	p2 =	por p3, p1  }
0x67: {  	s20 =	simm.s32 @!p2 $0x0;
	s21 =	simm.s32 @!p2 $0x14C80;
	s22 =	simm.s32 @!p2 $0x4  }
0x68: {  	[tilespmem:s21], [sflag:$0x4] =	stream.linear.gather @!p2 [hbm4b:s17+s20], $0x800, $0x38;
	[tilespmem:$0x1D480] =	vst v63  }
0x69: {  	s17 =	sadd.s32 @!p1 s19, s10;
	_ =	swait.ge @!p2 [sflag:s22], $0x800  }
0x6a: {  	s16 =	sadd.s32 $0x1000, s16;
	s19 =	sadd.s32 @!p1 $0x1, s17;
	[sflag:s22] =	ssyncset.done @!p2 $0x0  }
0x6b: {  	p3 =	sgt.u32 @!p1 s19, $0x9C3;
	s19 =	simm.s32 @!p1 $0x1;
	[sflag:s22] =	ssyncadd.s32 @!p2 $0xFFFFF800  }
0x6c: {  	s18 =	sshll.u32 @!p1 s18, $0x7;
	p2 =	por p3, p1;
	_ =	swait.ge @!p1 [sflag:s19], $0x4000  }
0x6d: {  	s18 =	sadd.s32 @!p1 $0x14C80, s18;
	s20 =	simm.s32 @!p2 $0x19480;
	[sflag:s19] =	ssyncset.done @!p1 $0x0  }
0x6e: {  	s21 =	simm.s32 @!p2 $0x0;
	[sflag:s19] =	ssyncadd.s32 @!p1 $0xFFFFC000;
	s19 =	sadd.s32 @!p2 $0xFFFFF800, s16  }
0x6f: {  	[tilespmem:s20], [sflag:$0x2] =	stream.linear.gather @!p2 [hbm4b:s19+s21], $0x4000, $0x38;
	[tilespmem:$0x1D480] =	vst v63  }
0x70: {  	s19 =	simm.s32 @!p1 $0x80;
	s20 =	simm.s32 @!p1 $0x15480;
	s21 =	simm.s32 @!p1 $0x4  }
0x71: {  	[spmem:s2] =	stream.indirect.scatter.add.f32 @!p1 [tilespmem:s20], [sflag:$0x4], $0x80, s18, s19, $0xb8;
	[tilespmem:$0x1D480] =	vst v63  }
0x72: {  	_ =	swait.ge @!p1 [sflag:s21], $0x4000  }
0x73: {  	s15 =	sadd.s32 $0x400, s15;
	p2 =	por p1, p1;
	[sflag:s21] =	ssyncset.done @!p1 $0x0  }
0x74: {  	s17 =	sadd.s32 @!p1 $0x2, s17;
	s18 =	simm.s32 @!p2 $0x2;
	[sflag:s21] =	ssyncadd.s32 @!p2 $0xFFFFC000  }
0x75: {  	s15 =	sand.u32 @!p1 $0x1C00, s15;
	p3 =	sgt.u32 @!p1 s17, $0x9C3;
	_ =	swait.ge @!p2 [sflag:s18], $0x4000  }
0x76: {  	s15 =	sshrl.u32 @!p1 s15, $0x2;
	p3 =	por p3, p1;
	[sflag:s18] =	ssyncset.done @!p2 $0x0  }
0x77: {  	s17 =	simm.s32 @!p3 $0x0;
	[sflag:s18] =	ssyncadd.s32 @!p2 $0xFFFFC000;
	s18 =	simm.s32 @!p3 $0x15480  }
0x78: {  	[tilespmem:s18], [sflag:$0x1] =	stream.linear.gather @!p3 [hbm4b:s16+s17], $0x4000, $0x38;
	[tilespmem:$0x1D480] =	vst v63  }
0x79: {  	s15 =	sadd.s32 @!p1 $0x14D00, s15;
	s16 =	simm.s32 @!p1 $0x19480;
	s17 =	simm.s32 @!p2 $0x3  }
0x7a: {  	[spmem:s2] =	stream.indirect.scatter.add.f32 @!p2 [tilespmem:s16], [sflag:$0x3], $0x80, s15, s19, $0xb8;
	[tilespmem:$0x1D480] =	vst v63  }
0x7b: {  	_ =	swait.ge @!p2 [sflag:s17], $0x4000  }
0x7c: {  	[sflag:s17] =	ssyncset.done @!p2 $0x0  }
0x7d: {  	s15 =	simm.s32 @!p0 $0x1;
	[sflag:s17] =	ssyncadd.s32 @!p2 $0xFFFFC000  }
0x7e: {  	_ =	swait.ge @!p0 [sflag:s15], $0x4000  }
0x7f: {  	[sflag:s15] =	ssyncset.done @!p0 $0x0  }
0x80: {  	s16 =	simm.s32 @!p0 $0x19480;
	[sflag:s15] =	ssyncadd.s32 @!p0 $0xFFFFC000;
	s15 =	simm.s32 @!p0 $0x0  }
0x81: {  	[tilespmem:s16], [sflag:$0x2] =	stream.linear.gather @!p0 [hbm4b:s7+s15], $0x4000, $0x38;
	[tilespmem:$0x1D480] =	vst v63  }
0x82: {  	s18 =	simm.s32 @!p0 $0x15480;
	s17 =	simm.s32 @!p0 $0x15380;
	s15 =	simm.s32 @!p0 $0x80  }
0x83: {  	[spmem:s2] =	stream.indirect.scatter.add.f32 @!p0 [tilespmem:s18], [sflag:$0x4], $0x80, s17, s15, $0xb8;
	[tilespmem:$0x1D480] =	vst v63  }
0x84: {  	s17 =	simm.s32 @!p0 $0x4  }
0x85: {  	_ =	swait.ge @!p0 [sflag:s17], $0x4000  }
0x86: {  	[sflag:s17] =	ssyncset.done @!p0 $0x0  }
0x87: {  	[sflag:s17] =	ssyncadd.s32 @!p0 $0xFFFFC000;
	s17 =	simm.s32 @!p0 $0x2  }
0x88: {  	_ =	swait.ge @!p0 [sflag:s17], $0x4000  }
0x89: {  	[sflag:s17] =	ssyncset.done @!p0 $0x0  }
0x8a: {  	[sflag:s17] =	ssyncadd.s32 @!p0 $0xFFFFC000;
	s17 =	simm.s32 @!p0 $0x15400  }
0x8b: {  	[spmem:s2] =	stream.indirect.scatter.add.f32 @!p0 [tilespmem:s16], [sflag:$0x3], $0x80, s17, s15, $0xb8;
	[tilespmem:$0x1D480] =	vst v63  }
0x8c: {  	s31 =	sadd.s32 $0x0, s1;
	s15 =	simm.s32 @!p0 $0x3  }
0x8d: {  	p1 =	sgt.u32 s31, $0xF9;
	_ =	swait.ge @!p0 [sflag:s15], $0x4000  }
0x8e: {  	s18 =	sshrl.u32 @!p1 s8, $0x3;
	[sflag:s15] =	ssyncset.done @!p0 $0x0  }
0x8f: {  	s17 =	simm.s32 @!p1 $0x3;
	[sflag:s15] =	ssyncadd.s32 @!p0 $0xFFFFC000;
	s15 =	sshll.u32 @!p1 s1, $0x6  }
0x90: {  	s16 =	sadd.s32 @!p1 s12, s5;
	[bflag:$0x0] =	sbarrier.arrive $0xFFFF;
	s15 =	sor.u32 @!p1 $0x1C03, s15  }
0x91: {  	[hbm:s16], [sflag:s15] =	dma.local @!p1 [spmem:s18], $0x280  }
0x92: {  	s19 =	sadd.s32 $0x10, s1;
	s18 =	simm.s32 $0x20;
	_ =	swait.ge @!p1 [sflag:s17], $0x280  }
0x93: {  	s15 =	sadd.s32 $0x2800, s12;
	s16 =	sadd.s32 $0x14000, s8;
	[sflag:s17] =	ssyncset.done @!p1 $0x0  }
.LBB2_8:
0x94: {  	[sflag:s17] =	ssyncadd.s32 @!p1 $0xFFFFFD80  }
0x95: {  	p1 =	sgt.u32 s19, $0xF9;
	s19 =	smov.u32 s18;
	s18 =	sadd.s32 $0x10, s18  }
0x96: {  	p2 =	sne.s32 s18, $0x100  }
.Ltmp3:
0x97: {  	s20 =	sshll.u32 @!p1 s1, $0x6;
	s17 =	simm.s32 @!p1 $0x3;
	(pc) =	sbr.rel @p2 .LBB2_8-.Ltmp3, $4  }
0x98: {  	s21 =	sadd.s32 @!p1 s15, s5;
	s22 =	sshrl.u32 @!p1 s16, $0x3;
	s20 =	sor.u32 @!p1 $0x1C03, s20  }
0x99: {  	[hbm:s21], [sflag:s20] =	dma.local @!p1 [spmem:s22], $0x280  }
0x9a: {  	s15 =	sadd.s32 $0x2800, s15;
	_ =	swait.ge @!p1 [sflag:s17], $0x280  }
0x9b: {  	s19 =	sadd.s32 s19, s1;
	s16 =	sadd.s32 $0x14000, s16;
	[sflag:s17] =	ssyncset.done @!p1 $0x0  }
0x9c: {  	p2 =	sgt.u32 s19, $0xF9  }
0x9d: {  	[sflag:s17] =	ssyncadd.s32 @!p1 $0xFFFFFD80;
	s14 =	sadd.s32 $0x1, s14;
	s17 =	sshll.u32 @!p2 s1, $0x6  }
0x9e: {  	s18 =	simm.s32 @!p2 $0x3;
	s15 =	sadd.s32 @!p2 s15, s5;
	p1 =	sne.s32 s14, s6  }
.Ltmp4:
0x9f: {  	s16 =	sshrl.u32 @!p2 s16, $0x3;
	s17 =	sor.u32 @!p2 $0x1C03, s17;
	(pc) =	sbr.rel @p1 .LBB2_1-.Ltmp4, $4  }
0xa0: {  	[hbm:s15], [sflag:s17] =	dma.local @!p2 [spmem:s16], $0x280  }
0xa1: {  	_ =	swait.ge @!p2 [sflag:s18], $0x280  }
0xa2: {  	[sflag:s18] =	ssyncset.done @!p2 $0x0  }
0xa3: {  	[sflag:s18] =	ssyncadd.s32 @!p2 $0xFFFFFD80  }
0xa4: {  	_ =	sfence.sel $0x180000  }
0xa5: {  	[bflag:$0x0] =	sbarrier.arrive $0xFFFF  }
0xa6: {  	p0 =	sne.s32 s1, $0x0;
	_ =	strace $0x9000004D  }
0xa7: {  	s0 =	sadd.s32 @!p0 $0x100000, s0;
	[bflag:$0x2] =	sbarrier.arrive $0xFFFF  }
0xa8: {  	[sflag:s0] =	ssyncadd.tile.s32 @!p0 $0x1;
	_ =	shalt  }
.Lfunc_end2:
_tile_overlayer_lowered:
.L_overlay_start_2:
0xa9: {  	(tag) =	ssettag $0x2  }
0xaa: {  	s0 =	rddreg [dreg:$0x0];
	s2 =	stileid.u32  }
0xab: {  	s1 =	rddreg [dreg:$0x1];
	p0 =	sne.s32 s2, $0x0  }
0xac: {  	s3 =	rddreg [dreg:$0x2];
	[bflag:$0x3] =	sbarrier.arrive $0xFFFF;
	s2 =	simm.s32 @!p0 $0x1C03  }
0xad: {  	[timem:s3], [sflag:s2] =	dma.local @!p0 [hbm:s0], s1  }
0xae: {  	s0 =	simm.s32 @!p0 $0x3  }
0xaf: {  	_ =	swait.ge @!p0 [sflag:s0], s1  }
0xb0: {  	s1 =	ssub.s32 @!p0 $0x0, s1;
	[sflag:s0] =	ssyncset.done @!p0 $0x0  }
0xb1: {  	[sflag:s0] =	ssyncadd.s32 @!p0 s1  }
0xb2: {  	[bflag:$0x3] =	sbarrier.arrive $0xFFFF  }
0xb3: {  	_ =	shalt  }

</sc_bundles>
